<compile_context>
chip_gen: v7x
topology: tpu7x:2x2x1
jax: 0.10.2.dev20260603
libtpu: 0.0.44.dev20260713+nightly
codegen_flags: <defaults>
</compile_context>

<pallas_src>
import functools

import jax
import jax.numpy as jnp
from jax import lax
from jax.experimental import pallas as pl
from jax.experimental.pallas import tpu as pltpu
from jax.experimental.pallas import tpu_sc as plsc

N_NODES = 10000
N_PAD = 10240
E = 320000
NC, NS = 2, 16
NW = NC * NS
E_W = 10240
E_PAD = NW * E_W
C = 128
NCH = E_W // C
ROWS_T = N_PAD // NS
W_DEG = 8
WIDE = 128

_mesh = lambda: plsc.VectorSubcoreMesh(
    core_axis_name="c", subcore_axis_name="s", num_cores=NC, num_subcores=NS)

_sc_params = pltpu.CompilerParams(use_tc_tiling_on_sc=False)
_sc_params_nl = pltpu.CompilerParams(
    use_tc_tiling_on_sc=False, needs_layout_passes=False)


def _sc_degree(dst_g, zeros_deg, ones_rows):

  @functools.partial(
      pl.kernel,
      out_type=jax.ShapeDtypeStruct((NC, N_PAD // C, C), jnp.float32),
      mesh=_mesh(),
      compiler_params=_sc_params_nl,
      scratch_types=[
          pltpu.VMEM((NCH, C), jnp.int32),
          pltpu.VMEM((C, W_DEG), jnp.float32),
          pltpu.VMEM((ROWS_T, W_DEG), jnp.float32),
          pltpu.VMEM((ROWS_T // C, C), jnp.float32),
          pltpu.VMEM_SHARED((N_PAD, W_DEG), jnp.float32),
      ],
  )
  def k(dst_hbm, zeros_hbm, ones_hbm, out_hbm, dst_v, ones_v, cin, cout, acc):
    c = lax.axis_index("c")
    s = lax.axis_index("s")
    w = s * NC + c
    pltpu.sync_copy(dst_hbm.at[w], dst_v)
    pltpu.sync_copy(ones_hbm, ones_v)
    sl = pl.ds(s * ROWS_T, ROWS_T)
    pltpu.sync_copy(zeros_hbm.at[sl], acc.at[sl])
    plsc.subcore_barrier()

    def step(j, carry):
      pltpu.sync_copy(ones_v, acc.at[dst_v.at[j]], add=True)
      return carry

    lax.fori_loop(0, NCH, step, 0)
    plsc.subcore_barrier()
    pltpu.sync_copy(acc.at[sl], cin)
    iota16 = lax.iota(jnp.int32, 16)
    zeros16 = jnp.zeros((16,), jnp.int32)

    for t in range(ROWS_T // 16):
      vals = plsc.load_gather(cin, [t * 16 + iota16, zeros16])
      cout[t // 8, pl.ds((t % 8) * 16, 16)] = vals
    pltpu.sync_copy(cout, out_hbm.at[c, pl.ds(s * (ROWS_T // C), ROWS_T // C)])

  return k(dst_g, zeros_deg, ones_rows)


def _make_sc_propagate(Dg):

  @functools.partial(
      pl.kernel,
      out_type=jax.ShapeDtypeStruct((NC, N_PAD, WIDE), jnp.float32),
      mesh=_mesh(),
      compiler_params=_sc_params,
      scratch_types=[
          pltpu.VMEM((NCH, C), jnp.int32),
          pltpu.VMEM((NCH, C), jnp.int32),
          [pltpu.VMEM((C, Dg), jnp.float32) for _ in range(4)],
          pltpu.VMEM_SHARED((N_PAD, Dg), jnp.float32),
          [pltpu.SemaphoreType.DMA for _ in range(4)],
          [pltpu.SemaphoreType.DMA for _ in range(4)],
      ],
  )
  def k(h_hbm, src_hbm, dst_hbm, zeros_hbm, out_hbm,
        src_v, dst_v, bufs, acc, gsems, ssems):
    c = lax.axis_index("c")
    s = lax.axis_index("s")
    w = s * NC + c
    pltpu.sync_copy(src_hbm.at[w], src_v)
    pltpu.sync_copy(dst_hbm.at[w], dst_v)
    sl = pl.ds(s * ROWS_T, ROWS_T)
    pltpu.sync_copy(zeros_hbm.at[sl], acc.at[sl])
    plsc.subcore_barrier()

    def gather(j, b):
      pltpu.async_copy(h_hbm.at[src_v.at[j]], bufs[b], gsems[b])

    gather(0, 0)
    gather(1, 1)

    def step(i, carry):
      for u in range(4):
        kk = 4 * i + u
        pltpu.make_async_copy(h_hbm.at[src_v.at[kk]], bufs[u], gsems[u]).wait()
        pltpu.async_copy(bufs[u], acc.at[dst_v.at[kk]], ssems[u], add=True)

        @pl.when(kk + 2 < NCH)
        def _():
          @pl.when(kk >= 2)
          def _():
            pltpu.make_async_copy(
                bufs[(u + 2) % 4], acc.at[dst_v.at[kk - 2]],
                ssems[(u + 2) % 4]).wait()
          gather(kk + 2, (u + 2) % 4)

      return carry

    lax.fori_loop(0, NCH // 4, step, 0)
    for j in (NCH - 4, NCH - 3, NCH - 2, NCH - 1):
      pltpu.make_async_copy(
          bufs[j % 4], acc.at[dst_v.at[j]], ssems[j % 4]).wait()
    plsc.subcore_barrier()
    pltpu.sync_copy(acc.at[sl], out_hbm.at[c, sl, pl.ds(0, Dg)])

  return k


def _tc_prep(x_pad, W1):
  d1 = W1.shape[1]

  def body(x_ref, w_ref, h_ref):
    h_ref[:, :d1] = jnp.dot(x_ref[...], w_ref[...],
                            preferred_element_type=jnp.float32)
    h_ref[:, d1:] = jnp.zeros((N_PAD, WIDE - d1), jnp.float32)

  return pl.pallas_call(
      body,
      out_shape=jax.ShapeDtypeStruct((N_PAD, WIDE), jnp.float32),
  )(x_pad, W1)


def _tc_combine_matmul(p, hp_w, dis, b2d, W, d_in):
  dout = W.shape[1]

  def body(p_ref, hp_ref, dis_ref, b_ref, w_ref, o_ref):
    dis = dis_ref[...]
    z = dis * (p_ref[0, :, :d_in] + p_ref[1, :, :d_in]
               + hp_ref[:, :d_in]) + b_ref[...]
    z = jnp.maximum(z, 0.0)
    o_ref[:, :dout] = jnp.dot(z, w_ref[...],
                              preferred_element_type=jnp.float32) * dis
    o_ref[:, dout:] = jnp.zeros((N_PAD, WIDE - dout), jnp.float32)

  return pl.pallas_call(
      body,
      out_shape=jax.ShapeDtypeStruct((N_PAD, WIDE), jnp.float32),
  )(p, hp_w, dis, b2d, W)


def _tc_final(p, hp_w, dis, b2d, dout):

  def body(p_ref, hp_ref, dis_ref, b_ref, o_ref):
    z = (dis_ref[...] * (p_ref[0, :, :dout] + p_ref[1, :, :dout]
                         + hp_ref[:, :dout]) + b_ref[...])
    m = jnp.max(z, axis=1, keepdims=True)
    e = jnp.exp(z - m)
    lse = jnp.log(jnp.sum(e, axis=1, keepdims=True)) + m
    o_ref[...] = z - lse

  return pl.pallas_call(
      body,
      out_shape=jax.ShapeDtypeStruct((N_PAD, dout), jnp.float32),
  )(p, hp_w, dis, b2d)


def kernel(x, edge_index, W1, b1, W2, b2, W3, b3):
  src = edge_index[0].astype(jnp.int32)
  dst = edge_index[1].astype(jnp.int32)
  n_pad_edges = E_PAD - E
  pad_idx = (N_NODES
             + jnp.arange(n_pad_edges, dtype=jnp.int32) % (N_PAD - N_NODES))
  src_p = jnp.concatenate([src, pad_idx])
  dst_g = jnp.concatenate([dst, pad_idx]).reshape(NW, NCH, C)
  src_g2 = (src_p * 2).reshape(NW, NCH, C)
  src_g4 = (src_p * 4).reshape(NW, NCH, C)

  x_pad = jnp.pad(x, ((0, N_PAD - N_NODES), (0, 0)))
  d1, d2, d3 = W1.shape[1], W2.shape[1], W3.shape[1]

  zeros_deg = jnp.zeros((N_PAD, W_DEG), jnp.float32)
  ones_rows = jnp.ones((C, W_DEG), jnp.float32)
  deg_c = _sc_degree(dst_g, zeros_deg, ones_rows)
  m1w = _tc_prep(x_pad, W1)

  dis = lax.rsqrt(deg_c[0] + deg_c[1] + 1.0).reshape(N_PAD)[:, None]
  h1w = m1w * dis
  zeros64 = jnp.zeros((N_PAD, 64), jnp.float32)
  zeros32 = jnp.zeros((N_PAD, 32), jnp.float32)

  prop64 = _make_sc_propagate(64)
  prop32 = _make_sc_propagate(32)

  p1 = prop64(h1w.reshape(2 * N_PAD, 64), src_g2, dst_g, zeros64)
  h2w = _tc_combine_matmul(p1, h1w, dis, b1.reshape(1, d1), W2, d1)

  p2 = prop32(h2w.reshape(4 * N_PAD, 32), src_g4, dst_g, zeros32)
  h3w = _tc_combine_matmul(p2, h2w, dis, b2.reshape(1, d2), W3, d2)

  p3 = prop64(h3w.reshape(2 * N_PAD, 64), src_g2, dst_g, zeros64)
  return _tc_final(p3, h3w, dis, b3.reshape(1, d3), d3)[:N_NODES]

# --- scband reference (transcript-rebuilt; emitter-appended) ---
"""Pipeline reference for scband-gcn-37649683317295 (READ-ONLY COPY).

The authoritative reference and input builder live on the scoring server;
editing this copy changes nothing except your own understanding.
"""

import jax, jax.numpy as jnp
import numpy as np

N_NODES = 10000
N_EDGES = 320000
D_IN = 128
N_CLASSES = 40


def gcn_conv(x, edge_index, W, b):
    num_nodes = x.shape[0]
    src = edge_index[0]
    dst = edge_index[1]
    # add self-loops (PyG GCNConv default add_self_loops=True)
    loop = jnp.arange(num_nodes, dtype=src.dtype)
    src = jnp.concatenate([src, loop])
    dst = jnp.concatenate([dst, loop])
    # symmetric normalization D^{-1/2} A D^{-1/2}
    deg = jnp.zeros((num_nodes,), dtype=x.dtype).at[dst].add(1.0)
    deg_inv_sqrt = jnp.where(deg > 0, jax.lax.rsqrt(deg), 0.0)
    norm = deg_inv_sqrt[src] * deg_inv_sqrt[dst]
    # linear transform then propagate
    h = x @ W
    msg = h[src] * norm[:, None]
    out = jnp.zeros((num_nodes, W.shape[1]), dtype=x.dtype).at[dst].add(msg)
    return out + b


def setup_inputs(seed: int = 0) -> dict:
    key = jax.random.key(seed)
    k_x, k_e, k1, k2, k3 = jax.random.split(key, 5)
    x = jax.random.normal(k_x, (N_NODES, D_IN), dtype=jnp.float32)
    edge_index = jax.random.randint(k_e, (2, N_EDGES), 0, N_NODES, dtype=jnp.int64)
    d1, d2, d3 = D_IN // 2, D_IN // 4, N_CLASSES
    W1 = jax.random.normal(k1, (D_IN, d1), dtype=jnp.float32) / np.sqrt(D_IN)
    b1 = jnp.zeros((d1,), dtype=jnp.float32)
    W2 = jax.random.normal(k2, (d1, d2), dtype=jnp.float32) / np.sqrt(d1)
    b2 = jnp.zeros((d2,), dtype=jnp.float32)
    W3 = jax.random.normal(k3, (d2, d3), dtype=jnp.float32) / np.sqrt(d2)
    b3 = jnp.zeros((d3,), dtype=jnp.float32)
    return {"x": x, "edge_index": edge_index, "W1": W1, "b1": b1, "W2": W2, "b2": b2, "W3": W3, "b3": b3}


def reference(x, edge_index, W1, b1, W2, b2, W3, b3):
    h = gcn_conv(x, edge_index, W1, b1)
    h = jax.nn.relu(h)
    # dropout is identity in deterministic eval-mode reference
    h = gcn_conv(h, edge_index, W2, b2)
    h = jax.nn.relu(h)
    h = gcn_conv(h, edge_index, W3, b3)
    return jax.nn.log_softmax(h, axis=1)

if __name__ == "__main__":
    import jax
    _d = setup_inputs()
    print(jax.jit(kernel)(*tuple(_d.values())))

</pallas_src>

<mosaic_0001>
#map = affine_map<(d0, d1) -> (0, 0)>
#map1 = affine_map<(d0, d1) -> (0, 0, 0)>
module attributes {stable_mosaic.version = 14 : i64} {
  func.func @k(%arg0: i32, %arg1: i32, %arg2: memref<40960x32xf32, #tpu.memory_space<hbm>>, %arg3: memref<32x80x128xi32, #tpu.memory_space<hbm>>, %arg4: memref<32x80x128xi32, #tpu.memory_space<hbm>>, %arg5: memref<10240x32xf32, #tpu.memory_space<hbm>>, %arg6: memref<2x10240x128xf32, #tpu.memory_space<hbm>>, %arg7: memref<80x128xi32, #tpu.memory_space<vmem>>, %arg8: memref<80x128xi32, #tpu.memory_space<vmem>>, %arg9: memref<128x32xf32, #tpu.memory_space<vmem>>, %arg10: memref<128x32xf32, #tpu.memory_space<vmem>>, %arg11: memref<128x32xf32, #tpu.memory_space<vmem>>, %arg12: memref<128x32xf32, #tpu.memory_space<vmem>>, %arg13: memref<10240x32xf32, #tpu.memory_space<vmem_shared>>, %arg14: memref<!tpu.dma_semaphore, #tpu.memory_space<semaphore_mem>>, %arg15: memref<!tpu.dma_semaphore, #tpu.memory_space<semaphore_mem>>, %arg16: memref<!tpu.dma_semaphore, #tpu.memory_space<semaphore_mem>>, %arg17: memref<!tpu.dma_semaphore, #tpu.memory_space<semaphore_mem>>, %arg18: memref<!tpu.dma_semaphore, #tpu.memory_space<semaphore_mem>>, %arg19: memref<!tpu.dma_semaphore, #tpu.memory_space<semaphore_mem>>, %arg20: memref<!tpu.dma_semaphore, #tpu.memory_space<semaphore_mem>>, %arg21: memref<!tpu.dma_semaphore, #tpu.memory_space<semaphore_mem>>) attributes {dimension_semantics = [#tpu.dimension_semantics<core_parallel>, #tpu.dimension_semantics<subcore_parallel>], iteration_bounds = array<i64: 2, 16>, scalar_prefetch = 0 : i64, scratch_operands = 15 : i64, tpu.core_type = #tpu.core_type<sc_vector_subcore>, window_params = [{transform_indices = #map}, {transform_indices = #map1}, {transform_indices = #map1}, {transform_indices = #map}, {transform_indices = #map1}]} {
    %mul3A = arith.constant 2 : i32
    %mul3A_0 = arith.muli %arg1, %mul3A : i32
    %add3A = arith.addi %mul3A_0, %arg0 : i32
    "tpu.region"() ({
      %run_scoped3A = tpu.sem_alloc : memref<!tpu.dma_semaphore, #tpu.memory_space<semaphore_mem>>
      %dma_start3A_49 = arith.constant 0 : i32
      %dma_start3A_50 = arith.constant 0 : i32
      %dma_start3A_51 = tpu.memref_slice %arg3[%add3A, %dma_start3A_49, %dma_start3A_50] : memref<32x80x128xi32, #tpu.memory_space<hbm>> -> memref<1x80x128xi32, #tpu.memory_space<hbm>>
      %dma_start3A_52 = tpu.memref_squeeze %dma_start3A_51 : memref<1x80x128xi32, #tpu.memory_space<hbm>> -> memref<80x128xi32, #tpu.memory_space<hbm>>
      %dma_start3A_53 = arith.constant 0 : i32
      %dma_start3A_54 = arith.constant 0 : i32
      %dma_start3A_55 = tpu.memref_slice %arg3[%add3A, %dma_start3A_53, %dma_start3A_54] : memref<32x80x128xi32, #tpu.memory_space<hbm>> -> memref<1x80x128xi32, #tpu.memory_space<hbm>>
      %dma_start3A_56 = tpu.memref_squeeze %dma_start3A_55 : memref<1x80x128xi32, #tpu.memory_space<hbm>> -> memref<80x128xi32, #tpu.memory_space<hbm>>
      tpu.enqueue_dma source(%dma_start3A_56 : memref<80x128xi32, #tpu.memory_space<hbm>>) target(%arg7 : memref<80x128xi32, #tpu.memory_space<vmem>>) target_semaphore(%run_scoped3A : memref<!tpu.dma_semaphore, #tpu.memory_space<semaphore_mem>>)
      %dma_wait3A_57 = arith.constant 0 : i32
      %dma_wait3A_58 = arith.constant 0 : i32
      %dma_wait3A_59 = tpu.memref_slice %arg3[%add3A, %dma_wait3A_57, %dma_wait3A_58] : memref<32x80x128xi32, #tpu.memory_space<hbm>> -> memref<1x80x128xi32, #tpu.memory_space<hbm>>
      %dma_wait3A_60 = tpu.memref_squeeze %dma_wait3A_59 : memref<1x80x128xi32, #tpu.memory_space<hbm>> -> memref<80x128xi32, #tpu.memory_space<hbm>>
      %dma_wait3A_61 = arith.constant 0 : i32
      %dma_wait3A_62 = arith.constant 0 : i32
      %dma_wait3A_63 = tpu.memref_slice %arg3[%add3A, %dma_wait3A_61, %dma_wait3A_62] : memref<32x80x128xi32, #tpu.memory_space<hbm>> -> memref<1x80x128xi32, #tpu.memory_space<hbm>>
      %dma_wait3A_64 = tpu.memref_squeeze %dma_wait3A_63 : memref<1x80x128xi32, #tpu.memory_space<hbm>> -> memref<80x128xi32, #tpu.memory_space<hbm>>
      tpu.wait_dma2 semaphore(%run_scoped3A : memref<!tpu.dma_semaphore, #tpu.memory_space<semaphore_mem>>) src(%dma_wait3A_64 : memref<80x128xi32, #tpu.memory_space<hbm>>) dst(%arg7 : memref<80x128xi32, #tpu.memory_space<vmem>>)
      tpu.yield
    }) : () -> ()
    "tpu.region"() ({
      %run_scoped3A = tpu.sem_alloc : memref<!tpu.dma_semaphore, #tpu.memory_space<semaphore_mem>>
      %dma_start3A_49 = arith.constant 0 : i32
      %dma_start3A_50 = arith.constant 0 : i32
      %dma_start3A_51 = tpu.memref_slice %arg4[%add3A, %dma_start3A_49, %dma_start3A_50] : memref<32x80x128xi32, #tpu.memory_space<hbm>> -> memref<1x80x128xi32, #tpu.memory_space<hbm>>
      %dma_start3A_52 = tpu.memref_squeeze %dma_start3A_51 : memref<1x80x128xi32, #tpu.memory_space<hbm>> -> memref<80x128xi32, #tpu.memory_space<hbm>>
      %dma_start3A_53 = arith.constant 0 : i32
      %dma_start3A_54 = arith.constant 0 : i32
      %dma_start3A_55 = tpu.memref_slice %arg4[%add3A, %dma_start3A_53, %dma_start3A_54] : memref<32x80x128xi32, #tpu.memory_space<hbm>> -> memref<1x80x128xi32, #tpu.memory_space<hbm>>
      %dma_start3A_56 = tpu.memref_squeeze %dma_start3A_55 : memref<1x80x128xi32, #tpu.memory_space<hbm>> -> memref<80x128xi32, #tpu.memory_space<hbm>>
      tpu.enqueue_dma source(%dma_start3A_56 : memref<80x128xi32, #tpu.memory_space<hbm>>) target(%arg8 : memref<80x128xi32, #tpu.memory_space<vmem>>) target_semaphore(%run_scoped3A : memref<!tpu.dma_semaphore, #tpu.memory_space<semaphore_mem>>)
      %dma_wait3A_57 = arith.constant 0 : i32
      %dma_wait3A_58 = arith.constant 0 : i32
      %dma_wait3A_59 = tpu.memref_slice %arg4[%add3A, %dma_wait3A_57, %dma_wait3A_58] : memref<32x80x128xi32, #tpu.memory_space<hbm>> -> memref<1x80x128xi32, #tpu.memory_space<hbm>>
      %dma_wait3A_60 = tpu.memref_squeeze %dma_wait3A_59 : memref<1x80x128xi32, #tpu.memory_space<hbm>> -> memref<80x128xi32, #tpu.memory_space<hbm>>
      %dma_wait3A_61 = arith.constant 0 : i32
      %dma_wait3A_62 = arith.constant 0 : i32
      %dma_wait3A_63 = tpu.memref_slice %arg4[%add3A, %dma_wait3A_61, %dma_wait3A_62] : memref<32x80x128xi32, #tpu.memory_space<hbm>> -> memref<1x80x128xi32, #tpu.memory_space<hbm>>
      %dma_wait3A_64 = tpu.memref_squeeze %dma_wait3A_63 : memref<1x80x128xi32, #tpu.memory_space<hbm>> -> memref<80x128xi32, #tpu.memory_space<hbm>>
      tpu.wait_dma2 semaphore(%run_scoped3A : memref<!tpu.dma_semaphore, #tpu.memory_space<semaphore_mem>>) src(%dma_wait3A_64 : memref<80x128xi32, #tpu.memory_space<hbm>>) dst(%arg8 : memref<80x128xi32, #tpu.memory_space<vmem>>)
      tpu.yield
    }) : () -> ()
    %mul3A_1 = arith.constant 640 : i32
    %mul3A_2 = arith.muli %arg1, %mul3A_1 : i32
    "tpu.region"() ({
      %run_scoped3A = tpu.sem_alloc : memref<!tpu.dma_semaphore, #tpu.memory_space<semaphore_mem>>
      %dma_start3A_49 = arith.constant 0 : i32
      %dma_start3A_50 = tpu.memref_slice %arg13[%mul3A_2, %dma_start3A_49] : memref<10240x32xf32, #tpu.memory_space<vmem_shared>> -> memref<640x32xf32, #tpu.memory_space<vmem_shared>>
      %dma_start3A_51 = arith.constant 0 : i32
      %dma_start3A_52 = tpu.memref_slice %arg5[%mul3A_2, %dma_start3A_51] : memref<10240x32xf32, #tpu.memory_space<hbm>> -> memref<640x32xf32, #tpu.memory_space<hbm>>
      tpu.enqueue_dma source(%dma_start3A_52 : memref<640x32xf32, #tpu.memory_space<hbm>>) target(%dma_start3A_50 : memref<640x32xf32, #tpu.memory_space<vmem_shared>>) target_semaphore(%run_scoped3A : memref<!tpu.dma_semaphore, #tpu.memory_space<semaphore_mem>>)
      %dma_wait3A_53 = arith.constant 0 : i32
      %dma_wait3A_54 = tpu.memref_slice %arg13[%mul3A_2, %dma_wait3A_53] : memref<10240x32xf32, #tpu.memory_space<vmem_shared>> -> memref<640x32xf32, #tpu.memory_space<vmem_shared>>
      %dma_wait3A_55 = arith.constant 0 : i32
      %dma_wait3A_56 = tpu.memref_slice %arg5[%mul3A_2, %dma_wait3A_55] : memref<10240x32xf32, #tpu.memory_space<hbm>> -> memref<640x32xf32, #tpu.memory_space<hbm>>
      tpu.wait_dma2 semaphore(%run_scoped3A : memref<!tpu.dma_semaphore, #tpu.memory_space<semaphore_mem>>) src(%dma_wait3A_56 : memref<640x32xf32, #tpu.memory_space<hbm>>) dst(%dma_wait3A_54 : memref<640x32xf32, #tpu.memory_space<vmem_shared>>)
      tpu.yield
    }) : () -> ()
    %barrier3A = arith.constant 0 : index
    tpu.barrier barrier_id(%barrier3A)
    %dma_start3A = arith.constant 0 : i32
    %dma_start3A_3 = arith.constant 0 : i32
    %dma_start3A_4 = tpu.memref_slice %arg7[%dma_start3A, %dma_start3A_3] : memref<80x128xi32, #tpu.memory_space<vmem>> -> memref<1x128xi32, #tpu.memory_space<vmem>>
    %dma_start3A_5 = tpu.memref_squeeze %dma_start3A_4 : memref<1x128xi32, #tpu.memory_space<vmem>> -> memref<128xi32, #tpu.memory_space<vmem>>
    %dma_start3A_6 = arith.constant 0 : i32
    %dma_start3A_7 = arith.constant 0 : i32
    %dma_start3A_8 = tpu.memref_slice %arg2[%dma_start3A_6, %dma_start3A_7] : memref<40960x32xf32, #tpu.memory_space<hbm>> -> memref<40960x32xf32, #tpu.memory_space<hbm>>
    tpu.enqueue_indirect_dma source(%dma_start3A_8 : memref<40960x32xf32, #tpu.memory_space<hbm>>) target(%arg9 : memref<128x32xf32, #tpu.memory_space<vmem>>) offsets(%dma_start3A_5 : memref<128xi32, #tpu.memory_space<vmem>>) semaphore(%arg14 : memref<!tpu.dma_semaphore, #tpu.memory_space<semaphore_mem>>)
    %dma_start3A_9 = arith.constant 1 : i32
    %dma_start3A_10 = arith.constant 0 : i32
    %dma_start3A_11 = tpu.memref_slice %arg7[%dma_start3A_9, %dma_start3A_10] : memref<80x128xi32, #tpu.memory_space<vmem>> -> memref<1x128xi32, #tpu.memory_space<vmem>>
    %dma_start3A_12 = tpu.memref_squeeze %dma_start3A_11 : memref<1x128xi32, #tpu.memory_space<vmem>> -> memref<128xi32, #tpu.memory_space<vmem>>
    %dma_start3A_13 = arith.constant 0 : i32
    %dma_start3A_14 = arith.constant 0 : i32
    %dma_start3A_15 = tpu.memref_slice %arg2[%dma_start3A_13, %dma_start3A_14] : memref<40960x32xf32, #tpu.memory_space<hbm>> -> memref<40960x32xf32, #tpu.memory_space<hbm>>
    tpu.enqueue_indirect_dma source(%dma_start3A_15 : memref<40960x32xf32, #tpu.memory_space<hbm>>) target(%arg10 : memref<128x32xf32, #tpu.memory_space<vmem>>) offsets(%dma_start3A_12 : memref<128xi32, #tpu.memory_space<vmem>>) semaphore(%arg15 : memref<!tpu.dma_semaphore, #tpu.memory_space<semaphore_mem>>)
    %scan3A = arith.constant 0 : i32
    %scan3A_16 = arith.constant 0 : i32
    %scan3A_17 = arith.constant 20 : i32
    %scan3A_18 = arith.addi %scan3A_16, %scan3A_17 : i32
    %scan3A_19 = arith.constant 1 : i32
    scf.for %scan3A_49 = %scan3A_16 to %scan3A_18 step %scan3A_19  : i32 {
      %mul3A_50 = arith.constant 4 : i32
      %mul3A_51 = arith.muli %mul3A_50, %scan3A_49 : i32
      %add3A_52 = arith.constant 0 : i32
      %add3A_53 = arith.addi %mul3A_51, %add3A_52 : i32
      %dma_wait3A_54 = arith.constant 0 : i32
      %dma_wait3A_55 = tpu.memref_slice %arg7[%add3A_53, %dma_wait3A_54] : memref<80x128xi32, #tpu.memory_space<vmem>> -> memref<1x128xi32, #tpu.memory_space<vmem>>
      %dma_wait3A_56 = tpu.memref_squeeze %dma_wait3A_55 : memref<1x128xi32, #tpu.memory_space<vmem>> -> memref<128xi32, #tpu.memory_space<vmem>>
      %dma_wait3A_57 = arith.constant 0 : i32
      %dma_wait3A_58 = arith.constant 0 : i32
      %dma_wait3A_59 = tpu.memref_slice %arg2[%dma_wait3A_57, %dma_wait3A_58] : memref<40960x32xf32, #tpu.memory_space<hbm>> -> memref<40960x32xf32, #tpu.memory_space<hbm>>
      tpu.wait_indirect_dma semaphore(%arg14 : memref<!tpu.dma_semaphore, #tpu.memory_space<semaphore_mem>>) src(%dma_wait3A_59 : memref<40960x32xf32, #tpu.memory_space<hbm>>) dst(%arg9 : memref<128x32xf32, #tpu.memory_space<vmem>>)
      %dma_start3A_60 = arith.constant 0 : i32
      %dma_start3A_61 = tpu.memref_slice %arg8[%add3A_53, %dma_start3A_60] : memref<80x128xi32, #tpu.memory_space<vmem>> -> memref<1x128xi32, #tpu.memory_space<vmem>>
      %dma_start3A_62 = tpu.memref_squeeze %dma_start3A_61 : memref<1x128xi32, #tpu.memory_space<vmem>> -> memref<128xi32, #tpu.memory_space<vmem>>
      %dma_start3A_63 = arith.constant 0 : i32
      %dma_start3A_64 = arith.constant 0 : i32
      %dma_start3A_65 = tpu.memref_slice %arg13[%dma_start3A_63, %dma_start3A_64] : memref<10240x32xf32, #tpu.memory_space<vmem_shared>> -> memref<10240x32xf32, #tpu.memory_space<vmem_shared>>
      tpu.enqueue_indirect_dma source(%arg9 : memref<128x32xf32, #tpu.memory_space<vmem>>) target(%dma_start3A_65 : memref<10240x32xf32, #tpu.memory_space<vmem_shared>>) offsets(%dma_start3A_62 : memref<128xi32, #tpu.memory_space<vmem>>) semaphore(%arg18 : memref<!tpu.dma_semaphore, #tpu.memory_space<semaphore_mem>>) {add = true}
      %add3A_66 = arith.constant 2 : i32
      %add3A_67 = arith.addi %add3A_53, %add3A_66 : i32
      %lt3A = arith.constant 80 : i32
      %lt3A_68 = arith.cmpi slt, %add3A_67, %lt3A : i32
      %convert_element_type3A = arith.extui %lt3A_68 : i1 to i32
      %cond3A = arith.constant 0 : i32
      %cond3A_69 = arith.cmpi ne, %convert_element_type3A, %cond3A : i32
      scf.if %cond3A_69 {
        %ge3A = arith.constant 2 : i32
        %ge3A_139 = arith.cmpi sge, %add3A_53, %ge3A : i32
        %convert_element_type3A_140 = arith.extui %ge3A_139 : i1 to i32
        %cond3A_141 = arith.constant 0 : i32
        %cond3A_142 = arith.cmpi ne, %convert_element_type3A_140, %cond3A_141 : i32
        scf.if %cond3A_142 {
          %sub3A = arith.constant 2 : i32
          %sub3A_151 = arith.subi %add3A_53, %sub3A : i32
          %dma_wait3A_152 = arith.constant 0 : i32
          %dma_wait3A_153 = tpu.memref_slice %arg8[%sub3A_151, %dma_wait3A_152] : memref<80x128xi32, #tpu.memory_space<vmem>> -> memref<1x128xi32, #tpu.memory_space<vmem>>
          %dma_wait3A_154 = tpu.memref_squeeze %dma_wait3A_153 : memref<1x128xi32, #tpu.memory_space<vmem>> -> memref<128xi32, #tpu.memory_space<vmem>>
          %dma_wait3A_155 = arith.constant 0 : i32
          %dma_wait3A_156 = arith.constant 0 : i32
          %dma_wait3A_157 = tpu.memref_slice %arg13[%dma_wait3A_155, %dma_wait3A_156] : memref<10240x32xf32, #tpu.memory_space<vmem_shared>> -> memref<10240x32xf32, #tpu.memory_space<vmem_shared>>
          tpu.wait_indirect_dma semaphore(%arg20 : memref<!tpu.dma_semaphore, #tpu.memory_space<semaphore_mem>>) src(%arg11 : memref<128x32xf32, #tpu.memory_space<vmem>>) dst(%dma_wait3A_157 : memref<10240x32xf32, #tpu.memory_space<vmem_shared>>)
        } else {
        }
        %add3A_143 = arith.constant 2 : i32
        %add3A_144 = arith.addi %add3A_53, %add3A_143 : i32
        %dma_start3A_145 = arith.constant 0 : i32
        %dma_start3A_146 = tpu.memref_slice %arg7[%add3A_144, %dma_start3A_145] : memref<80x128xi32, #tpu.memory_space<vmem>> -> memref<1x128xi32, #tpu.memory_space<vmem>>
        %dma_start3A_147 = tpu.memref_squeeze %dma_start3A_146 : memref<1x128xi32, #tpu.memory_space<vmem>> -> memref<128xi32, #tpu.memory_space<vmem>>
        %dma_start3A_148 = arith.constant 0 : i32
        %dma_start3A_149 = arith.constant 0 : i32
        %dma_start3A_150 = tpu.memref_slice %arg2[%dma_start3A_148, %dma_start3A_149] : memref<40960x32xf32, #tpu.memory_space<hbm>> -> memref<40960x32xf32, #tpu.memory_space<hbm>>
        tpu.enqueue_indirect_dma source(%dma_start3A_150 : memref<40960x32xf32, #tpu.memory_space<hbm>>) target(%arg11 : memref<128x32xf32, #tpu.memory_space<vmem>>) offsets(%dma_start3A_147 : memref<128xi32, #tpu.memory_space<vmem>>) semaphore(%arg16 : memref<!tpu.dma_semaphore, #tpu.memory_space<semaphore_mem>>)
      } else {
      }
      %mul3A_70 = arith.constant 4 : i32
      %mul3A_71 = arith.muli %mul3A_70, %scan3A_49 : i32
      %add3A_72 = arith.constant 1 : i32
      %add3A_73 = arith.addi %mul3A_71, %add3A_72 : i32
      %dma_wait3A_74 = arith.constant 0 : i32
      %dma_wait3A_75 = tpu.memref_slice %arg7[%add3A_73, %dma_wait3A_74] : memref<80x128xi32, #tpu.memory_space<vmem>> -> memref<1x128xi32, #tpu.memory_space<vmem>>
      %dma_wait3A_76 = tpu.memref_squeeze %dma_wait3A_75 : memref<1x128xi32, #tpu.memory_space<vmem>> -> memref<128xi32, #tpu.memory_space<vmem>>
      %dma_wait3A_77 = arith.constant 0 : i32
      %dma_wait3A_78 = arith.constant 0 : i32
      %dma_wait3A_79 = tpu.memref_slice %arg2[%dma_wait3A_77, %dma_wait3A_78] : memref<40960x32xf32, #tpu.memory_space<hbm>> -> memref<40960x32xf32, #tpu.memory_space<hbm>>
      tpu.wait_indirect_dma semaphore(%arg15 : memref<!tpu.dma_semaphore, #tpu.memory_space<semaphore_mem>>) src(%dma_wait3A_79 : memref<40960x32xf32, #tpu.memory_space<hbm>>) dst(%arg10 : memref<128x32xf32, #tpu.memory_space<vmem>>)
      %dma_start3A_80 = arith.constant 0 : i32
      %dma_start3A_81 = tpu.memref_slice %arg8[%add3A_73, %dma_start3A_80] : memref<80x128xi32, #tpu.memory_space<vmem>> -> memref<1x128xi32, #tpu.memory_space<vmem>>
      %dma_start3A_82 = tpu.memref_squeeze %dma_start3A_81 : memref<1x128xi32, #tpu.memory_space<vmem>> -> memref<128xi32, #tpu.memory_space<vmem>>
      %dma_start3A_83 = arith.constant 0 : i32
      %dma_start3A_84 = arith.constant 0 : i32
      %dma_start3A_85 = tpu.memref_slice %arg13[%dma_start3A_83, %dma_start3A_84] : memref<10240x32xf32, #tpu.memory_space<vmem_shared>> -> memref<10240x32xf32, #tpu.memory_space<vmem_shared>>
      tpu.enqueue_indirect_dma source(%arg10 : memref<128x32xf32, #tpu.memory_space<vmem>>) target(%dma_start3A_85 : memref<10240x32xf32, #tpu.memory_space<vmem_shared>>) offsets(%dma_start3A_82 : memref<128xi32, #tpu.memory_space<vmem>>) semaphore(%arg19 : memref<!tpu.dma_semaphore, #tpu.memory_space<semaphore_mem>>) {add = true}
      %add3A_86 = arith.constant 2 : i32
      %add3A_87 = arith.addi %add3A_73, %add3A_86 : i32
      %lt3A_88 = arith.constant 80 : i32
      %lt3A_89 = arith.cmpi slt, %add3A_87, %lt3A_88 : i32
      %convert_element_type3A_90 = arith.extui %lt3A_89 : i1 to i32
      %cond3A_91 = arith.constant 0 : i32
      %cond3A_92 = arith.cmpi ne, %convert_element_type3A_90, %cond3A_91 : i32
      scf.if %cond3A_92 {
        %ge3A = arith.constant 2 : i32
        %ge3A_139 = arith.cmpi sge, %add3A_73, %ge3A : i32
        %convert_element_type3A_140 = arith.extui %ge3A_139 : i1 to i32
        %cond3A_141 = arith.constant 0 : i32
        %cond3A_142 = arith.cmpi ne, %convert_element_type3A_140, %cond3A_141 : i32
        scf.if %cond3A_142 {
          %sub3A = arith.constant 2 : i32
          %sub3A_151 = arith.subi %add3A_73, %sub3A : i32
          %dma_wait3A_152 = arith.constant 0 : i32
          %dma_wait3A_153 = tpu.memref_slice %arg8[%sub3A_151, %dma_wait3A_152] : memref<80x128xi32, #tpu.memory_space<vmem>> -> memref<1x128xi32, #tpu.memory_space<vmem>>
          %dma_wait3A_154 = tpu.memref_squeeze %dma_wait3A_153 : memref<1x128xi32, #tpu.memory_space<vmem>> -> memref<128xi32, #tpu.memory_space<vmem>>
          %dma_wait3A_155 = arith.constant 0 : i32
          %dma_wait3A_156 = arith.constant 0 : i32
          %dma_wait3A_157 = tpu.memref_slice %arg13[%dma_wait3A_155, %dma_wait3A_156] : memref<10240x32xf32, #tpu.memory_space<vmem_shared>> -> memref<10240x32xf32, #tpu.memory_space<vmem_shared>>
          tpu.wait_indirect_dma semaphore(%arg21 : memref<!tpu.dma_semaphore, #tpu.memory_space<semaphore_mem>>) src(%arg12 : memref<128x32xf32, #tpu.memory_space<vmem>>) dst(%dma_wait3A_157 : memref<10240x32xf32, #tpu.memory_space<vmem_shared>>)
        } else {
        }
        %add3A_143 = arith.constant 2 : i32
        %add3A_144 = arith.addi %add3A_73, %add3A_143 : i32
        %dma_start3A_145 = arith.constant 0 : i32
        %dma_start3A_146 = tpu.memref_slice %arg7[%add3A_144, %dma_start3A_145] : memref<80x128xi32, #tpu.memory_space<vmem>> -> memref<1x128xi32, #tpu.memory_space<vmem>>
        %dma_start3A_147 = tpu.memref_squeeze %dma_start3A_146 : memref<1x128xi32, #tpu.memory_space<vmem>> -> memref<128xi32, #tpu.memory_space<vmem>>
        %dma_start3A_148 = arith.constant 0 : i32
        %dma_start3A_149 = arith.constant 0 : i32
        %dma_start3A_150 = tpu.memref_slice %arg2[%dma_start3A_148, %dma_start3A_149] : memref<40960x32xf32, #tpu.memory_space<hbm>> -> memref<40960x32xf32, #tpu.memory_space<hbm>>
        tpu.enqueue_indirect_dma source(%dma_start3A_150 : memref<40960x32xf32, #tpu.memory_space<hbm>>) target(%arg12 : memref<128x32xf32, #tpu.memory_space<vmem>>) offsets(%dma_start3A_147 : memref<128xi32, #tpu.memory_space<vmem>>) semaphore(%arg17 : memref<!tpu.dma_semaphore, #tpu.memory_space<semaphore_mem>>)
      } else {
      }
      %mul3A_93 = arith.constant 4 : i32
      %mul3A_94 = arith.muli %mul3A_93, %scan3A_49 : i32
      %add3A_95 = arith.constant 2 : i32
      %add3A_96 = arith.addi %mul3A_94, %add3A_95 : i32
      %dma_wait3A_97 = arith.constant 0 : i32
      %dma_wait3A_98 = tpu.memref_slice %arg7[%add3A_96, %dma_wait3A_97] : memref<80x128xi32, #tpu.memory_space<vmem>> -> memref<1x128xi32, #tpu.memory_space<vmem>>
      %dma_wait3A_99 = tpu.memref_squeeze %dma_wait3A_98 : memref<1x128xi32, #tpu.memory_space<vmem>> -> memref<128xi32, #tpu.memory_space<vmem>>
      %dma_wait3A_100 = arith.constant 0 : i32
      %dma_wait3A_101 = arith.constant 0 : i32
      %dma_wait3A_102 = tpu.memref_slice %arg2[%dma_wait3A_100, %dma_wait3A_101] : memref<40960x32xf32, #tpu.memory_space<hbm>> -> memref<40960x32xf32, #tpu.memory_space<hbm>>
      tpu.wait_indirect_dma semaphore(%arg16 : memref<!tpu.dma_semaphore, #tpu.memory_space<semaphore_mem>>) src(%dma_wait3A_102 : memref<40960x32xf32, #tpu.memory_space<hbm>>) dst(%arg11 : memref<128x32xf32, #tpu.memory_space<vmem>>)
      %dma_start3A_103 = arith.constant 0 : i32
      %dma_start3A_104 = tpu.memref_slice %arg8[%add3A_96, %dma_start3A_103] : memref<80x128xi32, #tpu.memory_space<vmem>> -> memref<1x128xi32, #tpu.memory_space<vmem>>
      %dma_start3A_105 = tpu.memref_squeeze %dma_start3A_104 : memref<1x128xi32, #tpu.memory_space<vmem>> -> memref<128xi32, #tpu.memory_space<vmem>>
      %dma_start3A_106 = arith.constant 0 : i32
      %dma_start3A_107 = arith.constant 0 : i32
      %dma_start3A_108 = tpu.memref_slice %arg13[%dma_start3A_106, %dma_start3A_107] : memref<10240x32xf32, #tpu.memory_space<vmem_shared>> -> memref<10240x32xf32, #tpu.memory_space<vmem_shared>>
      tpu.enqueue_indirect_dma source(%arg11 : memref<128x32xf32, #tpu.memory_space<vmem>>) target(%dma_start3A_108 : memref<10240x32xf32, #tpu.memory_space<vmem_shared>>) offsets(%dma_start3A_105 : memref<128xi32, #tpu.memory_space<vmem>>) semaphore(%arg20 : memref<!tpu.dma_semaphore, #tpu.memory_space<semaphore_mem>>) {add = true}
      %add3A_109 = arith.constant 2 : i32
      %add3A_110 = arith.addi %add3A_96, %add3A_109 : i32
      %lt3A_111 = arith.constant 80 : i32
      %lt3A_112 = arith.cmpi slt, %add3A_110, %lt3A_111 : i32
      %convert_element_type3A_113 = arith.extui %lt3A_112 : i1 to i32
      %cond3A_114 = arith.constant 0 : i32
      %cond3A_115 = arith.cmpi ne, %convert_element_type3A_113, %cond3A_114 : i32
      scf.if %cond3A_115 {
        %ge3A = arith.constant 2 : i32
        %ge3A_139 = arith.cmpi sge, %add3A_96, %ge3A : i32
        %convert_element_type3A_140 = arith.extui %ge3A_139 : i1 to i32
        %cond3A_141 = arith.constant 0 : i32
        %cond3A_142 = arith.cmpi ne, %convert_element_type3A_140, %cond3A_141 : i32
        scf.if %cond3A_142 {
          %sub3A = arith.constant 2 : i32
          %sub3A_151 = arith.subi %add3A_96, %sub3A : i32
          %dma_wait3A_152 = arith.constant 0 : i32
          %dma_wait3A_153 = tpu.memref_slice %arg8[%sub3A_151, %dma_wait3A_152] : memref<80x128xi32, #tpu.memory_space<vmem>> -> memref<1x128xi32, #tpu.memory_space<vmem>>
          %dma_wait3A_154 = tpu.memref_squeeze %dma_wait3A_153 : memref<1x128xi32, #tpu.memory_space<vmem>> -> memref<128xi32, #tpu.memory_space<vmem>>
          %dma_wait3A_155 = arith.constant 0 : i32
          %dma_wait3A_156 = arith.constant 0 : i32
          %dma_wait3A_157 = tpu.memref_slice %arg13[%dma_wait3A_155, %dma_wait3A_156] : memref<10240x32xf32, #tpu.memory_space<vmem_shared>> -> memref<10240x32xf32, #tpu.memory_space<vmem_shared>>
          tpu.wait_indirect_dma semaphore(%arg18 : memref<!tpu.dma_semaphore, #tpu.memory_space<semaphore_mem>>) src(%arg9 : memref<128x32xf32, #tpu.memory_space<vmem>>) dst(%dma_wait3A_157 : memref<10240x32xf32, #tpu.memory_space<vmem_shared>>)
        } else {
        }
        %add3A_143 = arith.constant 2 : i32
        %add3A_144 = arith.addi %add3A_96, %add3A_143 : i32
        %dma_start3A_145 = arith.constant 0 : i32
        %dma_start3A_146 = tpu.memref_slice %arg7[%add3A_144, %dma_start3A_145] : memref<80x128xi32, #tpu.memory_space<vmem>> -> memref<1x128xi32, #tpu.memory_space<vmem>>
        %dma_start3A_147 = tpu.memref_squeeze %dma_start3A_146 : memref<1x128xi32, #tpu.memory_space<vmem>> -> memref<128xi32, #tpu.memory_space<vmem>>
        %dma_start3A_148 = arith.constant 0 : i32
        %dma_start3A_149 = arith.constant 0 : i32
        %dma_start3A_150 = tpu.memref_slice %arg2[%dma_start3A_148, %dma_start3A_149] : memref<40960x32xf32, #tpu.memory_space<hbm>> -> memref<40960x32xf32, #tpu.memory_space<hbm>>
        tpu.enqueue_indirect_dma source(%dma_start3A_150 : memref<40960x32xf32, #tpu.memory_space<hbm>>) target(%arg9 : memref<128x32xf32, #tpu.memory_space<vmem>>) offsets(%dma_start3A_147 : memref<128xi32, #tpu.memory_space<vmem>>) semaphore(%arg14 : memref<!tpu.dma_semaphore, #tpu.memory_space<semaphore_mem>>)
      } else {
      }
      %mul3A_116 = arith.constant 4 : i32
      %mul3A_117 = arith.muli %mul3A_116, %scan3A_49 : i32
      %add3A_118 = arith.constant 3 : i32
      %add3A_119 = arith.addi %mul3A_117, %add3A_118 : i32
      %dma_wait3A_120 = arith.constant 0 : i32
      %dma_wait3A_121 = tpu.memref_slice %arg7[%add3A_119, %dma_wait3A_120] : memref<80x128xi32, #tpu.memory_space<vmem>> -> memref<1x128xi32, #tpu.memory_space<vmem>>
      %dma_wait3A_122 = tpu.memref_squeeze %dma_wait3A_121 : memref<1x128xi32, #tpu.memory_space<vmem>> -> memref<128xi32, #tpu.memory_space<vmem>>
      %dma_wait3A_123 = arith.constant 0 : i32
      %dma_wait3A_124 = arith.constant 0 : i32
      %dma_wait3A_125 = tpu.memref_slice %arg2[%dma_wait3A_123, %dma_wait3A_124] : memref<40960x32xf32, #tpu.memory_space<hbm>> -> memref<40960x32xf32, #tpu.memory_space<hbm>>
      tpu.wait_indirect_dma semaphore(%arg17 : memref<!tpu.dma_semaphore, #tpu.memory_space<semaphore_mem>>) src(%dma_wait3A_125 : memref<40960x32xf32, #tpu.memory_space<hbm>>) dst(%arg12 : memref<128x32xf32, #tpu.memory_space<vmem>>)
      %dma_start3A_126 = arith.constant 0 : i32
      %dma_start3A_127 = tpu.memref_slice %arg8[%add3A_119, %dma_start3A_126] : memref<80x128xi32, #tpu.memory_space<vmem>> -> memref<1x128xi32, #tpu.memory_space<vmem>>
      %dma_start3A_128 = tpu.memref_squeeze %dma_start3A_127 : memref<1x128xi32, #tpu.memory_space<vmem>> -> memref<128xi32, #tpu.memory_space<vmem>>
      %dma_start3A_129 = arith.constant 0 : i32
      %dma_start3A_130 = arith.constant 0 : i32
      %dma_start3A_131 = tpu.memref_slice %arg13[%dma_start3A_129, %dma_start3A_130] : memref<10240x32xf32, #tpu.memory_space<vmem_shared>> -> memref<10240x32xf32, #tpu.memory_space<vmem_shared>>
      tpu.enqueue_indirect_dma source(%arg12 : memref<128x32xf32, #tpu.memory_space<vmem>>) target(%dma_start3A_131 : memref<10240x32xf32, #tpu.memory_space<vmem_shared>>) offsets(%dma_start3A_128 : memref<128xi32, #tpu.memory_space<vmem>>) semaphore(%arg21 : memref<!tpu.dma_semaphore, #tpu.memory_space<semaphore_mem>>) {add = true}
      %add3A_132 = arith.constant 2 : i32
      %add3A_133 = arith.addi %add3A_119, %add3A_132 : i32
      %lt3A_134 = arith.constant 80 : i32
      %lt3A_135 = arith.cmpi slt, %add3A_133, %lt3A_134 : i32
      %convert_element_type3A_136 = arith.extui %lt3A_135 : i1 to i32
      %cond3A_137 = arith.constant 0 : i32
      %cond3A_138 = arith.cmpi ne, %convert_element_type3A_136, %cond3A_137 : i32
      scf.if %cond3A_138 {
        %ge3A = arith.constant 2 : i32
        %ge3A_139 = arith.cmpi sge, %add3A_119, %ge3A : i32
        %convert_element_type3A_140 = arith.extui %ge3A_139 : i1 to i32
        %cond3A_141 = arith.constant 0 : i32
        %cond3A_142 = arith.cmpi ne, %convert_element_type3A_140, %cond3A_141 : i32
        scf.if %cond3A_142 {
          %sub3A = arith.constant 2 : i32
          %sub3A_151 = arith.subi %add3A_119, %sub3A : i32
          %dma_wait3A_152 = arith.constant 0 : i32
          %dma_wait3A_153 = tpu.memref_slice %arg8[%sub3A_151, %dma_wait3A_152] : memref<80x128xi32, #tpu.memory_space<vmem>> -> memref<1x128xi32, #tpu.memory_space<vmem>>
          %dma_wait3A_154 = tpu.memref_squeeze %dma_wait3A_153 : memref<1x128xi32, #tpu.memory_space<vmem>> -> memref<128xi32, #tpu.memory_space<vmem>>
          %dma_wait3A_155 = arith.constant 0 : i32
          %dma_wait3A_156 = arith.constant 0 : i32
          %dma_wait3A_157 = tpu.memref_slice %arg13[%dma_wait3A_155, %dma_wait3A_156] : memref<10240x32xf32, #tpu.memory_space<vmem_shared>> -> memref<10240x32xf32, #tpu.memory_space<vmem_shared>>
          tpu.wait_indirect_dma semaphore(%arg19 : memref<!tpu.dma_semaphore, #tpu.memory_space<semaphore_mem>>) src(%arg10 : memref<128x32xf32, #tpu.memory_space<vmem>>) dst(%dma_wait3A_157 : memref<10240x32xf32, #tpu.memory_space<vmem_shared>>)
        } else {
        }
        %add3A_143 = arith.constant 2 : i32
        %add3A_144 = arith.addi %add3A_119, %add3A_143 : i32
        %dma_start3A_145 = arith.constant 0 : i32
        %dma_start3A_146 = tpu.memref_slice %arg7[%add3A_144, %dma_start3A_145] : memref<80x128xi32, #tpu.memory_space<vmem>> -> memref<1x128xi32, #tpu.memory_space<vmem>>
        %dma_start3A_147 = tpu.memref_squeeze %dma_start3A_146 : memref<1x128xi32, #tpu.memory_space<vmem>> -> memref<128xi32, #tpu.memory_space<vmem>>
        %dma_start3A_148 = arith.constant 0 : i32
        %dma_start3A_149 = arith.constant 0 : i32
        %dma_start3A_150 = tpu.memref_slice %arg2[%dma_start3A_148, %dma_start3A_149] : memref<40960x32xf32, #tpu.memory_space<hbm>> -> memref<40960x32xf32, #tpu.memory_space<hbm>>
        tpu.enqueue_indirect_dma source(%dma_start3A_150 : memref<40960x32xf32, #tpu.memory_space<hbm>>) target(%arg10 : memref<128x32xf32, #tpu.memory_space<vmem>>) offsets(%dma_start3A_147 : memref<128xi32, #tpu.memory_space<vmem>>) semaphore(%arg15 : memref<!tpu.dma_semaphore, #tpu.memory_space<semaphore_mem>>)
      } else {
      }
    }
    %scan3A_20 = arith.constant 20 : i32
    %dma_wait3A = arith.constant 76 : i32
    %dma_wait3A_21 = arith.constant 0 : i32
    %dma_wait3A_22 = tpu.memref_slice %arg8[%dma_wait3A, %dma_wait3A_21] : memref<80x128xi32, #tpu.memory_space<vmem>> -> memref<1x128xi32, #tpu.memory_space<vmem>>
    %dma_wait3A_23 = tpu.memref_squeeze %dma_wait3A_22 : memref<1x128xi32, #tpu.memory_space<vmem>> -> memref<128xi32, #tpu.memory_space<vmem>>
    %dma_wait3A_24 = arith.constant 0 : i32
    %dma_wait3A_25 = arith.constant 0 : i32
    %dma_wait3A_26 = tpu.memref_slice %arg13[%dma_wait3A_24, %dma_wait3A_25] : memref<10240x32xf32, #tpu.memory_space<vmem_shared>> -> memref<10240x32xf32, #tpu.memory_space<vmem_shared>>
    tpu.wait_indirect_dma semaphore(%arg18 : memref<!tpu.dma_semaphore, #tpu.memory_space<semaphore_mem>>) src(%arg9 : memref<128x32xf32, #tpu.memory_space<vmem>>) dst(%dma_wait3A_26 : memref<10240x32xf32, #tpu.memory_space<vmem_shared>>)
    %dma_wait3A_27 = arith.constant 77 : i32
    %dma_wait3A_28 = arith.constant 0 : i32
    %dma_wait3A_29 = tpu.memref_slice %arg8[%dma_wait3A_27, %dma_wait3A_28] : memref<80x128xi32, #tpu.memory_space<vmem>> -> memref<1x128xi32, #tpu.memory_space<vmem>>
    %dma_wait3A_30 = tpu.memref_squeeze %dma_wait3A_29 : memref<1x128xi32, #tpu.memory_space<vmem>> -> memref<128xi32, #tpu.memory_space<vmem>>
    %dma_wait3A_31 = arith.constant 0 : i32
    %dma_wait3A_32 = arith.constant 0 : i32
    %dma_wait3A_33 = tpu.memref_slice %arg13[%dma_wait3A_31, %dma_wait3A_32] : memref<10240x32xf32, #tpu.memory_space<vmem_shared>> -> memref<10240x32xf32, #tpu.memory_space<vmem_shared>>
    tpu.wait_indirect_dma semaphore(%arg19 : memref<!tpu.dma_semaphore, #tpu.memory_space<semaphore_mem>>) src(%arg10 : memref<128x32xf32, #tpu.memory_space<vmem>>) dst(%dma_wait3A_33 : memref<10240x32xf32, #tpu.memory_space<vmem_shared>>)
    %dma_wait3A_34 = arith.constant 78 : i32
    %dma_wait3A_35 = arith.constant 0 : i32
    %dma_wait3A_36 = tpu.memref_slice %arg8[%dma_wait3A_34, %dma_wait3A_35] : memref<80x128xi32, #tpu.memory_space<vmem>> -> memref<1x128xi32, #tpu.memory_space<vmem>>
    %dma_wait3A_37 = tpu.memref_squeeze %dma_wait3A_36 : memref<1x128xi32, #tpu.memory_space<vmem>> -> memref<128xi32, #tpu.memory_space<vmem>>
    %dma_wait3A_38 = arith.constant 0 : i32
    %dma_wait3A_39 = arith.constant 0 : i32
    %dma_wait3A_40 = tpu.memref_slice %arg13[%dma_wait3A_38, %dma_wait3A_39] : memref<10240x32xf32, #tpu.memory_space<vmem_shared>> -> memref<10240x32xf32, #tpu.memory_space<vmem_shared>>
    tpu.wait_indirect_dma semaphore(%arg20 : memref<!tpu.dma_semaphore, #tpu.memory_space<semaphore_mem>>) src(%arg11 : memref<128x32xf32, #tpu.memory_space<vmem>>) dst(%dma_wait3A_40 : memref<10240x32xf32, #tpu.memory_space<vmem_shared>>)
    %dma_wait3A_41 = arith.constant 79 : i32
    %dma_wait3A_42 = arith.constant 0 : i32
    %dma_wait3A_43 = tpu.memref_slice %arg8[%dma_wait3A_41, %dma_wait3A_42] : memref<80x128xi32, #tpu.memory_space<vmem>> -> memref<1x128xi32, #tpu.memory_space<vmem>>
    %dma_wait3A_44 = tpu.memref_squeeze %dma_wait3A_43 : memref<1x128xi32, #tpu.memory_space<vmem>> -> memref<128xi32, #tpu.memory_space<vmem>>
    %dma_wait3A_45 = arith.constant 0 : i32
    %dma_wait3A_46 = arith.constant 0 : i32
    %dma_wait3A_47 = tpu.memref_slice %arg13[%dma_wait3A_45, %dma_wait3A_46] : memref<10240x32xf32, #tpu.memory_space<vmem_shared>> -> memref<10240x32xf32, #tpu.memory_space<vmem_shared>>
    tpu.wait_indirect_dma semaphore(%arg21 : memref<!tpu.dma_semaphore, #tpu.memory_space<semaphore_mem>>) src(%arg12 : memref<128x32xf32, #tpu.memory_space<vmem>>) dst(%dma_wait3A_47 : memref<10240x32xf32, #tpu.memory_space<vmem_shared>>)
    %barrier3A_48 = arith.constant 0 : index
    tpu.barrier barrier_id(%barrier3A_48)
    "tpu.region"() ({
      %run_scoped3A = tpu.sem_alloc : memref<!tpu.dma_semaphore, #tpu.memory_space<semaphore_mem>>
      %dma_start3A_49 = arith.constant 0 : i32
      %dma_start3A_50 = tpu.memref_slice %arg6[%arg0, %mul3A_2, %dma_start3A_49] : memref<2x10240x128xf32, #tpu.memory_space<hbm>> -> memref<1x640x32xf32, #tpu.memory_space<hbm>>
      %dma_start3A_51 = tpu.memref_squeeze %dma_start3A_50 : memref<1x640x32xf32, #tpu.memory_space<hbm>> -> memref<640x32xf32, #tpu.memory_space<hbm>>
      %dma_start3A_52 = arith.constant 0 : i32
      %dma_start3A_53 = tpu.memref_slice %arg13[%mul3A_2, %dma_start3A_52] : memref<10240x32xf32, #tpu.memory_space<vmem_shared>> -> memref<640x32xf32, #tpu.memory_space<vmem_shared>>
      tpu.enqueue_dma source(%dma_start3A_53 : memref<640x32xf32, #tpu.memory_space<vmem_shared>>) target(%dma_start3A_51 : memref<640x32xf32, #tpu.memory_space<hbm>>) target_semaphore(%run_scoped3A : memref<!tpu.dma_semaphore, #tpu.memory_space<semaphore_mem>>)
      %dma_wait3A_54 = arith.constant 0 : i32
      %dma_wait3A_55 = tpu.memref_slice %arg6[%arg0, %mul3A_2, %dma_wait3A_54] : memref<2x10240x128xf32, #tpu.memory_space<hbm>> -> memref<1x640x32xf32, #tpu.memory_space<hbm>>
      %dma_wait3A_56 = tpu.memref_squeeze %dma_wait3A_55 : memref<1x640x32xf32, #tpu.memory_space<hbm>> -> memref<640x32xf32, #tpu.memory_space<hbm>>
      %dma_wait3A_57 = arith.constant 0 : i32
      %dma_wait3A_58 = tpu.memref_slice %arg13[%mul3A_2, %dma_wait3A_57] : memref<10240x32xf32, #tpu.memory_space<vmem_shared>> -> memref<640x32xf32, #tpu.memory_space<vmem_shared>>
      tpu.wait_dma2 semaphore(%run_scoped3A : memref<!tpu.dma_semaphore, #tpu.memory_space<semaphore_mem>>) src(%dma_wait3A_58 : memref<640x32xf32, #tpu.memory_space<vmem_shared>>) dst(%dma_wait3A_56 : memref<640x32xf32, #tpu.memory_space<hbm>>)
      tpu.yield
    }) : () -> ()
    return
  }
}

#map = affine_map<(d0, d1) -> (0, 0)>
#map1 = affine_map<(d0, d1) -> (0, 0, 0)>
module attributes {stable_mosaic.version = 14 : i64} {
  func.func @k(%arg0: i32, %arg1: i32, %arg2: memref<20480x64xf32, #tpu.memory_space<hbm>>, %arg3: memref<32x80x128xi32, #tpu.memory_space<hbm>>, %arg4: memref<32x80x128xi32, #tpu.memory_space<hbm>>, %arg5: memref<10240x64xf32, #tpu.memory_space<hbm>>, %arg6: memref<2x10240x128xf32, #tpu.memory_space<hbm>>, %arg7: memref<80x128xi32, #tpu.memory_space<vmem>>, %arg8: memref<80x128xi32, #tpu.memory_space<vmem>>, %arg9: memref<128x64xf32, #tpu.memory_space<vmem>>, %arg10: memref<128x64xf32, #tpu.memory_space<vmem>>, %arg11: memref<128x64xf32, #tpu.memory_space<vmem>>, %arg12: memref<128x64xf32, #tpu.memory_space<vmem>>, %arg13: memref<10240x64xf32, #tpu.memory_space<vmem_shared>>, %arg14: memref<!tpu.dma_semaphore, #tpu.memory_space<semaphore_mem>>, %arg15: memref<!tpu.dma_semaphore, #tpu.memory_space<semaphore_mem>>, %arg16: memref<!tpu.dma_semaphore, #tpu.memory_space<semaphore_mem>>, %arg17: memref<!tpu.dma_semaphore, #tpu.memory_space<semaphore_mem>>, %arg18: memref<!tpu.dma_semaphore, #tpu.memory_space<semaphore_mem>>, %arg19: memref<!tpu.dma_semaphore, #tpu.memory_space<semaphore_mem>>, %arg20: memref<!tpu.dma_semaphore, #tpu.memory_space<semaphore_mem>>, %arg21: memref<!tpu.dma_semaphore, #tpu.memory_space<semaphore_mem>>) attributes {dimension_semantics = [#tpu.dimension_semantics<core_parallel>, #tpu.dimension_semantics<subcore_parallel>], iteration_bounds = array<i64: 2, 16>, scalar_prefetch = 0 : i64, scratch_operands = 15 : i64, tpu.core_type = #tpu.core_type<sc_vector_subcore>, window_params = [{transform_indices = #map}, {transform_indices = #map1}, {transform_indices = #map1}, {transform_indices = #map}, {transform_indices = #map1}]} {
    %mul3A = arith.constant 2 : i32
    %mul3A_0 = arith.muli %arg1, %mul3A : i32
    %add3A = arith.addi %mul3A_0, %arg0 : i32
    "tpu.region"() ({
      %run_scoped3A = tpu.sem_alloc : memref<!tpu.dma_semaphore, #tpu.memory_space<semaphore_mem>>
      %dma_start3A_49 = arith.constant 0 : i32
      %dma_start3A_50 = arith.constant 0 : i32
      %dma_start3A_51 = tpu.memref_slice %arg3[%add3A, %dma_start3A_49, %dma_start3A_50] : memref<32x80x128xi32, #tpu.memory_space<hbm>> -> memref<1x80x128xi32, #tpu.memory_space<hbm>>
      %dma_start3A_52 = tpu.memref_squeeze %dma_start3A_51 : memref<1x80x128xi32, #tpu.memory_space<hbm>> -> memref<80x128xi32, #tpu.memory_space<hbm>>
      %dma_start3A_53 = arith.constant 0 : i32
      %dma_start3A_54 = arith.constant 0 : i32
      %dma_start3A_55 = tpu.memref_slice %arg3[%add3A, %dma_start3A_53, %dma_start3A_54] : memref<32x80x128xi32, #tpu.memory_space<hbm>> -> memref<1x80x128xi32, #tpu.memory_space<hbm>>
      %dma_start3A_56 = tpu.memref_squeeze %dma_start3A_55 : memref<1x80x128xi32, #tpu.memory_space<hbm>> -> memref<80x128xi32, #tpu.memory_space<hbm>>
      tpu.enqueue_dma source(%dma_start3A_56 : memref<80x128xi32, #tpu.memory_space<hbm>>) target(%arg7 : memref<80x128xi32, #tpu.memory_space<vmem>>) target_semaphore(%run_scoped3A : memref<!tpu.dma_semaphore, #tpu.memory_space<semaphore_mem>>)
      %dma_wait3A_57 = arith.constant 0 : i32
      %dma_wait3A_58 = arith.constant 0 : i32
      %dma_wait3A_59 = tpu.memref_slice %arg3[%add3A, %dma_wait3A_57, %dma_wait3A_58] : memref<32x80x128xi32, #tpu.memory_space<hbm>> -> memref<1x80x128xi32, #tpu.memory_space<hbm>>
      %dma_wait3A_60 = tpu.memref_squeeze %dma_wait3A_59 : memref<1x80x128xi32, #tpu.memory_space<hbm>> -> memref<80x128xi32, #tpu.memory_space<hbm>>
      %dma_wait3A_61 = arith.constant 0 : i32
      %dma_wait3A_62 = arith.constant 0 : i32
      %dma_wait3A_63 = tpu.memref_slice %arg3[%add3A, %dma_wait3A_61, %dma_wait3A_62] : memref<32x80x128xi32, #tpu.memory_space<hbm>> -> memref<1x80x128xi32, #tpu.memory_space<hbm>>
      %dma_wait3A_64 = tpu.memref_squeeze %dma_wait3A_63 : memref<1x80x128xi32, #tpu.memory_space<hbm>> -> memref<80x128xi32, #tpu.memory_space<hbm>>
      tpu.wait_dma2 semaphore(%run_scoped3A : memref<!tpu.dma_semaphore, #tpu.memory_space<semaphore_mem>>) src(%dma_wait3A_64 : memref<80x128xi32, #tpu.memory_space<hbm>>) dst(%arg7 : memref<80x128xi32, #tpu.memory_space<vmem>>)
      tpu.yield
    }) : () -> ()
    "tpu.region"() ({
      %run_scoped3A = tpu.sem_alloc : memref<!tpu.dma_semaphore, #tpu.memory_space<semaphore_mem>>
      %dma_start3A_49 = arith.constant 0 : i32
      %dma_start3A_50 = arith.constant 0 : i32
      %dma_start3A_51 = tpu.memref_slice %arg4[%add3A, %dma_start3A_49, %dma_start3A_50] : memref<32x80x128xi32, #tpu.memory_space<hbm>> -> memref<1x80x128xi32, #tpu.memory_space<hbm>>
      %dma_start3A_52 = tpu.memref_squeeze %dma_start3A_51 : memref<1x80x128xi32, #tpu.memory_space<hbm>> -> memref<80x128xi32, #tpu.memory_space<hbm>>
      %dma_start3A_53 = arith.constant 0 : i32
      %dma_start3A_54 = arith.constant 0 : i32
      %dma_start3A_55 = tpu.memref_slice %arg4[%add3A, %dma_start3A_53, %dma_start3A_54] : memref<32x80x128xi32, #tpu.memory_space<hbm>> -> memref<1x80x128xi32, #tpu.memory_space<hbm>>
      %dma_start3A_56 = tpu.memref_squeeze %dma_start3A_55 : memref<1x80x128xi32, #tpu.memory_space<hbm>> -> memref<80x128xi32, #tpu.memory_space<hbm>>
      tpu.enqueue_dma source(%dma_start3A_56 : memref<80x128xi32, #tpu.memory_space<hbm>>) target(%arg8 : memref<80x128xi32, #tpu.memory_space<vmem>>) target_semaphore(%run_scoped3A : memref<!tpu.dma_semaphore, #tpu.memory_space<semaphore_mem>>)
      %dma_wait3A_57 = arith.constant 0 : i32
      %dma_wait3A_58 = arith.constant 0 : i32
      %dma_wait3A_59 = tpu.memref_slice %arg4[%add3A, %dma_wait3A_57, %dma_wait3A_58] : memref<32x80x128xi32, #tpu.memory_space<hbm>> -> memref<1x80x128xi32, #tpu.memory_space<hbm>>
      %dma_wait3A_60 = tpu.memref_squeeze %dma_wait3A_59 : memref<1x80x128xi32, #tpu.memory_space<hbm>> -> memref<80x128xi32, #tpu.memory_space<hbm>>
      %dma_wait3A_61 = arith.constant 0 : i32
      %dma_wait3A_62 = arith.constant 0 : i32
      %dma_wait3A_63 = tpu.memref_slice %arg4[%add3A, %dma_wait3A_61, %dma_wait3A_62] : memref<32x80x128xi32, #tpu.memory_space<hbm>> -> memref<1x80x128xi32, #tpu.memory_space<hbm>>
      %dma_wait3A_64 = tpu.memref_squeeze %dma_wait3A_63 : memref<1x80x128xi32, #tpu.memory_space<hbm>> -> memref<80x128xi32, #tpu.memory_space<hbm>>
      tpu.wait_dma2 semaphore(%run_scoped3A : memref<!tpu.dma_semaphore, #tpu.memory_space<semaphore_mem>>) src(%dma_wait3A_64 : memref<80x128xi32, #tpu.memory_space<hbm>>) dst(%arg8 : memref<80x128xi32, #tpu.memory_space<vmem>>)
      tpu.yield
    }) : () -> ()
    %mul3A_1 = arith.constant 640 : i32
    %mul3A_2 = arith.muli %arg1, %mul3A_1 : i32
    "tpu.region"() ({
      %run_scoped3A = tpu.sem_alloc : memref<!tpu.dma_semaphore, #tpu.memory_space<semaphore_mem>>
      %dma_start3A_49 = arith.constant 0 : i32
      %dma_start3A_50 = tpu.memref_slice %arg13[%mul3A_2, %dma_start3A_49] : memref<10240x64xf32, #tpu.memory_space<vmem_shared>> -> memref<640x64xf32, #tpu.memory_space<vmem_shared>>
      %dma_start3A_51 = arith.constant 0 : i32
      %dma_start3A_52 = tpu.memref_slice %arg5[%mul3A_2, %dma_start3A_51] : memref<10240x64xf32, #tpu.memory_space<hbm>> -> memref<640x64xf32, #tpu.memory_space<hbm>>
      tpu.enqueue_dma source(%dma_start3A_52 : memref<640x64xf32, #tpu.memory_space<hbm>>) target(%dma_start3A_50 : memref<640x64xf32, #tpu.memory_space<vmem_shared>>) target_semaphore(%run_scoped3A : memref<!tpu.dma_semaphore, #tpu.memory_space<semaphore_mem>>)
      %dma_wait3A_53 = arith.constant 0 : i32
      %dma_wait3A_54 = tpu.memref_slice %arg13[%mul3A_2, %dma_wait3A_53] : memref<10240x64xf32, #tpu.memory_space<vmem_shared>> -> memref<640x64xf32, #tpu.memory_space<vmem_shared>>
      %dma_wait3A_55 = arith.constant 0 : i32
      %dma_wait3A_56 = tpu.memref_slice %arg5[%mul3A_2, %dma_wait3A_55] : memref<10240x64xf32, #tpu.memory_space<hbm>> -> memref<640x64xf32, #tpu.memory_space<hbm>>
      tpu.wait_dma2 semaphore(%run_scoped3A : memref<!tpu.dma_semaphore, #tpu.memory_space<semaphore_mem>>) src(%dma_wait3A_56 : memref<640x64xf32, #tpu.memory_space<hbm>>) dst(%dma_wait3A_54 : memref<640x64xf32, #tpu.memory_space<vmem_shared>>)
      tpu.yield
    }) : () -> ()
    %barrier3A = arith.constant 0 : index
    tpu.barrier barrier_id(%barrier3A)
    %dma_start3A = arith.constant 0 : i32
    %dma_start3A_3 = arith.constant 0 : i32
    %dma_start3A_4 = tpu.memref_slice %arg7[%dma_start3A, %dma_start3A_3] : memref<80x128xi32, #tpu.memory_space<vmem>> -> memref<1x128xi32, #tpu.memory_space<vmem>>
    %dma_start3A_5 = tpu.memref_squeeze %dma_start3A_4 : memref<1x128xi32, #tpu.memory_space<vmem>> -> memref<128xi32, #tpu.memory_space<vmem>>
    %dma_start3A_6 = arith.constant 0 : i32
    %dma_start3A_7 = arith.constant 0 : i32
    %dma_start3A_8 = tpu.memref_slice %arg2[%dma_start3A_6, %dma_start3A_7] : memref<20480x64xf32, #tpu.memory_space<hbm>> -> memref<20480x64xf32, #tpu.memory_space<hbm>>
    tpu.enqueue_indirect_dma source(%dma_start3A_8 : memref<20480x64xf32, #tpu.memory_space<hbm>>) target(%arg9 : memref<128x64xf32, #tpu.memory_space<vmem>>) offsets(%dma_start3A_5 : memref<128xi32, #tpu.memory_space<vmem>>) semaphore(%arg14 : memref<!tpu.dma_semaphore, #tpu.memory_space<semaphore_mem>>)
    %dma_start3A_9 = arith.constant 1 : i32
    %dma_start3A_10 = arith.constant 0 : i32
    %dma_start3A_11 = tpu.memref_slice %arg7[%dma_start3A_9, %dma_start3A_10] : memref<80x128xi32, #tpu.memory_space<vmem>> -> memref<1x128xi32, #tpu.memory_space<vmem>>
    %dma_start3A_12 = tpu.memref_squeeze %dma_start3A_11 : memref<1x128xi32, #tpu.memory_space<vmem>> -> memref<128xi32, #tpu.memory_space<vmem>>
    %dma_start3A_13 = arith.constant 0 : i32
    %dma_start3A_14 = arith.constant 0 : i32
    %dma_start3A_15 = tpu.memref_slice %arg2[%dma_start3A_13, %dma_start3A_14] : memref<20480x64xf32, #tpu.memory_space<hbm>> -> memref<20480x64xf32, #tpu.memory_space<hbm>>
    tpu.enqueue_indirect_dma source(%dma_start3A_15 : memref<20480x64xf32, #tpu.memory_space<hbm>>) target(%arg10 : memref<128x64xf32, #tpu.memory_space<vmem>>) offsets(%dma_start3A_12 : memref<128xi32, #tpu.memory_space<vmem>>) semaphore(%arg15 : memref<!tpu.dma_semaphore, #tpu.memory_space<semaphore_mem>>)
    %scan3A = arith.constant 0 : i32
    %scan3A_16 = arith.constant 0 : i32
    %scan3A_17 = arith.constant 20 : i32
    %scan3A_18 = arith.addi %scan3A_16, %scan3A_17 : i32
    %scan3A_19 = arith.constant 1 : i32
    scf.for %scan3A_49 = %scan3A_16 to %scan3A_18 step %scan3A_19  : i32 {
      %mul3A_50 = arith.constant 4 : i32
      %mul3A_51 = arith.muli %mul3A_50, %scan3A_49 : i32
      %add3A_52 = arith.constant 0 : i32
      %add3A_53 = arith.addi %mul3A_51, %add3A_52 : i32
      %dma_wait3A_54 = arith.constant 0 : i32
      %dma_wait3A_55 = tpu.memref_slice %arg7[%add3A_53, %dma_wait3A_54] : memref<80x128xi32, #tpu.memory_space<vmem>> -> memref<1x128xi32, #tpu.memory_space<vmem>>
      %dma_wait3A_56 = tpu.memref_squeeze %dma_wait3A_55 : memref<1x128xi32, #tpu.memory_space<vmem>> -> memref<128xi32, #tpu.memory_space<vmem>>
      %dma_wait3A_57 = arith.constant 0 : i32
      %dma_wait3A_58 = arith.constant 0 : i32
      %dma_wait3A_59 = tpu.memref_slice %arg2[%dma_wait3A_57, %dma_wait3A_58] : memref<20480x64xf32, #tpu.memory_space<hbm>> -> memref<20480x64xf32, #tpu.memory_space<hbm>>
      tpu.wait_indirect_dma semaphore(%arg14 : memref<!tpu.dma_semaphore, #tpu.memory_space<semaphore_mem>>) src(%dma_wait3A_59 : memref<20480x64xf32, #tpu.memory_space<hbm>>) dst(%arg9 : memref<128x64xf32, #tpu.memory_space<vmem>>)
      %dma_start3A_60 = arith.constant 0 : i32
      %dma_start3A_61 = tpu.memref_slice %arg8[%add3A_53, %dma_start3A_60] : memref<80x128xi32, #tpu.memory_space<vmem>> -> memref<1x128xi32, #tpu.memory_space<vmem>>
      %dma_start3A_62 = tpu.memref_squeeze %dma_start3A_61 : memref<1x128xi32, #tpu.memory_space<vmem>> -> memref<128xi32, #tpu.memory_space<vmem>>
      %dma_start3A_63 = arith.constant 0 : i32
      %dma_start3A_64 = arith.constant 0 : i32
      %dma_start3A_65 = tpu.memref_slice %arg13[%dma_start3A_63, %dma_start3A_64] : memref<10240x64xf32, #tpu.memory_space<vmem_shared>> -> memref<10240x64xf32, #tpu.memory_space<vmem_shared>>
      tpu.enqueue_indirect_dma source(%arg9 : memref<128x64xf32, #tpu.memory_space<vmem>>) target(%dma_start3A_65 : memref<10240x64xf32, #tpu.memory_space<vmem_shared>>) offsets(%dma_start3A_62 : memref<128xi32, #tpu.memory_space<vmem>>) semaphore(%arg18 : memref<!tpu.dma_semaphore, #tpu.memory_space<semaphore_mem>>) {add = true}
      %add3A_66 = arith.constant 2 : i32
      %add3A_67 = arith.addi %add3A_53, %add3A_66 : i32
      %lt3A = arith.constant 80 : i32
      %lt3A_68 = arith.cmpi slt, %add3A_67, %lt3A : i32
      %convert_element_type3A = arith.extui %lt3A_68 : i1 to i32
      %cond3A = arith.constant 0 : i32
      %cond3A_69 = arith.cmpi ne, %convert_element_type3A, %cond3A : i32
      scf.if %cond3A_69 {
        %ge3A = arith.constant 2 : i32
        %ge3A_139 = arith.cmpi sge, %add3A_53, %ge3A : i32
        %convert_element_type3A_140 = arith.extui %ge3A_139 : i1 to i32
        %cond3A_141 = arith.constant 0 : i32
        %cond3A_142 = arith.cmpi ne, %convert_element_type3A_140, %cond3A_141 : i32
        scf.if %cond3A_142 {
          %sub3A = arith.constant 2 : i32
          %sub3A_151 = arith.subi %add3A_53, %sub3A : i32
          %dma_wait3A_152 = arith.constant 0 : i32
          %dma_wait3A_153 = tpu.memref_slice %arg8[%sub3A_151, %dma_wait3A_152] : memref<80x128xi32, #tpu.memory_space<vmem>> -> memref<1x128xi32, #tpu.memory_space<vmem>>
          %dma_wait3A_154 = tpu.memref_squeeze %dma_wait3A_153 : memref<1x128xi32, #tpu.memory_space<vmem>> -> memref<128xi32, #tpu.memory_space<vmem>>
          %dma_wait3A_155 = arith.constant 0 : i32
          %dma_wait3A_156 = arith.constant 0 : i32
          %dma_wait3A_157 = tpu.memref_slice %arg13[%dma_wait3A_155, %dma_wait3A_156] : memref<10240x64xf32, #tpu.memory_space<vmem_shared>> -> memref<10240x64xf32, #tpu.memory_space<vmem_shared>>
          tpu.wait_indirect_dma semaphore(%arg20 : memref<!tpu.dma_semaphore, #tpu.memory_space<semaphore_mem>>) src(%arg11 : memref<128x64xf32, #tpu.memory_space<vmem>>) dst(%dma_wait3A_157 : memref<10240x64xf32, #tpu.memory_space<vmem_shared>>)
        } else {
        }
        %add3A_143 = arith.constant 2 : i32
        %add3A_144 = arith.addi %add3A_53, %add3A_143 : i32
        %dma_start3A_145 = arith.constant 0 : i32
        %dma_start3A_146 = tpu.memref_slice %arg7[%add3A_144, %dma_start3A_145] : memref<80x128xi32, #tpu.memory_space<vmem>> -> memref<1x128xi32, #tpu.memory_space<vmem>>
        %dma_start3A_147 = tpu.memref_squeeze %dma_start3A_146 : memref<1x128xi32, #tpu.memory_space<vmem>> -> memref<128xi32, #tpu.memory_space<vmem>>
        %dma_start3A_148 = arith.constant 0 : i32
        %dma_start3A_149 = arith.constant 0 : i32
        %dma_start3A_150 = tpu.memref_slice %arg2[%dma_start3A_148, %dma_start3A_149] : memref<20480x64xf32, #tpu.memory_space<hbm>> -> memref<20480x64xf32, #tpu.memory_space<hbm>>
        tpu.enqueue_indirect_dma source(%dma_start3A_150 : memref<20480x64xf32, #tpu.memory_space<hbm>>) target(%arg11 : memref<128x64xf32, #tpu.memory_space<vmem>>) offsets(%dma_start3A_147 : memref<128xi32, #tpu.memory_space<vmem>>) semaphore(%arg16 : memref<!tpu.dma_semaphore, #tpu.memory_space<semaphore_mem>>)
      } else {
      }
      %mul3A_70 = arith.constant 4 : i32
      %mul3A_71 = arith.muli %mul3A_70, %scan3A_49 : i32
      %add3A_72 = arith.constant 1 : i32
      %add3A_73 = arith.addi %mul3A_71, %add3A_72 : i32
      %dma_wait3A_74 = arith.constant 0 : i32
      %dma_wait3A_75 = tpu.memref_slice %arg7[%add3A_73, %dma_wait3A_74] : memref<80x128xi32, #tpu.memory_space<vmem>> -> memref<1x128xi32, #tpu.memory_space<vmem>>
      %dma_wait3A_76 = tpu.memref_squeeze %dma_wait3A_75 : memref<1x128xi32, #tpu.memory_space<vmem>> -> memref<128xi32, #tpu.memory_space<vmem>>
      %dma_wait3A_77 = arith.constant 0 : i32
      %dma_wait3A_78 = arith.constant 0 : i32
      %dma_wait3A_79 = tpu.memref_slice %arg2[%dma_wait3A_77, %dma_wait3A_78] : memref<20480x64xf32, #tpu.memory_space<hbm>> -> memref<20480x64xf32, #tpu.memory_space<hbm>>
      tpu.wait_indirect_dma semaphore(%arg15 : memref<!tpu.dma_semaphore, #tpu.memory_space<semaphore_mem>>) src(%dma_wait3A_79 : memref<20480x64xf32, #tpu.memory_space<hbm>>) dst(%arg10 : memref<128x64xf32, #tpu.memory_space<vmem>>)
      %dma_start3A_80 = arith.constant 0 : i32
      %dma_start3A_81 = tpu.memref_slice %arg8[%add3A_73, %dma_start3A_80] : memref<80x128xi32, #tpu.memory_space<vmem>> -> memref<1x128xi32, #tpu.memory_space<vmem>>
      %dma_start3A_82 = tpu.memref_squeeze %dma_start3A_81 : memref<1x128xi32, #tpu.memory_space<vmem>> -> memref<128xi32, #tpu.memory_space<vmem>>
      %dma_start3A_83 = arith.constant 0 : i32
      %dma_start3A_84 = arith.constant 0 : i32
      %dma_start3A_85 = tpu.memref_slice %arg13[%dma_start3A_83, %dma_start3A_84] : memref<10240x64xf32, #tpu.memory_space<vmem_shared>> -> memref<10240x64xf32, #tpu.memory_space<vmem_shared>>
      tpu.enqueue_indirect_dma source(%arg10 : memref<128x64xf32, #tpu.memory_space<vmem>>) target(%dma_start3A_85 : memref<10240x64xf32, #tpu.memory_space<vmem_shared>>) offsets(%dma_start3A_82 : memref<128xi32, #tpu.memory_space<vmem>>) semaphore(%arg19 : memref<!tpu.dma_semaphore, #tpu.memory_space<semaphore_mem>>) {add = true}
      %add3A_86 = arith.constant 2 : i32
      %add3A_87 = arith.addi %add3A_73, %add3A_86 : i32
      %lt3A_88 = arith.constant 80 : i32
      %lt3A_89 = arith.cmpi slt, %add3A_87, %lt3A_88 : i32
      %convert_element_type3A_90 = arith.extui %lt3A_89 : i1 to i32
      %cond3A_91 = arith.constant 0 : i32
      %cond3A_92 = arith.cmpi ne, %convert_element_type3A_90, %cond3A_91 : i32
      scf.if %cond3A_92 {
        %ge3A = arith.constant 2 : i32
        %ge3A_139 = arith.cmpi sge, %add3A_73, %ge3A : i32
        %convert_element_type3A_140 = arith.extui %ge3A_139 : i1 to i32
        %cond3A_141 = arith.constant 0 : i32
        %cond3A_142 = arith.cmpi ne, %convert_element_type3A_140, %cond3A_141 : i32
        scf.if %cond3A_142 {
          %sub3A = arith.constant 2 : i32
          %sub3A_151 = arith.subi %add3A_73, %sub3A : i32
          %dma_wait3A_152 = arith.constant 0 : i32
          %dma_wait3A_153 = tpu.memref_slice %arg8[%sub3A_151, %dma_wait3A_152] : memref<80x128xi32, #tpu.memory_space<vmem>> -> memref<1x128xi32, #tpu.memory_space<vmem>>
          %dma_wait3A_154 = tpu.memref_squeeze %dma_wait3A_153 : memref<1x128xi32, #tpu.memory_space<vmem>> -> memref<128xi32, #tpu.memory_space<vmem>>
          %dma_wait3A_155 = arith.constant 0 : i32
          %dma_wait3A_156 = arith.constant 0 : i32
          %dma_wait3A_157 = tpu.memref_slice %arg13[%dma_wait3A_155, %dma_wait3A_156] : memref<10240x64xf32, #tpu.memory_space<vmem_shared>> -> memref<10240x64xf32, #tpu.memory_space<vmem_shared>>
          tpu.wait_indirect_dma semaphore(%arg21 : memref<!tpu.dma_semaphore, #tpu.memory_space<semaphore_mem>>) src(%arg12 : memref<128x64xf32, #tpu.memory_space<vmem>>) dst(%dma_wait3A_157 : memref<10240x64xf32, #tpu.memory_space<vmem_shared>>)
        } else {
        }
        %add3A_143 = arith.constant 2 : i32
        %add3A_144 = arith.addi %add3A_73, %add3A_143 : i32
        %dma_start3A_145 = arith.constant 0 : i32
        %dma_start3A_146 = tpu.memref_slice %arg7[%add3A_144, %dma_start3A_145] : memref<80x128xi32, #tpu.memory_space<vmem>> -> memref<1x128xi32, #tpu.memory_space<vmem>>
        %dma_start3A_147 = tpu.memref_squeeze %dma_start3A_146 : memref<1x128xi32, #tpu.memory_space<vmem>> -> memref<128xi32, #tpu.memory_space<vmem>>
        %dma_start3A_148 = arith.constant 0 : i32
        %dma_start3A_149 = arith.constant 0 : i32
        %dma_start3A_150 = tpu.memref_slice %arg2[%dma_start3A_148, %dma_start3A_149] : memref<20480x64xf32, #tpu.memory_space<hbm>> -> memref<20480x64xf32, #tpu.memory_space<hbm>>
        tpu.enqueue_indirect_dma source(%dma_start3A_150 : memref<20480x64xf32, #tpu.memory_space<hbm>>) target(%arg12 : memref<128x64xf32, #tpu.memory_space<vmem>>) offsets(%dma_start3A_147 : memref<128xi32, #tpu.memory_space<vmem>>) semaphore(%arg17 : memref<!tpu.dma_semaphore, #tpu.memory_space<semaphore_mem>>)
      } else {
      }
      %mul3A_93 = arith.constant 4 : i32
      %mul3A_94 = arith.muli %mul3A_93, %scan3A_49 : i32
      %add3A_95 = arith.constant 2 : i32
      %add3A_96 = arith.addi %mul3A_94, %add3A_95 : i32
      %dma_wait3A_97 = arith.constant 0 : i32
      %dma_wait3A_98 = tpu.memref_slice %arg7[%add3A_96, %dma_wait3A_97] : memref<80x128xi32, #tpu.memory_space<vmem>> -> memref<1x128xi32, #tpu.memory_space<vmem>>
      %dma_wait3A_99 = tpu.memref_squeeze %dma_wait3A_98 : memref<1x128xi32, #tpu.memory_space<vmem>> -> memref<128xi32, #tpu.memory_space<vmem>>
      %dma_wait3A_100 = arith.constant 0 : i32
      %dma_wait3A_101 = arith.constant 0 : i32
      %dma_wait3A_102 = tpu.memref_slice %arg2[%dma_wait3A_100, %dma_wait3A_101] : memref<20480x64xf32, #tpu.memory_space<hbm>> -> memref<20480x64xf32, #tpu.memory_space<hbm>>
      tpu.wait_indirect_dma semaphore(%arg16 : memref<!tpu.dma_semaphore, #tpu.memory_space<semaphore_mem>>) src(%dma_wait3A_102 : memref<20480x64xf32, #tpu.memory_space<hbm>>) dst(%arg11 : memref<128x64xf32, #tpu.memory_space<vmem>>)
      %dma_start3A_103 = arith.constant 0 : i32
      %dma_start3A_104 = tpu.memref_slice %arg8[%add3A_96, %dma_start3A_103] : memref<80x128xi32, #tpu.memory_space<vmem>> -> memref<1x128xi32, #tpu.memory_space<vmem>>
      %dma_start3A_105 = tpu.memref_squeeze %dma_start3A_104 : memref<1x128xi32, #tpu.memory_space<vmem>> -> memref<128xi32, #tpu.memory_space<vmem>>
      %dma_start3A_106 = arith.constant 0 : i32
      %dma_start3A_107 = arith.constant 0 : i32
      %dma_start3A_108 = tpu.memref_slice %arg13[%dma_start3A_106, %dma_start3A_107] : memref<10240x64xf32, #tpu.memory_space<vmem_shared>> -> memref<10240x64xf32, #tpu.memory_space<vmem_shared>>
      tpu.enqueue_indirect_dma source(%arg11 : memref<128x64xf32, #tpu.memory_space<vmem>>) target(%dma_start3A_108 : memref<10240x64xf32, #tpu.memory_space<vmem_shared>>) offsets(%dma_start3A_105 : memref<128xi32, #tpu.memory_space<vmem>>) semaphore(%arg20 : memref<!tpu.dma_semaphore, #tpu.memory_space<semaphore_mem>>) {add = true}
      %add3A_109 = arith.constant 2 : i32
      %add3A_110 = arith.addi %add3A_96, %add3A_109 : i32
      %lt3A_111 = arith.constant 80 : i32
      %lt3A_112 = arith.cmpi slt, %add3A_110, %lt3A_111 : i32
      %convert_element_type3A_113 = arith.extui %lt3A_112 : i1 to i32
      %cond3A_114 = arith.constant 0 : i32
      %cond3A_115 = arith.cmpi ne, %convert_element_type3A_113, %cond3A_114 : i32
      scf.if %cond3A_115 {
        %ge3A = arith.constant 2 : i32
        %ge3A_139 = arith.cmpi sge, %add3A_96, %ge3A : i32
        %convert_element_type3A_140 = arith.extui %ge3A_139 : i1 to i32
        %cond3A_141 = arith.constant 0 : i32
        %cond3A_142 = arith.cmpi ne, %convert_element_type3A_140, %cond3A_141 : i32
        scf.if %cond3A_142 {
          %sub3A = arith.constant 2 : i32
          %sub3A_151 = arith.subi %add3A_96, %sub3A : i32
          %dma_wait3A_152 = arith.constant 0 : i32
          %dma_wait3A_153 = tpu.memref_slice %arg8[%sub3A_151, %dma_wait3A_152] : memref<80x128xi32, #tpu.memory_space<vmem>> -> memref<1x128xi32, #tpu.memory_space<vmem>>
          %dma_wait3A_154 = tpu.memref_squeeze %dma_wait3A_153 : memref<1x128xi32, #tpu.memory_space<vmem>> -> memref<128xi32, #tpu.memory_space<vmem>>
          %dma_wait3A_155 = arith.constant 0 : i32
          %dma_wait3A_156 = arith.constant 0 : i32
          %dma_wait3A_157 = tpu.memref_slice %arg13[%dma_wait3A_155, %dma_wait3A_156] : memref<10240x64xf32, #tpu.memory_space<vmem_shared>> -> memref<10240x64xf32, #tpu.memory_space<vmem_shared>>
          tpu.wait_indirect_dma semaphore(%arg18 : memref<!tpu.dma_semaphore, #tpu.memory_space<semaphore_mem>>) src(%arg9 : memref<128x64xf32, #tpu.memory_space<vmem>>) dst(%dma_wait3A_157 : memref<10240x64xf32, #tpu.memory_space<vmem_shared>>)
        } else {
        }
        %add3A_143 = arith.constant 2 : i32
        %add3A_144 = arith.addi %add3A_96, %add3A_143 : i32
        %dma_start3A_145 = arith.constant 0 : i32
        %dma_start3A_146 = tpu.memref_slice %arg7[%add3A_144, %dma_start3A_145] : memref<80x128xi32, #tpu.memory_space<vmem>> -> memref<1x128xi32, #tpu.memory_space<vmem>>
        %dma_start3A_147 = tpu.memref_squeeze %dma_start3A_146 : memref<1x128xi32, #tpu.memory_space<vmem>> -> memref<128xi32, #tpu.memory_space<vmem>>
        %dma_start3A_148 = arith.constant 0 : i32
        %dma_start3A_149 = arith.constant 0 : i32
        %dma_start3A_150 = tpu.memref_slice %arg2[%dma_start3A_148, %dma_start3A_149] : memref<20480x64xf32, #tpu.memory_space<hbm>> -> memref<20480x64xf32, #tpu.memory_space<hbm>>
        tpu.enqueue_indirect_dma source(%dma_start3A_150 : memref<20480x64xf32, #tpu.memory_space<hbm>>) target(%arg9 : memref<128x64xf32, #tpu.memory_space<vmem>>) offsets(%dma_start3A_147 : memref<128xi32, #tpu.memory_space<vmem>>) semaphore(%arg14 : memref<!tpu.dma_semaphore, #tpu.memory_space<semaphore_mem>>)
      } else {
      }
      %mul3A_116 = arith.constant 4 : i32
      %mul3A_117 = arith.muli %mul3A_116, %scan3A_49 : i32
      %add3A_118 = arith.constant 3 : i32
      %add3A_119 = arith.addi %mul3A_117, %add3A_118 : i32
      %dma_wait3A_120 = arith.constant 0 : i32
      %dma_wait3A_121 = tpu.memref_slice %arg7[%add3A_119, %dma_wait3A_120] : memref<80x128xi32, #tpu.memory_space<vmem>> -> memref<1x128xi32, #tpu.memory_space<vmem>>
      %dma_wait3A_122 = tpu.memref_squeeze %dma_wait3A_121 : memref<1x128xi32, #tpu.memory_space<vmem>> -> memref<128xi32, #tpu.memory_space<vmem>>
      %dma_wait3A_123 = arith.constant 0 : i32
      %dma_wait3A_124 = arith.constant 0 : i32
      %dma_wait3A_125 = tpu.memref_slice %arg2[%dma_wait3A_123, %dma_wait3A_124] : memref<20480x64xf32, #tpu.memory_space<hbm>> -> memref<20480x64xf32, #tpu.memory_space<hbm>>
      tpu.wait_indirect_dma semaphore(%arg17 : memref<!tpu.dma_semaphore, #tpu.memory_space<semaphore_mem>>) src(%dma_wait3A_125 : memref<20480x64xf32, #tpu.memory_space<hbm>>) dst(%arg12 : memref<128x64xf32, #tpu.memory_space<vmem>>)
      %dma_start3A_126 = arith.constant 0 : i32
      %dma_start3A_127 = tpu.memref_slice %arg8[%add3A_119, %dma_start3A_126] : memref<80x128xi32, #tpu.memory_space<vmem>> -> memref<1x128xi32, #tpu.memory_space<vmem>>
      %dma_start3A_128 = tpu.memref_squeeze %dma_start3A_127 : memref<1x128xi32, #tpu.memory_space<vmem>> -> memref<128xi32, #tpu.memory_space<vmem>>
      %dma_start3A_129 = arith.constant 0 : i32
      %dma_start3A_130 = arith.constant 0 : i32
      %dma_start3A_131 = tpu.memref_slice %arg13[%dma_start3A_129, %dma_start3A_130] : memref<10240x64xf32, #tpu.memory_space<vmem_shared>> -> memref<10240x64xf32, #tpu.memory_space<vmem_shared>>
      tpu.enqueue_indirect_dma source(%arg12 : memref<128x64xf32, #tpu.memory_space<vmem>>) target(%dma_start3A_131 : memref<10240x64xf32, #tpu.memory_space<vmem_shared>>) offsets(%dma_start3A_128 : memref<128xi32, #tpu.memory_space<vmem>>) semaphore(%arg21 : memref<!tpu.dma_semaphore, #tpu.memory_space<semaphore_mem>>) {add = true}
      %add3A_132 = arith.constant 2 : i32
      %add3A_133 = arith.addi %add3A_119, %add3A_132 : i32
      %lt3A_134 = arith.constant 80 : i32
      %lt3A_135 = arith.cmpi slt, %add3A_133, %lt3A_134 : i32
      %convert_element_type3A_136 = arith.extui %lt3A_135 : i1 to i32
      %cond3A_137 = arith.constant 0 : i32
      %cond3A_138 = arith.cmpi ne, %convert_element_type3A_136, %cond3A_137 : i32
      scf.if %cond3A_138 {
        %ge3A = arith.constant 2 : i32
        %ge3A_139 = arith.cmpi sge, %add3A_119, %ge3A : i32
        %convert_element_type3A_140 = arith.extui %ge3A_139 : i1 to i32
        %cond3A_141 = arith.constant 0 : i32
        %cond3A_142 = arith.cmpi ne, %convert_element_type3A_140, %cond3A_141 : i32
        scf.if %cond3A_142 {
          %sub3A = arith.constant 2 : i32
          %sub3A_151 = arith.subi %add3A_119, %sub3A : i32
          %dma_wait3A_152 = arith.constant 0 : i32
          %dma_wait3A_153 = tpu.memref_slice %arg8[%sub3A_151, %dma_wait3A_152] : memref<80x128xi32, #tpu.memory_space<vmem>> -> memref<1x128xi32, #tpu.memory_space<vmem>>
          %dma_wait3A_154 = tpu.memref_squeeze %dma_wait3A_153 : memref<1x128xi32, #tpu.memory_space<vmem>> -> memref<128xi32, #tpu.memory_space<vmem>>
          %dma_wait3A_155 = arith.constant 0 : i32
          %dma_wait3A_156 = arith.constant 0 : i32
          %dma_wait3A_157 = tpu.memref_slice %arg13[%dma_wait3A_155, %dma_wait3A_156] : memref<10240x64xf32, #tpu.memory_space<vmem_shared>> -> memref<10240x64xf32, #tpu.memory_space<vmem_shared>>
          tpu.wait_indirect_dma semaphore(%arg19 : memref<!tpu.dma_semaphore, #tpu.memory_space<semaphore_mem>>) src(%arg10 : memref<128x64xf32, #tpu.memory_space<vmem>>) dst(%dma_wait3A_157 : memref<10240x64xf32, #tpu.memory_space<vmem_shared>>)
        } else {
        }
        %add3A_143 = arith.constant 2 : i32
        %add3A_144 = arith.addi %add3A_119, %add3A_143 : i32
        %dma_start3A_145 = arith.constant 0 : i32
        %dma_start3A_146 = tpu.memref_slice %arg7[%add3A_144, %dma_start3A_145] : memref<80x128xi32, #tpu.memory_space<vmem>> -> memref<1x128xi32, #tpu.memory_space<vmem>>
        %dma_start3A_147 = tpu.memref_squeeze %dma_start3A_146 : memref<1x128xi32, #tpu.memory_space<vmem>> -> memref<128xi32, #tpu.memory_space<vmem>>
        %dma_start3A_148 = arith.constant 0 : i32
        %dma_start3A_149 = arith.constant 0 : i32
        %dma_start3A_150 = tpu.memref_slice %arg2[%dma_start3A_148, %dma_start3A_149] : memref<20480x64xf32, #tpu.memory_space<hbm>> -> memref<20480x64xf32, #tpu.memory_space<hbm>>
        tpu.enqueue_indirect_dma source(%dma_start3A_150 : memref<20480x64xf32, #tpu.memory_space<hbm>>) target(%arg10 : memref<128x64xf32, #tpu.memory_space<vmem>>) offsets(%dma_start3A_147 : memref<128xi32, #tpu.memory_space<vmem>>) semaphore(%arg15 : memref<!tpu.dma_semaphore, #tpu.memory_space<semaphore_mem>>)
      } else {
      }
    }
    %scan3A_20 = arith.constant 20 : i32
    %dma_wait3A = arith.constant 76 : i32
    %dma_wait3A_21 = arith.constant 0 : i32
    %dma_wait3A_22 = tpu.memref_slice %arg8[%dma_wait3A, %dma_wait3A_21] : memref<80x128xi32, #tpu.memory_space<vmem>> -> memref<1x128xi32, #tpu.memory_space<vmem>>
    %dma_wait3A_23 = tpu.memref_squeeze %dma_wait3A_22 : memref<1x128xi32, #tpu.memory_space<vmem>> -> memref<128xi32, #tpu.memory_space<vmem>>
    %dma_wait3A_24 = arith.constant 0 : i32
    %dma_wait3A_25 = arith.constant 0 : i32
    %dma_wait3A_26 = tpu.memref_slice %arg13[%dma_wait3A_24, %dma_wait3A_25] : memref<10240x64xf32, #tpu.memory_space<vmem_shared>> -> memref<10240x64xf32, #tpu.memory_space<vmem_shared>>
    tpu.wait_indirect_dma semaphore(%arg18 : memref<!tpu.dma_semaphore, #tpu.memory_space<semaphore_mem>>) src(%arg9 : memref<128x64xf32, #tpu.memory_space<vmem>>) dst(%dma_wait3A_26 : memref<10240x64xf32, #tpu.memory_space<vmem_shared>>)
    %dma_wait3A_27 = arith.constant 77 : i32
    %dma_wait3A_28 = arith.constant 0 : i32
    %dma_wait3A_29 = tpu.memref_slice %arg8[%dma_wait3A_27, %dma_wait3A_28] : memref<80x128xi32, #tpu.memory_space<vmem>> -> memref<1x128xi32, #tpu.memory_space<vmem>>
    %dma_wait3A_30 = tpu.memref_squeeze %dma_wait3A_29 : memref<1x128xi32, #tpu.memory_space<vmem>> -> memref<128xi32, #tpu.memory_space<vmem>>
    %dma_wait3A_31 = arith.constant 0 : i32
    %dma_wait3A_32 = arith.constant 0 : i32
    %dma_wait3A_33 = tpu.memref_slice %arg13[%dma_wait3A_31, %dma_wait3A_32] : memref<10240x64xf32, #tpu.memory_space<vmem_shared>> -> memref<10240x64xf32, #tpu.memory_space<vmem_shared>>
    tpu.wait_indirect_dma semaphore(%arg19 : memref<!tpu.dma_semaphore, #tpu.memory_space<semaphore_mem>>) src(%arg10 : memref<128x64xf32, #tpu.memory_space<vmem>>) dst(%dma_wait3A_33 : memref<10240x64xf32, #tpu.memory_space<vmem_shared>>)
    %dma_wait3A_34 = arith.constant 78 : i32
    %dma_wait3A_35 = arith.constant 0 : i32
    %dma_wait3A_36 = tpu.memref_slice %arg8[%dma_wait3A_34, %dma_wait3A_35] : memref<80x128xi32, #tpu.memory_space<vmem>> -> memref<1x128xi32, #tpu.memory_space<vmem>>
    %dma_wait3A_37 = tpu.memref_squeeze %dma_wait3A_36 : memref<1x128xi32, #tpu.memory_space<vmem>> -> memref<128xi32, #tpu.memory_space<vmem>>
    %dma_wait3A_38 = arith.constant 0 : i32
    %dma_wait3A_39 = arith.constant 0 : i32
    %dma_wait3A_40 = tpu.memref_slice %arg13[%dma_wait3A_38, %dma_wait3A_39] : memref<10240x64xf32, #tpu.memory_space<vmem_shared>> -> memref<10240x64xf32, #tpu.memory_space<vmem_shared>>
    tpu.wait_indirect_dma semaphore(%arg20 : memref<!tpu.dma_semaphore, #tpu.memory_space<semaphore_mem>>) src(%arg11 : memref<128x64xf32, #tpu.memory_space<vmem>>) dst(%dma_wait3A_40 : memref<10240x64xf32, #tpu.memory_space<vmem_shared>>)
    %dma_wait3A_41 = arith.constant 79 : i32
    %dma_wait3A_42 = arith.constant 0 : i32
    %dma_wait3A_43 = tpu.memref_slice %arg8[%dma_wait3A_41, %dma_wait3A_42] : memref<80x128xi32, #tpu.memory_space<vmem>> -> memref<1x128xi32, #tpu.memory_space<vmem>>
    %dma_wait3A_44 = tpu.memref_squeeze %dma_wait3A_43 : memref<1x128xi32, #tpu.memory_space<vmem>> -> memref<128xi32, #tpu.memory_space<vmem>>
    %dma_wait3A_45 = arith.constant 0 : i32
    %dma_wait3A_46 = arith.constant 0 : i32
    %dma_wait3A_47 = tpu.memref_slice %arg13[%dma_wait3A_45, %dma_wait3A_46] : memref<10240x64xf32, #tpu.memory_space<vmem_shared>> -> memref<10240x64xf32, #tpu.memory_space<vmem_shared>>
    tpu.wait_indirect_dma semaphore(%arg21 : memref<!tpu.dma_semaphore, #tpu.memory_space<semaphore_mem>>) src(%arg12 : memref<128x64xf32, #tpu.memory_space<vmem>>) dst(%dma_wait3A_47 : memref<10240x64xf32, #tpu.memory_space<vmem_shared>>)
    %barrier3A_48 = arith.constant 0 : index
    tpu.barrier barrier_id(%barrier3A_48)
    "tpu.region"() ({
      %run_scoped3A = tpu.sem_alloc : memref<!tpu.dma_semaphore, #tpu.memory_space<semaphore_mem>>
      %dma_start3A_49 = arith.constant 0 : i32
      %dma_start3A_50 = tpu.memref_slice %arg6[%arg0, %mul3A_2, %dma_start3A_49] : memref<2x10240x128xf32, #tpu.memory_space<hbm>> -> memref<1x640x64xf32, #tpu.memory_space<hbm>>
      %dma_start3A_51 = tpu.memref_squeeze %dma_start3A_50 : memref<1x640x64xf32, #tpu.memory_space<hbm>> -> memref<640x64xf32, #tpu.memory_space<hbm>>
      %dma_start3A_52 = arith.constant 0 : i32
      %dma_start3A_53 = tpu.memref_slice %arg13[%mul3A_2, %dma_start3A_52] : memref<10240x64xf32, #tpu.memory_space<vmem_shared>> -> memref<640x64xf32, #tpu.memory_space<vmem_shared>>
      tpu.enqueue_dma source(%dma_start3A_53 : memref<640x64xf32, #tpu.memory_space<vmem_shared>>) target(%dma_start3A_51 : memref<640x64xf32, #tpu.memory_space<hbm>>) target_semaphore(%run_scoped3A : memref<!tpu.dma_semaphore, #tpu.memory_space<semaphore_mem>>)
      %dma_wait3A_54 = arith.constant 0 : i32
      %dma_wait3A_55 = tpu.memref_slice %arg6[%arg0, %mul3A_2, %dma_wait3A_54] : memref<2x10240x128xf32, #tpu.memory_space<hbm>> -> memref<1x640x64xf32, #tpu.memory_space<hbm>>
      %dma_wait3A_56 = tpu.memref_squeeze %dma_wait3A_55 : memref<1x640x64xf32, #tpu.memory_space<hbm>> -> memref<640x64xf32, #tpu.memory_space<hbm>>
      %dma_wait3A_57 = arith.constant 0 : i32
      %dma_wait3A_58 = tpu.memref_slice %arg13[%mul3A_2, %dma_wait3A_57] : memref<10240x64xf32, #tpu.memory_space<vmem_shared>> -> memref<640x64xf32, #tpu.memory_space<vmem_shared>>
      tpu.wait_dma2 semaphore(%run_scoped3A : memref<!tpu.dma_semaphore, #tpu.memory_space<semaphore_mem>>) src(%dma_wait3A_58 : memref<640x64xf32, #tpu.memory_space<vmem_shared>>) dst(%dma_wait3A_56 : memref<640x64xf32, #tpu.memory_space<hbm>>)
      tpu.yield
    }) : () -> ()
    return
  }
}

#map = affine_map<(d0, d1) -> (0, 0, 0)>
#map1 = affine_map<(d0, d1) -> (0, 0)>
module attributes {stable_mosaic.version = 14 : i64} {
  func.func @k(%arg0: i32, %arg1: i32, %arg2: memref<32x80x128xi32, #tpu.memory_space<hbm>>, %arg3: memref<10240x8xf32, #tpu.memory_space<hbm>>, %arg4: memref<128x8xf32, #tpu.memory_space<hbm>>, %arg5: memref<2x80x128xf32, #tpu.memory_space<hbm>>, %arg6: memref<80x128xi32, #tpu.memory_space<vmem>>, %arg7: memref<128x8xf32, #tpu.memory_space<vmem>>, %arg8: memref<640x8xf32, #tpu.memory_space<vmem>>, %arg9: memref<5x128xf32, #tpu.memory_space<vmem>>, %arg10: memref<10240x8xf32, #tpu.memory_space<vmem_shared>>) attributes {dimension_semantics = [#tpu.dimension_semantics<core_parallel>, #tpu.dimension_semantics<subcore_parallel>], iteration_bounds = array<i64: 2, 16>, scalar_prefetch = 0 : i64, scratch_operands = 5 : i64, tpu.core_type = #tpu.core_type<sc_vector_subcore>, window_params = [{transform_indices = #map}, {transform_indices = #map1}, {transform_indices = #map1}, {transform_indices = #map}]} {
    %mul3A = arith.constant 2 : i32
    %mul3A_0 = arith.muli %arg1, %mul3A : i32
    %add3A = arith.addi %mul3A_0, %arg0 : i32
    "tpu.region"() ({
      %run_scoped3A = tpu.sem_alloc : memref<!tpu.dma_semaphore, #tpu.memory_space<semaphore_mem>>
      %dma_start3A = arith.constant 0 : i32
      %dma_start3A_330 = arith.constant 0 : i32
      %dma_start3A_331 = tpu.memref_slice %arg2[%add3A, %dma_start3A, %dma_start3A_330] : memref<32x80x128xi32, #tpu.memory_space<hbm>> -> memref<1x80x128xi32, #tpu.memory_space<hbm>>
      %dma_start3A_332 = tpu.memref_squeeze %dma_start3A_331 : memref<1x80x128xi32, #tpu.memory_space<hbm>> -> memref<80x128xi32, #tpu.memory_space<hbm>>
      %dma_start3A_333 = arith.constant 0 : i32
      %dma_start3A_334 = arith.constant 0 : i32
      %dma_start3A_335 = tpu.memref_slice %arg2[%add3A, %dma_start3A_333, %dma_start3A_334] : memref<32x80x128xi32, #tpu.memory_space<hbm>> -> memref<1x80x128xi32, #tpu.memory_space<hbm>>
      %dma_start3A_336 = tpu.memref_squeeze %dma_start3A_335 : memref<1x80x128xi32, #tpu.memory_space<hbm>> -> memref<80x128xi32, #tpu.memory_space<hbm>>
      tpu.enqueue_dma source(%dma_start3A_336 : memref<80x128xi32, #tpu.memory_space<hbm>>) target(%arg6 : memref<80x128xi32, #tpu.memory_space<vmem>>) target_semaphore(%run_scoped3A : memref<!tpu.dma_semaphore, #tpu.memory_space<semaphore_mem>>)
      %dma_wait3A = arith.constant 0 : i32
      %dma_wait3A_337 = arith.constant 0 : i32
      %dma_wait3A_338 = tpu.memref_slice %arg2[%add3A, %dma_wait3A, %dma_wait3A_337] : memref<32x80x128xi32, #tpu.memory_space<hbm>> -> memref<1x80x128xi32, #tpu.memory_space<hbm>>
      %dma_wait3A_339 = tpu.memref_squeeze %dma_wait3A_338 : memref<1x80x128xi32, #tpu.memory_space<hbm>> -> memref<80x128xi32, #tpu.memory_space<hbm>>
      %dma_wait3A_340 = arith.constant 0 : i32
      %dma_wait3A_341 = arith.constant 0 : i32
      %dma_wait3A_342 = tpu.memref_slice %arg2[%add3A, %dma_wait3A_340, %dma_wait3A_341] : memref<32x80x128xi32, #tpu.memory_space<hbm>> -> memref<1x80x128xi32, #tpu.memory_space<hbm>>
      %dma_wait3A_343 = tpu.memref_squeeze %dma_wait3A_342 : memref<1x80x128xi32, #tpu.memory_space<hbm>> -> memref<80x128xi32, #tpu.memory_space<hbm>>
      tpu.wait_dma2 semaphore(%run_scoped3A : memref<!tpu.dma_semaphore, #tpu.memory_space<semaphore_mem>>) src(%dma_wait3A_343 : memref<80x128xi32, #tpu.memory_space<hbm>>) dst(%arg6 : memref<80x128xi32, #tpu.memory_space<vmem>>)
      tpu.yield
    }) : () -> ()
    "tpu.region"() ({
      %run_scoped3A = tpu.sem_alloc : memref<!tpu.dma_semaphore, #tpu.memory_space<semaphore_mem>>
      tpu.enqueue_dma source(%arg4 : memref<128x8xf32, #tpu.memory_space<hbm>>) target(%arg7 : memref<128x8xf32, #tpu.memory_space<vmem>>) target_semaphore(%run_scoped3A : memref<!tpu.dma_semaphore, #tpu.memory_space<semaphore_mem>>)
      tpu.wait_dma2 semaphore(%run_scoped3A : memref<!tpu.dma_semaphore, #tpu.memory_space<semaphore_mem>>) src(%arg4 : memref<128x8xf32, #tpu.memory_space<hbm>>) dst(%arg7 : memref<128x8xf32, #tpu.memory_space<vmem>>)
      tpu.yield
    }) : () -> ()
    %mul3A_1 = arith.constant 640 : i32
    %mul3A_2 = arith.muli %arg1, %mul3A_1 : i32
    "tpu.region"() ({
      %run_scoped3A = tpu.sem_alloc : memref<!tpu.dma_semaphore, #tpu.memory_space<semaphore_mem>>
      %dma_start3A = arith.constant 0 : i32
      %dma_start3A_330 = tpu.memref_slice %arg10[%mul3A_2, %dma_start3A] : memref<10240x8xf32, #tpu.memory_space<vmem_shared>> -> memref<640x8xf32, #tpu.memory_space<vmem_shared>>
      %dma_start3A_331 = arith.constant 0 : i32
      %dma_start3A_332 = tpu.memref_slice %arg3[%mul3A_2, %dma_start3A_331] : memref<10240x8xf32, #tpu.memory_space<hbm>> -> memref<640x8xf32, #tpu.memory_space<hbm>>
      tpu.enqueue_dma source(%dma_start3A_332 : memref<640x8xf32, #tpu.memory_space<hbm>>) target(%dma_start3A_330 : memref<640x8xf32, #tpu.memory_space<vmem_shared>>) target_semaphore(%run_scoped3A : memref<!tpu.dma_semaphore, #tpu.memory_space<semaphore_mem>>)
      %dma_wait3A = arith.constant 0 : i32
      %dma_wait3A_333 = tpu.memref_slice %arg10[%mul3A_2, %dma_wait3A] : memref<10240x8xf32, #tpu.memory_space<vmem_shared>> -> memref<640x8xf32, #tpu.memory_space<vmem_shared>>
      %dma_wait3A_334 = arith.constant 0 : i32
      %dma_wait3A_335 = tpu.memref_slice %arg3[%mul3A_2, %dma_wait3A_334] : memref<10240x8xf32, #tpu.memory_space<hbm>> -> memref<640x8xf32, #tpu.memory_space<hbm>>
      tpu.wait_dma2 semaphore(%run_scoped3A : memref<!tpu.dma_semaphore, #tpu.memory_space<semaphore_mem>>) src(%dma_wait3A_335 : memref<640x8xf32, #tpu.memory_space<hbm>>) dst(%dma_wait3A_333 : memref<640x8xf32, #tpu.memory_space<vmem_shared>>)
      tpu.yield
    }) : () -> ()
    %barrier3A = arith.constant 0 : index
    tpu.barrier barrier_id(%barrier3A)
    %scan3A = arith.constant 0 : i32
    %scan3A_3 = arith.constant 0 : i32
    %scan3A_4 = arith.constant 80 : i32
    %scan3A_5 = arith.addi %scan3A_3, %scan3A_4 : i32
    %scan3A_6 = arith.constant 1 : i32
    scf.for %scan3A_330 = %scan3A_3 to %scan3A_5 step %scan3A_6  : i32 {
      "tpu.region"() ({
        %run_scoped3A = tpu.sem_alloc : memref<!tpu.dma_semaphore, #tpu.memory_space<semaphore_mem>>
        %dma_start3A = arith.constant 0 : i32
        %dma_start3A_331 = tpu.memref_slice %arg6[%scan3A_330, %dma_start3A] : memref<80x128xi32, #tpu.memory_space<vmem>> -> memref<1x128xi32, #tpu.memory_space<vmem>>
        %dma_start3A_332 = tpu.memref_squeeze %dma_start3A_331 : memref<1x128xi32, #tpu.memory_space<vmem>> -> memref<128xi32, #tpu.memory_space<vmem>>
        %dma_start3A_333 = arith.constant 0 : i32
        %dma_start3A_334 = arith.constant 0 : i32
        %dma_start3A_335 = tpu.memref_slice %arg10[%dma_start3A_333, %dma_start3A_334] : memref<10240x8xf32, #tpu.memory_space<vmem_shared>> -> memref<10240x8xf32, #tpu.memory_space<vmem_shared>>
        tpu.enqueue_indirect_dma source(%arg7 : memref<128x8xf32, #tpu.memory_space<vmem>>) target(%dma_start3A_335 : memref<10240x8xf32, #tpu.memory_space<vmem_shared>>) offsets(%dma_start3A_332 : memref<128xi32, #tpu.memory_space<vmem>>) semaphore(%run_scoped3A : memref<!tpu.dma_semaphore, #tpu.memory_space<semaphore_mem>>) {add = true}
        %dma_wait3A = arith.constant 0 : i32
        %dma_wait3A_336 = tpu.memref_slice %arg6[%scan3A_330, %dma_wait3A] : memref<80x128xi32, #tpu.memory_space<vmem>> -> memref<1x128xi32, #tpu.memory_space<vmem>>
        %dma_wait3A_337 = tpu.memref_squeeze %dma_wait3A_336 : memref<1x128xi32, #tpu.memory_space<vmem>> -> memref<128xi32, #tpu.memory_space<vmem>>
        %dma_wait3A_338 = arith.constant 0 : i32
        %dma_wait3A_339 = arith.constant 0 : i32
        %dma_wait3A_340 = tpu.memref_slice %arg10[%dma_wait3A_338, %dma_wait3A_339] : memref<10240x8xf32, #tpu.memory_space<vmem_shared>> -> memref<10240x8xf32, #tpu.memory_space<vmem_shared>>
        tpu.wait_indirect_dma semaphore(%run_scoped3A : memref<!tpu.dma_semaphore, #tpu.memory_space<semaphore_mem>>) src(%arg7 : memref<128x8xf32, #tpu.memory_space<vmem>>) dst(%dma_wait3A_340 : memref<10240x8xf32, #tpu.memory_space<vmem_shared>>)
        tpu.yield
      }) : () -> ()
    }
    %scan3A_7 = arith.constant 80 : i32
    %barrier3A_8 = arith.constant 0 : index
    tpu.barrier barrier_id(%barrier3A_8)
    "tpu.region"() ({
      %run_scoped3A = tpu.sem_alloc : memref<!tpu.dma_semaphore, #tpu.memory_space<semaphore_mem>>
      %dma_start3A = arith.constant 0 : i32
      %dma_start3A_330 = tpu.memref_slice %arg10[%mul3A_2, %dma_start3A] : memref<10240x8xf32, #tpu.memory_space<vmem_shared>> -> memref<640x8xf32, #tpu.memory_space<vmem_shared>>
      %dma_start3A_331 = arith.constant 0 : i32
      %dma_start3A_332 = tpu.memref_slice %arg10[%mul3A_2, %dma_start3A_331] : memref<10240x8xf32, #tpu.memory_space<vmem_shared>> -> memref<640x8xf32, #tpu.memory_space<vmem_shared>>
      tpu.enqueue_dma source(%dma_start3A_332 : memref<640x8xf32, #tpu.memory_space<vmem_shared>>) target(%arg8 : memref<640x8xf32, #tpu.memory_space<vmem>>) target_semaphore(%run_scoped3A : memref<!tpu.dma_semaphore, #tpu.memory_space<semaphore_mem>>)
      %dma_wait3A = arith.constant 0 : i32
      %dma_wait3A_333 = tpu.memref_slice %arg10[%mul3A_2, %dma_wait3A] : memref<10240x8xf32, #tpu.memory_space<vmem_shared>> -> memref<640x8xf32, #tpu.memory_space<vmem_shared>>
      %dma_wait3A_334 = arith.constant 0 : i32
      %dma_wait3A_335 = tpu.memref_slice %arg10[%mul3A_2, %dma_wait3A_334] : memref<10240x8xf32, #tpu.memory_space<vmem_shared>> -> memref<640x8xf32, #tpu.memory_space<vmem_shared>>
      tpu.wait_dma2 semaphore(%run_scoped3A : memref<!tpu.dma_semaphore, #tpu.memory_space<semaphore_mem>>) src(%dma_wait3A_335 : memref<640x8xf32, #tpu.memory_space<vmem_shared>>) dst(%arg8 : memref<640x8xf32, #tpu.memory_space<vmem>>)
      tpu.yield
    }) : () -> ()
    %iota3A = tpu.iota {dimensions = array<i32: 0>} : vector<16xi32>
    %broadcast_in_dim3A = arith.constant 0 : i32
    %broadcast_in_dim3A_9 = vector.broadcast %broadcast_in_dim3A : i32 to vector<16xi32>
    %add3A_10 = arith.constant 0 : i32
    %add3A_11 = vector.broadcast %add3A_10 : i32 to vector<16xi32>
    %add3A_12 = arith.addi %add3A_11, %iota3A : vector<16xi32>
    %gather3A = tpu.vector_load_idx %arg8[%add3A_12, %broadcast_in_dim3A_9] : memref<640x8xf32, #tpu.memory_space<vmem>>[vector<16xi32>, vector<16xi32>], vector<16xf32>,
    %swap3A = arith.constant 0 : i32
    %swap3A_13 = arith.index_cast %swap3A : i32 to index
    %swap3A_14 = arith.constant 0 : index
    %swap3A_15 = tpu.vector_load %arg9[%swap3A_13, %swap3A_14] {strides = array<i32>} : memref<5x128xf32, #tpu.memory_space<vmem>>, vector<16xf32>,
    tpu.vector_store %arg9[%swap3A_13, %swap3A_14], %gather3A {strides = array<i32>} : memref<5x128xf32, #tpu.memory_space<vmem>>, vector<16xf32>,
    %add3A_16 = arith.constant 16 : i32
    %add3A_17 = vector.broadcast %add3A_16 : i32 to vector<16xi32>
    %add3A_18 = arith.addi %add3A_17, %iota3A : vector<16xi32>
    %gather3A_19 = tpu.vector_load_idx %arg8[%add3A_18, %broadcast_in_dim3A_9] : memref<640x8xf32, #tpu.memory_space<vmem>>[vector<16xi32>, vector<16xi32>], vector<16xf32>,
    %swap3A_20 = arith.constant 0 : i32
    %swap3A_21 = arith.index_cast %swap3A_20 : i32 to index
    %swap3A_22 = arith.constant 16 : index
    %swap3A_23 = tpu.vector_load %arg9[%swap3A_21, %swap3A_22] {strides = array<i32>} : memref<5x128xf32, #tpu.memory_space<vmem>>, vector<16xf32>,
    tpu.vector_store %arg9[%swap3A_21, %swap3A_22], %gather3A_19 {strides = array<i32>} : memref<5x128xf32, #tpu.memory_space<vmem>>, vector<16xf32>,
    %add3A_24 = arith.constant 32 : i32
    %add3A_25 = vector.broadcast %add3A_24 : i32 to vector<16xi32>
    %add3A_26 = arith.addi %add3A_25, %iota3A : vector<16xi32>
    %gather3A_27 = tpu.vector_load_idx %arg8[%add3A_26, %broadcast_in_dim3A_9] : memref<640x8xf32, #tpu.memory_space<vmem>>[vector<16xi32>, vector<16xi32>], vector<16xf32>,
    %swap3A_28 = arith.constant 0 : i32
    %swap3A_29 = arith.index_cast %swap3A_28 : i32 to index
    %swap3A_30 = arith.constant 32 : index
    %swap3A_31 = tpu.vector_load %arg9[%swap3A_29, %swap3A_30] {strides = array<i32>} : memref<5x128xf32, #tpu.memory_space<vmem>>, vector<16xf32>,
    tpu.vector_store %arg9[%swap3A_29, %swap3A_30], %gather3A_27 {strides = array<i32>} : memref<5x128xf32, #tpu.memory_space<vmem>>, vector<16xf32>,
    %add3A_32 = arith.constant 48 : i32
    %add3A_33 = vector.broadcast %add3A_32 : i32 to vector<16xi32>
    %add3A_34 = arith.addi %add3A_33, %iota3A : vector<16xi32>
    %gather3A_35 = tpu.vector_load_idx %arg8[%add3A_34, %broadcast_in_dim3A_9] : memref<640x8xf32, #tpu.memory_space<vmem>>[vector<16xi32>, vector<16xi32>], vector<16xf32>,
    %swap3A_36 = arith.constant 0 : i32
    %swap3A_37 = arith.index_cast %swap3A_36 : i32 to index
    %swap3A_38 = arith.constant 48 : index
    %swap3A_39 = tpu.vector_load %arg9[%swap3A_37, %swap3A_38] {strides = array<i32>} : memref<5x128xf32, #tpu.memory_space<vmem>>, vector<16xf32>,
    tpu.vector_store %arg9[%swap3A_37, %swap3A_38], %gather3A_35 {strides = array<i32>} : memref<5x128xf32, #tpu.memory_space<vmem>>, vector<16xf32>,
    %add3A_40 = arith.constant 64 : i32
    %add3A_41 = vector.broadcast %add3A_40 : i32 to vector<16xi32>
    %add3A_42 = arith.addi %add3A_41, %iota3A : vector<16xi32>
    %gather3A_43 = tpu.vector_load_idx %arg8[%add3A_42, %broadcast_in_dim3A_9] : memref<640x8xf32, #tpu.memory_space<vmem>>[vector<16xi32>, vector<16xi32>], vector<16xf32>,
    %swap3A_44 = arith.constant 0 : i32
    %swap3A_45 = arith.index_cast %swap3A_44 : i32 to index
    %swap3A_46 = arith.constant 64 : index
    %swap3A_47 = tpu.vector_load %arg9[%swap3A_45, %swap3A_46] {strides = array<i32>} : memref<5x128xf32, #tpu.memory_space<vmem>>, vector<16xf32>,
    tpu.vector_store %arg9[%swap3A_45, %swap3A_46], %gather3A_43 {strides = array<i32>} : memref<5x128xf32, #tpu.memory_space<vmem>>, vector<16xf32>,
    %add3A_48 = arith.constant 80 : i32
    %add3A_49 = vector.broadcast %add3A_48 : i32 to vector<16xi32>
    %add3A_50 = arith.addi %add3A_49, %iota3A : vector<16xi32>
    %gather3A_51 = tpu.vector_load_idx %arg8[%add3A_50, %broadcast_in_dim3A_9] : memref<640x8xf32, #tpu.memory_space<vmem>>[vector<16xi32>, vector<16xi32>], vector<16xf32>,
    %swap3A_52 = arith.constant 0 : i32
    %swap3A_53 = arith.index_cast %swap3A_52 : i32 to index
    %swap3A_54 = arith.constant 80 : index
    %swap3A_55 = tpu.vector_load %arg9[%swap3A_53, %swap3A_54] {strides = array<i32>} : memref<5x128xf32, #tpu.memory_space<vmem>>, vector<16xf32>,
    tpu.vector_store %arg9[%swap3A_53, %swap3A_54], %gather3A_51 {strides = array<i32>} : memref<5x128xf32, #tpu.memory_space<vmem>>, vector<16xf32>,
    %add3A_56 = arith.constant 96 : i32
    %add3A_57 = vector.broadcast %add3A_56 : i32 to vector<16xi32>
    %add3A_58 = arith.addi %add3A_57, %iota3A : vector<16xi32>
    %gather3A_59 = tpu.vector_load_idx %arg8[%add3A_58, %broadcast_in_dim3A_9] : memref<640x8xf32, #tpu.memory_space<vmem>>[vector<16xi32>, vector<16xi32>], vector<16xf32>,
    %swap3A_60 = arith.constant 0 : i32
    %swap3A_61 = arith.index_cast %swap3A_60 : i32 to index
    %swap3A_62 = arith.constant 96 : index
    %swap3A_63 = tpu.vector_load %arg9[%swap3A_61, %swap3A_62] {strides = array<i32>} : memref<5x128xf32, #tpu.memory_space<vmem>>, vector<16xf32>,
    tpu.vector_store %arg9[%swap3A_61, %swap3A_62], %gather3A_59 {strides = array<i32>} : memref<5x128xf32, #tpu.memory_space<vmem>>, vector<16xf32>,
    %add3A_64 = arith.constant 112 : i32
    %add3A_65 = vector.broadcast %add3A_64 : i32 to vector<16xi32>
    %add3A_66 = arith.addi %add3A_65, %iota3A : vector<16xi32>
    %gather3A_67 = tpu.vector_load_idx %arg8[%add3A_66, %broadcast_in_dim3A_9] : memref<640x8xf32, #tpu.memory_space<vmem>>[vector<16xi32>, vector<16xi32>], vector<16xf32>,
    %swap3A_68 = arith.constant 0 : i32
    %swap3A_69 = arith.index_cast %swap3A_68 : i32 to index
    %swap3A_70 = arith.constant 112 : index
    %swap3A_71 = tpu.vector_load %arg9[%swap3A_69, %swap3A_70] {strides = array<i32>} : memref<5x128xf32, #tpu.memory_space<vmem>>, vector<16xf32>,
    tpu.vector_store %arg9[%swap3A_69, %swap3A_70], %gather3A_67 {strides = array<i32>} : memref<5x128xf32, #tpu.memory_space<vmem>>, vector<16xf32>,
    %add3A_72 = arith.constant 128 : i32
    %add3A_73 = vector.broadcast %add3A_72 : i32 to vector<16xi32>
    %add3A_74 = arith.addi %add3A_73, %iota3A : vector<16xi32>
    %gather3A_75 = tpu.vector_load_idx %arg8[%add3A_74, %broadcast_in_dim3A_9] : memref<640x8xf32, #tpu.memory_space<vmem>>[vector<16xi32>, vector<16xi32>], vector<16xf32>,
    %swap3A_76 = arith.constant 1 : i32
    %swap3A_77 = arith.index_cast %swap3A_76 : i32 to index
    %swap3A_78 = arith.constant 0 : index
    %swap3A_79 = tpu.vector_load %arg9[%swap3A_77, %swap3A_78] {strides = array<i32>} : memref<5x128xf32, #tpu.memory_space<vmem>>, vector<16xf32>,
    tpu.vector_store %arg9[%swap3A_77, %swap3A_78], %gather3A_75 {strides = array<i32>} : memref<5x128xf32, #tpu.memory_space<vmem>>, vector<16xf32>,
    %add3A_80 = arith.constant 144 : i32
    %add3A_81 = vector.broadcast %add3A_80 : i32 to vector<16xi32>
    %add3A_82 = arith.addi %add3A_81, %iota3A : vector<16xi32>
    %gather3A_83 = tpu.vector_load_idx %arg8[%add3A_82, %broadcast_in_dim3A_9] : memref<640x8xf32, #tpu.memory_space<vmem>>[vector<16xi32>, vector<16xi32>], vector<16xf32>,
    %swap3A_84 = arith.constant 1 : i32
    %swap3A_85 = arith.index_cast %swap3A_84 : i32 to index
    %swap3A_86 = arith.constant 16 : index
    %swap3A_87 = tpu.vector_load %arg9[%swap3A_85, %swap3A_86] {strides = array<i32>} : memref<5x128xf32, #tpu.memory_space<vmem>>, vector<16xf32>,
    tpu.vector_store %arg9[%swap3A_85, %swap3A_86], %gather3A_83 {strides = array<i32>} : memref<5x128xf32, #tpu.memory_space<vmem>>, vector<16xf32>,
    %add3A_88 = arith.constant 160 : i32
    %add3A_89 = vector.broadcast %add3A_88 : i32 to vector<16xi32>
    %add3A_90 = arith.addi %add3A_89, %iota3A : vector<16xi32>
    %gather3A_91 = tpu.vector_load_idx %arg8[%add3A_90, %broadcast_in_dim3A_9] : memref<640x8xf32, #tpu.memory_space<vmem>>[vector<16xi32>, vector<16xi32>], vector<16xf32>,
    %swap3A_92 = arith.constant 1 : i32
    %swap3A_93 = arith.index_cast %swap3A_92 : i32 to index
    %swap3A_94 = arith.constant 32 : index
    %swap3A_95 = tpu.vector_load %arg9[%swap3A_93, %swap3A_94] {strides = array<i32>} : memref<5x128xf32, #tpu.memory_space<vmem>>, vector<16xf32>,
    tpu.vector_store %arg9[%swap3A_93, %swap3A_94], %gather3A_91 {strides = array<i32>} : memref<5x128xf32, #tpu.memory_space<vmem>>, vector<16xf32>,
    %add3A_96 = arith.constant 176 : i32
    %add3A_97 = vector.broadcast %add3A_96 : i32 to vector<16xi32>
    %add3A_98 = arith.addi %add3A_97, %iota3A : vector<16xi32>
    %gather3A_99 = tpu.vector_load_idx %arg8[%add3A_98, %broadcast_in_dim3A_9] : memref<640x8xf32, #tpu.memory_space<vmem>>[vector<16xi32>, vector<16xi32>], vector<16xf32>,
    %swap3A_100 = arith.constant 1 : i32
    %swap3A_101 = arith.index_cast %swap3A_100 : i32 to index
    %swap3A_102 = arith.constant 48 : index
    %swap3A_103 = tpu.vector_load %arg9[%swap3A_101, %swap3A_102] {strides = array<i32>} : memref<5x128xf32, #tpu.memory_space<vmem>>, vector<16xf32>,
    tpu.vector_store %arg9[%swap3A_101, %swap3A_102], %gather3A_99 {strides = array<i32>} : memref<5x128xf32, #tpu.memory_space<vmem>>, vector<16xf32>,
    %add3A_104 = arith.constant 192 : i32
    %add3A_105 = vector.broadcast %add3A_104 : i32 to vector<16xi32>
    %add3A_106 = arith.addi %add3A_105, %iota3A : vector<16xi32>
    %gather3A_107 = tpu.vector_load_idx %arg8[%add3A_106, %broadcast_in_dim3A_9] : memref<640x8xf32, #tpu.memory_space<vmem>>[vector<16xi32>, vector<16xi32>], vector<16xf32>,
    %swap3A_108 = arith.constant 1 : i32
    %swap3A_109 = arith.index_cast %swap3A_108 : i32 to index
    %swap3A_110 = arith.constant 64 : index
    %swap3A_111 = tpu.vector_load %arg9[%swap3A_109, %swap3A_110] {strides = array<i32>} : memref<5x128xf32, #tpu.memory_space<vmem>>, vector<16xf32>,
    tpu.vector_store %arg9[%swap3A_109, %swap3A_110], %gather3A_107 {strides = array<i32>} : memref<5x128xf32, #tpu.memory_space<vmem>>, vector<16xf32>,
    %add3A_112 = arith.constant 208 : i32
    %add3A_113 = vector.broadcast %add3A_112 : i32 to vector<16xi32>
    %add3A_114 = arith.addi %add3A_113, %iota3A : vector<16xi32>
    %gather3A_115 = tpu.vector_load_idx %arg8[%add3A_114, %broadcast_in_dim3A_9] : memref<640x8xf32, #tpu.memory_space<vmem>>[vector<16xi32>, vector<16xi32>], vector<16xf32>,
    %swap3A_116 = arith.constant 1 : i32
    %swap3A_117 = arith.index_cast %swap3A_116 : i32 to index
    %swap3A_118 = arith.constant 80 : index
    %swap3A_119 = tpu.vector_load %arg9[%swap3A_117, %swap3A_118] {strides = array<i32>} : memref<5x128xf32, #tpu.memory_space<vmem>>, vector<16xf32>,
    tpu.vector_store %arg9[%swap3A_117, %swap3A_118], %gather3A_115 {strides = array<i32>} : memref<5x128xf32, #tpu.memory_space<vmem>>, vector<16xf32>,
    %add3A_120 = arith.constant 224 : i32
    %add3A_121 = vector.broadcast %add3A_120 : i32 to vector<16xi32>
    %add3A_122 = arith.addi %add3A_121, %iota3A : vector<16xi32>
    %gather3A_123 = tpu.vector_load_idx %arg8[%add3A_122, %broadcast_in_dim3A_9] : memref<640x8xf32, #tpu.memory_space<vmem>>[vector<16xi32>, vector<16xi32>], vector<16xf32>,
    %swap3A_124 = arith.constant 1 : i32
    %swap3A_125 = arith.index_cast %swap3A_124 : i32 to index
    %swap3A_126 = arith.constant 96 : index
    %swap3A_127 = tpu.vector_load %arg9[%swap3A_125, %swap3A_126] {strides = array<i32>} : memref<5x128xf32, #tpu.memory_space<vmem>>, vector<16xf32>,
    tpu.vector_store %arg9[%swap3A_125, %swap3A_126], %gather3A_123 {strides = array<i32>} : memref<5x128xf32, #tpu.memory_space<vmem>>, vector<16xf32>,
    %add3A_128 = arith.constant 240 : i32
    %add3A_129 = vector.broadcast %add3A_128 : i32 to vector<16xi32>
    %add3A_130 = arith.addi %add3A_129, %iota3A : vector<16xi32>
    %gather3A_131 = tpu.vector_load_idx %arg8[%add3A_130, %broadcast_in_dim3A_9] : memref<640x8xf32, #tpu.memory_space<vmem>>[vector<16xi32>, vector<16xi32>], vector<16xf32>,
    %swap3A_132 = arith.constant 1 : i32
    %swap3A_133 = arith.index_cast %swap3A_132 : i32 to index
    %swap3A_134 = arith.constant 112 : index
    %swap3A_135 = tpu.vector_load %arg9[%swap3A_133, %swap3A_134] {strides = array<i32>} : memref<5x128xf32, #tpu.memory_space<vmem>>, vector<16xf32>,
    tpu.vector_store %arg9[%swap3A_133, %swap3A_134], %gather3A_131 {strides = array<i32>} : memref<5x128xf32, #tpu.memory_space<vmem>>, vector<16xf32>,
    %add3A_136 = arith.constant 256 : i32
    %add3A_137 = vector.broadcast %add3A_136 : i32 to vector<16xi32>
    %add3A_138 = arith.addi %add3A_137, %iota3A : vector<16xi32>
    %gather3A_139 = tpu.vector_load_idx %arg8[%add3A_138, %broadcast_in_dim3A_9] : memref<640x8xf32, #tpu.memory_space<vmem>>[vector<16xi32>, vector<16xi32>], vector<16xf32>,
    %swap3A_140 = arith.constant 2 : i32
    %swap3A_141 = arith.index_cast %swap3A_140 : i32 to index
    %swap3A_142 = arith.constant 0 : index
    %swap3A_143 = tpu.vector_load %arg9[%swap3A_141, %swap3A_142] {strides = array<i32>} : memref<5x128xf32, #tpu.memory_space<vmem>>, vector<16xf32>,
    tpu.vector_store %arg9[%swap3A_141, %swap3A_142], %gather3A_139 {strides = array<i32>} : memref<5x128xf32, #tpu.memory_space<vmem>>, vector<16xf32>,
    %add3A_144 = arith.constant 272 : i32
    %add3A_145 = vector.broadcast %add3A_144 : i32 to vector<16xi32>
    %add3A_146 = arith.addi %add3A_145, %iota3A : vector<16xi32>
    %gather3A_147 = tpu.vector_load_idx %arg8[%add3A_146, %broadcast_in_dim3A_9] : memref<640x8xf32, #tpu.memory_space<vmem>>[vector<16xi32>, vector<16xi32>], vector<16xf32>,
    %swap3A_148 = arith.constant 2 : i32
    %swap3A_149 = arith.index_cast %swap3A_148 : i32 to index
    %swap3A_150 = arith.constant 16 : index
    %swap3A_151 = tpu.vector_load %arg9[%swap3A_149, %swap3A_150] {strides = array<i32>} : memref<5x128xf32, #tpu.memory_space<vmem>>, vector<16xf32>,
    tpu.vector_store %arg9[%swap3A_149, %swap3A_150], %gather3A_147 {strides = array<i32>} : memref<5x128xf32, #tpu.memory_space<vmem>>, vector<16xf32>,
    %add3A_152 = arith.constant 288 : i32
    %add3A_153 = vector.broadcast %add3A_152 : i32 to vector<16xi32>
    %add3A_154 = arith.addi %add3A_153, %iota3A : vector<16xi32>
    %gather3A_155 = tpu.vector_load_idx %arg8[%add3A_154, %broadcast_in_dim3A_9] : memref<640x8xf32, #tpu.memory_space<vmem>>[vector<16xi32>, vector<16xi32>], vector<16xf32>,
    %swap3A_156 = arith.constant 2 : i32
    %swap3A_157 = arith.index_cast %swap3A_156 : i32 to index
    %swap3A_158 = arith.constant 32 : index
    %swap3A_159 = tpu.vector_load %arg9[%swap3A_157, %swap3A_158] {strides = array<i32>} : memref<5x128xf32, #tpu.memory_space<vmem>>, vector<16xf32>,
    tpu.vector_store %arg9[%swap3A_157, %swap3A_158], %gather3A_155 {strides = array<i32>} : memref<5x128xf32, #tpu.memory_space<vmem>>, vector<16xf32>,
    %add3A_160 = arith.constant 304 : i32
    %add3A_161 = vector.broadcast %add3A_160 : i32 to vector<16xi32>
    %add3A_162 = arith.addi %add3A_161, %iota3A : vector<16xi32>
    %gather3A_163 = tpu.vector_load_idx %arg8[%add3A_162, %broadcast_in_dim3A_9] : memref<640x8xf32, #tpu.memory_space<vmem>>[vector<16xi32>, vector<16xi32>], vector<16xf32>,
    %swap3A_164 = arith.constant 2 : i32
    %swap3A_165 = arith.index_cast %swap3A_164 : i32 to index
    %swap3A_166 = arith.constant 48 : index
    %swap3A_167 = tpu.vector_load %arg9[%swap3A_165, %swap3A_166] {strides = array<i32>} : memref<5x128xf32, #tpu.memory_space<vmem>>, vector<16xf32>,
    tpu.vector_store %arg9[%swap3A_165, %swap3A_166], %gather3A_163 {strides = array<i32>} : memref<5x128xf32, #tpu.memory_space<vmem>>, vector<16xf32>,
    %add3A_168 = arith.constant 320 : i32
    %add3A_169 = vector.broadcast %add3A_168 : i32 to vector<16xi32>
    %add3A_170 = arith.addi %add3A_169, %iota3A : vector<16xi32>
    %gather3A_171 = tpu.vector_load_idx %arg8[%add3A_170, %broadcast_in_dim3A_9] : memref<640x8xf32, #tpu.memory_space<vmem>>[vector<16xi32>, vector<16xi32>], vector<16xf32>,
    %swap3A_172 = arith.constant 2 : i32
    %swap3A_173 = arith.index_cast %swap3A_172 : i32 to index
    %swap3A_174 = arith.constant 64 : index
    %swap3A_175 = tpu.vector_load %arg9[%swap3A_173, %swap3A_174] {strides = array<i32>} : memref<5x128xf32, #tpu.memory_space<vmem>>, vector<16xf32>,
    tpu.vector_store %arg9[%swap3A_173, %swap3A_174], %gather3A_171 {strides = array<i32>} : memref<5x128xf32, #tpu.memory_space<vmem>>, vector<16xf32>,
    %add3A_176 = arith.constant 336 : i32
    %add3A_177 = vector.broadcast %add3A_176 : i32 to vector<16xi32>
    %add3A_178 = arith.addi %add3A_177, %iota3A : vector<16xi32>
    %gather3A_179 = tpu.vector_load_idx %arg8[%add3A_178, %broadcast_in_dim3A_9] : memref<640x8xf32, #tpu.memory_space<vmem>>[vector<16xi32>, vector<16xi32>], vector<16xf32>,
    %swap3A_180 = arith.constant 2 : i32
    %swap3A_181 = arith.index_cast %swap3A_180 : i32 to index
    %swap3A_182 = arith.constant 80 : index
    %swap3A_183 = tpu.vector_load %arg9[%swap3A_181, %swap3A_182] {strides = array<i32>} : memref<5x128xf32, #tpu.memory_space<vmem>>, vector<16xf32>,
    tpu.vector_store %arg9[%swap3A_181, %swap3A_182], %gather3A_179 {strides = array<i32>} : memref<5x128xf32, #tpu.memory_space<vmem>>, vector<16xf32>,
    %add3A_184 = arith.constant 352 : i32
    %add3A_185 = vector.broadcast %add3A_184 : i32 to vector<16xi32>
    %add3A_186 = arith.addi %add3A_185, %iota3A : vector<16xi32>
    %gather3A_187 = tpu.vector_load_idx %arg8[%add3A_186, %broadcast_in_dim3A_9] : memref<640x8xf32, #tpu.memory_space<vmem>>[vector<16xi32>, vector<16xi32>], vector<16xf32>,
    %swap3A_188 = arith.constant 2 : i32
    %swap3A_189 = arith.index_cast %swap3A_188 : i32 to index
    %swap3A_190 = arith.constant 96 : index
    %swap3A_191 = tpu.vector_load %arg9[%swap3A_189, %swap3A_190] {strides = array<i32>} : memref<5x128xf32, #tpu.memory_space<vmem>>, vector<16xf32>,
    tpu.vector_store %arg9[%swap3A_189, %swap3A_190], %gather3A_187 {strides = array<i32>} : memref<5x128xf32, #tpu.memory_space<vmem>>, vector<16xf32>,
    %add3A_192 = arith.constant 368 : i32
    %add3A_193 = vector.broadcast %add3A_192 : i32 to vector<16xi32>
    %add3A_194 = arith.addi %add3A_193, %iota3A : vector<16xi32>
    %gather3A_195 = tpu.vector_load_idx %arg8[%add3A_194, %broadcast_in_dim3A_9] : memref<640x8xf32, #tpu.memory_space<vmem>>[vector<16xi32>, vector<16xi32>], vector<16xf32>,
    %swap3A_196 = arith.constant 2 : i32
    %swap3A_197 = arith.index_cast %swap3A_196 : i32 to index
    %swap3A_198 = arith.constant 112 : index
    %swap3A_199 = tpu.vector_load %arg9[%swap3A_197, %swap3A_198] {strides = array<i32>} : memref<5x128xf32, #tpu.memory_space<vmem>>, vector<16xf32>,
    tpu.vector_store %arg9[%swap3A_197, %swap3A_198], %gather3A_195 {strides = array<i32>} : memref<5x128xf32, #tpu.memory_space<vmem>>, vector<16xf32>,
    %add3A_200 = arith.constant 384 : i32
    %add3A_201 = vector.broadcast %add3A_200 : i32 to vector<16xi32>
    %add3A_202 = arith.addi %add3A_201, %iota3A : vector<16xi32>
    %gather3A_203 = tpu.vector_load_idx %arg8[%add3A_202, %broadcast_in_dim3A_9] : memref<640x8xf32, #tpu.memory_space<vmem>>[vector<16xi32>, vector<16xi32>], vector<16xf32>,
    %swap3A_204 = arith.constant 3 : i32
    %swap3A_205 = arith.index_cast %swap3A_204 : i32 to index
    %swap3A_206 = arith.constant 0 : index
    %swap3A_207 = tpu.vector_load %arg9[%swap3A_205, %swap3A_206] {strides = array<i32>} : memref<5x128xf32, #tpu.memory_space<vmem>>, vector<16xf32>,
    tpu.vector_store %arg9[%swap3A_205, %swap3A_206], %gather3A_203 {strides = array<i32>} : memref<5x128xf32, #tpu.memory_space<vmem>>, vector<16xf32>,
    %add3A_208 = arith.constant 400 : i32
    %add3A_209 = vector.broadcast %add3A_208 : i32 to vector<16xi32>
    %add3A_210 = arith.addi %add3A_209, %iota3A : vector<16xi32>
    %gather3A_211 = tpu.vector_load_idx %arg8[%add3A_210, %broadcast_in_dim3A_9] : memref<640x8xf32, #tpu.memory_space<vmem>>[vector<16xi32>, vector<16xi32>], vector<16xf32>,
    %swap3A_212 = arith.constant 3 : i32
    %swap3A_213 = arith.index_cast %swap3A_212 : i32 to index
    %swap3A_214 = arith.constant 16 : index
    %swap3A_215 = tpu.vector_load %arg9[%swap3A_213, %swap3A_214] {strides = array<i32>} : memref<5x128xf32, #tpu.memory_space<vmem>>, vector<16xf32>,
    tpu.vector_store %arg9[%swap3A_213, %swap3A_214], %gather3A_211 {strides = array<i32>} : memref<5x128xf32, #tpu.memory_space<vmem>>, vector<16xf32>,
    %add3A_216 = arith.constant 416 : i32
    %add3A_217 = vector.broadcast %add3A_216 : i32 to vector<16xi32>
    %add3A_218 = arith.addi %add3A_217, %iota3A : vector<16xi32>
    %gather3A_219 = tpu.vector_load_idx %arg8[%add3A_218, %broadcast_in_dim3A_9] : memref<640x8xf32, #tpu.memory_space<vmem>>[vector<16xi32>, vector<16xi32>], vector<16xf32>,
    %swap3A_220 = arith.constant 3 : i32
    %swap3A_221 = arith.index_cast %swap3A_220 : i32 to index
    %swap3A_222 = arith.constant 32 : index
    %swap3A_223 = tpu.vector_load %arg9[%swap3A_221, %swap3A_222] {strides = array<i32>} : memref<5x128xf32, #tpu.memory_space<vmem>>, vector<16xf32>,
    tpu.vector_store %arg9[%swap3A_221, %swap3A_222], %gather3A_219 {strides = array<i32>} : memref<5x128xf32, #tpu.memory_space<vmem>>, vector<16xf32>,
    %add3A_224 = arith.constant 432 : i32
    %add3A_225 = vector.broadcast %add3A_224 : i32 to vector<16xi32>
    %add3A_226 = arith.addi %add3A_225, %iota3A : vector<16xi32>
    %gather3A_227 = tpu.vector_load_idx %arg8[%add3A_226, %broadcast_in_dim3A_9] : memref<640x8xf32, #tpu.memory_space<vmem>>[vector<16xi32>, vector<16xi32>], vector<16xf32>,
    %swap3A_228 = arith.constant 3 : i32
    %swap3A_229 = arith.index_cast %swap3A_228 : i32 to index
    %swap3A_230 = arith.constant 48 : index
    %swap3A_231 = tpu.vector_load %arg9[%swap3A_229, %swap3A_230] {strides = array<i32>} : memref<5x128xf32, #tpu.memory_space<vmem>>, vector<16xf32>,
    tpu.vector_store %arg9[%swap3A_229, %swap3A_230], %gather3A_227 {strides = array<i32>} : memref<5x128xf32, #tpu.memory_space<vmem>>, vector<16xf32>,
    %add3A_232 = arith.constant 448 : i32
    %add3A_233 = vector.broadcast %add3A_232 : i32 to vector<16xi32>
    %add3A_234 = arith.addi %add3A_233, %iota3A : vector<16xi32>
    %gather3A_235 = tpu.vector_load_idx %arg8[%add3A_234, %broadcast_in_dim3A_9] : memref<640x8xf32, #tpu.memory_space<vmem>>[vector<16xi32>, vector<16xi32>], vector<16xf32>,
    %swap3A_236 = arith.constant 3 : i32
    %swap3A_237 = arith.index_cast %swap3A_236 : i32 to index
    %swap3A_238 = arith.constant 64 : index
    %swap3A_239 = tpu.vector_load %arg9[%swap3A_237, %swap3A_238] {strides = array<i32>} : memref<5x128xf32, #tpu.memory_space<vmem>>, vector<16xf32>,
    tpu.vector_store %arg9[%swap3A_237, %swap3A_238], %gather3A_235 {strides = array<i32>} : memref<5x128xf32, #tpu.memory_space<vmem>>, vector<16xf32>,
    %add3A_240 = arith.constant 464 : i32
    %add3A_241 = vector.broadcast %add3A_240 : i32 to vector<16xi32>
    %add3A_242 = arith.addi %add3A_241, %iota3A : vector<16xi32>
    %gather3A_243 = tpu.vector_load_idx %arg8[%add3A_242, %broadcast_in_dim3A_9] : memref<640x8xf32, #tpu.memory_space<vmem>>[vector<16xi32>, vector<16xi32>], vector<16xf32>,
    %swap3A_244 = arith.constant 3 : i32
    %swap3A_245 = arith.index_cast %swap3A_244 : i32 to index
    %swap3A_246 = arith.constant 80 : index
    %swap3A_247 = tpu.vector_load %arg9[%swap3A_245, %swap3A_246] {strides = array<i32>} : memref<5x128xf32, #tpu.memory_space<vmem>>, vector<16xf32>,
    tpu.vector_store %arg9[%swap3A_245, %swap3A_246], %gather3A_243 {strides = array<i32>} : memref<5x128xf32, #tpu.memory_space<vmem>>, vector<16xf32>,
    %add3A_248 = arith.constant 480 : i32
    %add3A_249 = vector.broadcast %add3A_248 : i32 to vector<16xi32>
    %add3A_250 = arith.addi %add3A_249, %iota3A : vector<16xi32>
    %gather3A_251 = tpu.vector_load_idx %arg8[%add3A_250, %broadcast_in_dim3A_9] : memref<640x8xf32, #tpu.memory_space<vmem>>[vector<16xi32>, vector<16xi32>], vector<16xf32>,
    %swap3A_252 = arith.constant 3 : i32
    %swap3A_253 = arith.index_cast %swap3A_252 : i32 to index
    %swap3A_254 = arith.constant 96 : index
    %swap3A_255 = tpu.vector_load %arg9[%swap3A_253, %swap3A_254] {strides = array<i32>} : memref<5x128xf32, #tpu.memory_space<vmem>>, vector<16xf32>,
    tpu.vector_store %arg9[%swap3A_253, %swap3A_254], %gather3A_251 {strides = array<i32>} : memref<5x128xf32, #tpu.memory_space<vmem>>, vector<16xf32>,
    %add3A_256 = arith.constant 496 : i32
    %add3A_257 = vector.broadcast %add3A_256 : i32 to vector<16xi32>
    %add3A_258 = arith.addi %add3A_257, %iota3A : vector<16xi32>
    %gather3A_259 = tpu.vector_load_idx %arg8[%add3A_258, %broadcast_in_dim3A_9] : memref<640x8xf32, #tpu.memory_space<vmem>>[vector<16xi32>, vector<16xi32>], vector<16xf32>,
    %swap3A_260 = arith.constant 3 : i32
    %swap3A_261 = arith.index_cast %swap3A_260 : i32 to index
    %swap3A_262 = arith.constant 112 : index
    %swap3A_263 = tpu.vector_load %arg9[%swap3A_261, %swap3A_262] {strides = array<i32>} : memref<5x128xf32, #tpu.memory_space<vmem>>, vector<16xf32>,
    tpu.vector_store %arg9[%swap3A_261, %swap3A_262], %gather3A_259 {strides = array<i32>} : memref<5x128xf32, #tpu.memory_space<vmem>>, vector<16xf32>,
    %add3A_264 = arith.constant 512 : i32
    %add3A_265 = vector.broadcast %add3A_264 : i32 to vector<16xi32>
    %add3A_266 = arith.addi %add3A_265, %iota3A : vector<16xi32>
    %gather3A_267 = tpu.vector_load_idx %arg8[%add3A_266, %broadcast_in_dim3A_9] : memref<640x8xf32, #tpu.memory_space<vmem>>[vector<16xi32>, vector<16xi32>], vector<16xf32>,
    %swap3A_268 = arith.constant 4 : i32
    %swap3A_269 = arith.index_cast %swap3A_268 : i32 to index
    %swap3A_270 = arith.constant 0 : index
    %swap3A_271 = tpu.vector_load %arg9[%swap3A_269, %swap3A_270] {strides = array<i32>} : memref<5x128xf32, #tpu.memory_space<vmem>>, vector<16xf32>,
    tpu.vector_store %arg9[%swap3A_269, %swap3A_270], %gather3A_267 {strides = array<i32>} : memref<5x128xf32, #tpu.memory_space<vmem>>, vector<16xf32>,
    %add3A_272 = arith.constant 528 : i32
    %add3A_273 = vector.broadcast %add3A_272 : i32 to vector<16xi32>
    %add3A_274 = arith.addi %add3A_273, %iota3A : vector<16xi32>
    %gather3A_275 = tpu.vector_load_idx %arg8[%add3A_274, %broadcast_in_dim3A_9] : memref<640x8xf32, #tpu.memory_space<vmem>>[vector<16xi32>, vector<16xi32>], vector<16xf32>,
    %swap3A_276 = arith.constant 4 : i32
    %swap3A_277 = arith.index_cast %swap3A_276 : i32 to index
    %swap3A_278 = arith.constant 16 : index
    %swap3A_279 = tpu.vector_load %arg9[%swap3A_277, %swap3A_278] {strides = array<i32>} : memref<5x128xf32, #tpu.memory_space<vmem>>, vector<16xf32>,
    tpu.vector_store %arg9[%swap3A_277, %swap3A_278], %gather3A_275 {strides = array<i32>} : memref<5x128xf32, #tpu.memory_space<vmem>>, vector<16xf32>,
    %add3A_280 = arith.constant 544 : i32
    %add3A_281 = vector.broadcast %add3A_280 : i32 to vector<16xi32>
    %add3A_282 = arith.addi %add3A_281, %iota3A : vector<16xi32>
    %gather3A_283 = tpu.vector_load_idx %arg8[%add3A_282, %broadcast_in_dim3A_9] : memref<640x8xf32, #tpu.memory_space<vmem>>[vector<16xi32>, vector<16xi32>], vector<16xf32>,
    %swap3A_284 = arith.constant 4 : i32
    %swap3A_285 = arith.index_cast %swap3A_284 : i32 to index
    %swap3A_286 = arith.constant 32 : index
    %swap3A_287 = tpu.vector_load %arg9[%swap3A_285, %swap3A_286] {strides = array<i32>} : memref<5x128xf32, #tpu.memory_space<vmem>>, vector<16xf32>,
    tpu.vector_store %arg9[%swap3A_285, %swap3A_286], %gather3A_283 {strides = array<i32>} : memref<5x128xf32, #tpu.memory_space<vmem>>, vector<16xf32>,
    %add3A_288 = arith.constant 560 : i32
    %add3A_289 = vector.broadcast %add3A_288 : i32 to vector<16xi32>
    %add3A_290 = arith.addi %add3A_289, %iota3A : vector<16xi32>
    %gather3A_291 = tpu.vector_load_idx %arg8[%add3A_290, %broadcast_in_dim3A_9] : memref<640x8xf32, #tpu.memory_space<vmem>>[vector<16xi32>, vector<16xi32>], vector<16xf32>,
    %swap3A_292 = arith.constant 4 : i32
    %swap3A_293 = arith.index_cast %swap3A_292 : i32 to index
    %swap3A_294 = arith.constant 48 : index
    %swap3A_295 = tpu.vector_load %arg9[%swap3A_293, %swap3A_294] {strides = array<i32>} : memref<5x128xf32, #tpu.memory_space<vmem>>, vector<16xf32>,
    tpu.vector_store %arg9[%swap3A_293, %swap3A_294], %gather3A_291 {strides = array<i32>} : memref<5x128xf32, #tpu.memory_space<vmem>>, vector<16xf32>,
    %add3A_296 = arith.constant 576 : i32
    %add3A_297 = vector.broadcast %add3A_296 : i32 to vector<16xi32>
    %add3A_298 = arith.addi %add3A_297, %iota3A : vector<16xi32>
    %gather3A_299 = tpu.vector_load_idx %arg8[%add3A_298, %broadcast_in_dim3A_9] : memref<640x8xf32, #tpu.memory_space<vmem>>[vector<16xi32>, vector<16xi32>], vector<16xf32>,
    %swap3A_300 = arith.constant 4 : i32
    %swap3A_301 = arith.index_cast %swap3A_300 : i32 to index
    %swap3A_302 = arith.constant 64 : index
    %swap3A_303 = tpu.vector_load %arg9[%swap3A_301, %swap3A_302] {strides = array<i32>} : memref<5x128xf32, #tpu.memory_space<vmem>>, vector<16xf32>,
    tpu.vector_store %arg9[%swap3A_301, %swap3A_302], %gather3A_299 {strides = array<i32>} : memref<5x128xf32, #tpu.memory_space<vmem>>, vector<16xf32>,
    %add3A_304 = arith.constant 592 : i32
    %add3A_305 = vector.broadcast %add3A_304 : i32 to vector<16xi32>
    %add3A_306 = arith.addi %add3A_305, %iota3A : vector<16xi32>
    %gather3A_307 = tpu.vector_load_idx %arg8[%add3A_306, %broadcast_in_dim3A_9] : memref<640x8xf32, #tpu.memory_space<vmem>>[vector<16xi32>, vector<16xi32>], vector<16xf32>,
    %swap3A_308 = arith.constant 4 : i32
    %swap3A_309 = arith.index_cast %swap3A_308 : i32 to index
    %swap3A_310 = arith.constant 80 : index
    %swap3A_311 = tpu.vector_load %arg9[%swap3A_309, %swap3A_310] {strides = array<i32>} : memref<5x128xf32, #tpu.memory_space<vmem>>, vector<16xf32>,
    tpu.vector_store %arg9[%swap3A_309, %swap3A_310], %gather3A_307 {strides = array<i32>} : memref<5x128xf32, #tpu.memory_space<vmem>>, vector<16xf32>,
    %add3A_312 = arith.constant 608 : i32
    %add3A_313 = vector.broadcast %add3A_312 : i32 to vector<16xi32>
    %add3A_314 = arith.addi %add3A_313, %iota3A : vector<16xi32>
    %gather3A_315 = tpu.vector_load_idx %arg8[%add3A_314, %broadcast_in_dim3A_9] : memref<640x8xf32, #tpu.memory_space<vmem>>[vector<16xi32>, vector<16xi32>], vector<16xf32>,
    %swap3A_316 = arith.constant 4 : i32
    %swap3A_317 = arith.index_cast %swap3A_316 : i32 to index
    %swap3A_318 = arith.constant 96 : index
    %swap3A_319 = tpu.vector_load %arg9[%swap3A_317, %swap3A_318] {strides = array<i32>} : memref<5x128xf32, #tpu.memory_space<vmem>>, vector<16xf32>,
    tpu.vector_store %arg9[%swap3A_317, %swap3A_318], %gather3A_315 {strides = array<i32>} : memref<5x128xf32, #tpu.memory_space<vmem>>, vector<16xf32>,
    %add3A_320 = arith.constant 624 : i32
    %add3A_321 = vector.broadcast %add3A_320 : i32 to vector<16xi32>
    %add3A_322 = arith.addi %add3A_321, %iota3A : vector<16xi32>
    %gather3A_323 = tpu.vector_load_idx %arg8[%add3A_322, %broadcast_in_dim3A_9] : memref<640x8xf32, #tpu.memory_space<vmem>>[vector<16xi32>, vector<16xi32>], vector<16xf32>,
    %swap3A_324 = arith.constant 4 : i32
    %swap3A_325 = arith.index_cast %swap3A_324 : i32 to index
    %swap3A_326 = arith.constant 112 : index
    %swap3A_327 = tpu.vector_load %arg9[%swap3A_325, %swap3A_326] {strides = array<i32>} : memref<5x128xf32, #tpu.memory_space<vmem>>, vector<16xf32>,
    tpu.vector_store %arg9[%swap3A_325, %swap3A_326], %gather3A_323 {strides = array<i32>} : memref<5x128xf32, #tpu.memory_space<vmem>>, vector<16xf32>,
    %mul3A_328 = arith.constant 5 : i32
    %mul3A_329 = arith.muli %arg1, %mul3A_328 : i32
    "tpu.region"() ({
      %run_scoped3A = tpu.sem_alloc : memref<!tpu.dma_semaphore, #tpu.memory_space<semaphore_mem>>
      %dma_start3A = arith.constant 0 : i32
      %dma_start3A_330 = tpu.memref_slice %arg5[%arg0, %mul3A_329, %dma_start3A] : memref<2x80x128xf32, #tpu.memory_space<hbm>> -> memref<1x5x128xf32, #tpu.memory_space<hbm>>
      %dma_start3A_331 = tpu.memref_squeeze %dma_start3A_330 : memref<1x5x128xf32, #tpu.memory_space<hbm>> -> memref<5x128xf32, #tpu.memory_space<hbm>>
      %dma_start3A_332 = arith.constant 0 : i32
      %dma_start3A_333 = tpu.memref_slice %arg5[%arg0, %mul3A_329, %dma_start3A_332] : memref<2x80x128xf32, #tpu.memory_space<hbm>> -> memref<1x5x128xf32, #tpu.memory_space<hbm>>
      %dma_start3A_334 = tpu.memref_squeeze %dma_start3A_333 : memref<1x5x128xf32, #tpu.memory_space<hbm>> -> memref<5x128xf32, #tpu.memory_space<hbm>>
      tpu.enqueue_dma source(%arg9 : memref<5x128xf32, #tpu.memory_space<vmem>>) target(%dma_start3A_334 : memref<5x128xf32, #tpu.memory_space<hbm>>) target_semaphore(%run_scoped3A : memref<!tpu.dma_semaphore, #tpu.memory_space<semaphore_mem>>)
      %dma_wait3A = arith.constant 0 : i32
      %dma_wait3A_335 = tpu.memref_slice %arg5[%arg0, %mul3A_329, %dma_wait3A] : memref<2x80x128xf32, #tpu.memory_space<hbm>> -> memref<1x5x128xf32, #tpu.memory_space<hbm>>
      %dma_wait3A_336 = tpu.memref_squeeze %dma_wait3A_335 : memref<1x5x128xf32, #tpu.memory_space<hbm>> -> memref<5x128xf32, #tpu.memory_space<hbm>>
      %dma_wait3A_337 = arith.constant 0 : i32
      %dma_wait3A_338 = tpu.memref_slice %arg5[%arg0, %mul3A_329, %dma_wait3A_337] : memref<2x80x128xf32, #tpu.memory_space<hbm>> -> memref<1x5x128xf32, #tpu.memory_space<hbm>>
      %dma_wait3A_339 = tpu.memref_squeeze %dma_wait3A_338 : memref<1x5x128xf32, #tpu.memory_space<hbm>> -> memref<5x128xf32, #tpu.memory_space<hbm>>
      tpu.wait_dma2 semaphore(%run_scoped3A : memref<!tpu.dma_semaphore, #tpu.memory_space<semaphore_mem>>) src(%arg9 : memref<5x128xf32, #tpu.memory_space<vmem>>) dst(%dma_wait3A_339 : memref<5x128xf32, #tpu.memory_space<hbm>>)
      tpu.yield
    }) : () -> ()
    return
  }
}

#map = affine_map<(d0, d1) -> (0, 0)>
#map1 = affine_map<(d0, d1) -> (0, 0, 0)>
module attributes {stable_mosaic.version = 14 : i64} {
  func.func @k(%arg0: i32, %arg1: i32, %arg2: memref<20480x64xf32, #tpu.memory_space<hbm>>, %arg3: memref<32x80x128xi32, #tpu.memory_space<hbm>>, %arg4: memref<32x80x128xi32, #tpu.memory_space<hbm>>, %arg5: memref<10240x64xf32, #tpu.memory_space<hbm>>, %arg6: memref<2x10240x128xf32, #tpu.memory_space<hbm>>, %arg7: memref<80x128xi32, #tpu.memory_space<vmem>>, %arg8: memref<80x128xi32, #tpu.memory_space<vmem>>, %arg9: memref<128x64xf32, #tpu.memory_space<vmem>>, %arg10: memref<128x64xf32, #tpu.memory_space<vmem>>, %arg11: memref<128x64xf32, #tpu.memory_space<vmem>>, %arg12: memref<128x64xf32, #tpu.memory_space<vmem>>, %arg13: memref<10240x64xf32, #tpu.memory_space<vmem_shared>>, %arg14: memref<!tpu.dma_semaphore, #tpu.memory_space<semaphore_mem>>, %arg15: memref<!tpu.dma_semaphore, #tpu.memory_space<semaphore_mem>>, %arg16: memref<!tpu.dma_semaphore, #tpu.memory_space<semaphore_mem>>, %arg17: memref<!tpu.dma_semaphore, #tpu.memory_space<semaphore_mem>>, %arg18: memref<!tpu.dma_semaphore, #tpu.memory_space<semaphore_mem>>, %arg19: memref<!tpu.dma_semaphore, #tpu.memory_space<semaphore_mem>>, %arg20: memref<!tpu.dma_semaphore, #tpu.memory_space<semaphore_mem>>, %arg21: memref<!tpu.dma_semaphore, #tpu.memory_space<semaphore_mem>>) attributes {dimension_semantics = [#tpu.dimension_semantics<core_parallel>, #tpu.dimension_semantics<subcore_parallel>], iteration_bounds = array<i64: 2, 16>, scalar_prefetch = 0 : i64, scratch_operands = 15 : i64, tpu.core_type = #tpu.core_type<sc_vector_subcore>, window_params = [{transform_indices = #map}, {transform_indices = #map1}, {transform_indices = #map1}, {transform_indices = #map}, {transform_indices = #map1}]} {
    %mul3A = arith.constant 2 : i32
    %mul3A_0 = arith.muli %arg1, %mul3A : i32
    %add3A = arith.addi %mul3A_0, %arg0 : i32
    "tpu.region"() ({
      %run_scoped3A = tpu.sem_alloc : memref<!tpu.dma_semaphore, #tpu.memory_space<semaphore_mem>>
      %dma_start3A_49 = arith.constant 0 : i32
      %dma_start3A_50 = arith.constant 0 : i32
      %dma_start3A_51 = tpu.memref_slice %arg3[%add3A, %dma_start3A_49, %dma_start3A_50] : memref<32x80x128xi32, #tpu.memory_space<hbm>> -> memref<1x80x128xi32, #tpu.memory_space<hbm>>
      %dma_start3A_52 = tpu.memref_squeeze %dma_start3A_51 : memref<1x80x128xi32, #tpu.memory_space<hbm>> -> memref<80x128xi32, #tpu.memory_space<hbm>>
      %dma_start3A_53 = arith.constant 0 : i32
      %dma_start3A_54 = arith.constant 0 : i32
      %dma_start3A_55 = tpu.memref_slice %arg3[%add3A, %dma_start3A_53, %dma_start3A_54] : memref<32x80x128xi32, #tpu.memory_space<hbm>> -> memref<1x80x128xi32, #tpu.memory_space<hbm>>
      %dma_start3A_56 = tpu.memref_squeeze %dma_start3A_55 : memref<1x80x128xi32, #tpu.memory_space<hbm>> -> memref<80x128xi32, #tpu.memory_space<hbm>>
      tpu.enqueue_dma source(%dma_start3A_56 : memref<80x128xi32, #tpu.memory_space<hbm>>) target(%arg7 : memref<80x128xi32, #tpu.memory_space<vmem>>) target_semaphore(%run_scoped3A : memref<!tpu.dma_semaphore, #tpu.memory_space<semaphore_mem>>)
      %dma_wait3A_57 = arith.constant 0 : i32
      %dma_wait3A_58 = arith.constant 0 : i32
      %dma_wait3A_59 = tpu.memref_slice %arg3[%add3A, %dma_wait3A_57, %dma_wait3A_58] : memref<32x80x128xi32, #tpu.memory_space<hbm>> -> memref<1x80x128xi32, #tpu.memory_space<hbm>>
      %dma_wait3A_60 = tpu.memref_squeeze %dma_wait3A_59 : memref<1x80x128xi32, #tpu.memory_space<hbm>> -> memref<80x128xi32, #tpu.memory_space<hbm>>
      %dma_wait3A_61 = arith.constant 0 : i32
      %dma_wait3A_62 = arith.constant 0 : i32
      %dma_wait3A_63 = tpu.memref_slice %arg3[%add3A, %dma_wait3A_61, %dma_wait3A_62] : memref<32x80x128xi32, #tpu.memory_space<hbm>> -> memref<1x80x128xi32, #tpu.memory_space<hbm>>
      %dma_wait3A_64 = tpu.memref_squeeze %dma_wait3A_63 : memref<1x80x128xi32, #tpu.memory_space<hbm>> -> memref<80x128xi32, #tpu.memory_space<hbm>>
      tpu.wait_dma2 semaphore(%run_scoped3A : memref<!tpu.dma_semaphore, #tpu.memory_space<semaphore_mem>>) src(%dma_wait3A_64 : memref<80x128xi32, #tpu.memory_space<hbm>>) dst(%arg7 : memref<80x128xi32, #tpu.memory_space<vmem>>)
      tpu.yield
    }) : () -> ()
    "tpu.region"() ({
      %run_scoped3A = tpu.sem_alloc : memref<!tpu.dma_semaphore, #tpu.memory_space<semaphore_mem>>
      %dma_start3A_49 = arith.constant 0 : i32
      %dma_start3A_50 = arith.constant 0 : i32
      %dma_start3A_51 = tpu.memref_slice %arg4[%add3A, %dma_start3A_49, %dma_start3A_50] : memref<32x80x128xi32, #tpu.memory_space<hbm>> -> memref<1x80x128xi32, #tpu.memory_space<hbm>>
      %dma_start3A_52 = tpu.memref_squeeze %dma_start3A_51 : memref<1x80x128xi32, #tpu.memory_space<hbm>> -> memref<80x128xi32, #tpu.memory_space<hbm>>
      %dma_start3A_53 = arith.constant 0 : i32
      %dma_start3A_54 = arith.constant 0 : i32
      %dma_start3A_55 = tpu.memref_slice %arg4[%add3A, %dma_start3A_53, %dma_start3A_54] : memref<32x80x128xi32, #tpu.memory_space<hbm>> -> memref<1x80x128xi32, #tpu.memory_space<hbm>>
      %dma_start3A_56 = tpu.memref_squeeze %dma_start3A_55 : memref<1x80x128xi32, #tpu.memory_space<hbm>> -> memref<80x128xi32, #tpu.memory_space<hbm>>
      tpu.enqueue_dma source(%dma_start3A_56 : memref<80x128xi32, #tpu.memory_space<hbm>>) target(%arg8 : memref<80x128xi32, #tpu.memory_space<vmem>>) target_semaphore(%run_scoped3A : memref<!tpu.dma_semaphore, #tpu.memory_space<semaphore_mem>>)
      %dma_wait3A_57 = arith.constant 0 : i32
      %dma_wait3A_58 = arith.constant 0 : i32
      %dma_wait3A_59 = tpu.memref_slice %arg4[%add3A, %dma_wait3A_57, %dma_wait3A_58] : memref<32x80x128xi32, #tpu.memory_space<hbm>> -> memref<1x80x128xi32, #tpu.memory_space<hbm>>
      %dma_wait3A_60 = tpu.memref_squeeze %dma_wait3A_59 : memref<1x80x128xi32, #tpu.memory_space<hbm>> -> memref<80x128xi32, #tpu.memory_space<hbm>>
      %dma_wait3A_61 = arith.constant 0 : i32
      %dma_wait3A_62 = arith.constant 0 : i32
      %dma_wait3A_63 = tpu.memref_slice %arg4[%add3A, %dma_wait3A_61, %dma_wait3A_62] : memref<32x80x128xi32, #tpu.memory_space<hbm>> -> memref<1x80x128xi32, #tpu.memory_space<hbm>>
      %dma_wait3A_64 = tpu.memref_squeeze %dma_wait3A_63 : memref<1x80x128xi32, #tpu.memory_space<hbm>> -> memref<80x128xi32, #tpu.memory_space<hbm>>
      tpu.wait_dma2 semaphore(%run_scoped3A : memref<!tpu.dma_semaphore, #tpu.memory_space<semaphore_mem>>) src(%dma_wait3A_64 : memref<80x128xi32, #tpu.memory_space<hbm>>) dst(%arg8 : memref<80x128xi32, #tpu.memory_space<vmem>>)
      tpu.yield
    }) : () -> ()
    %mul3A_1 = arith.constant 640 : i32
    %mul3A_2 = arith.muli %arg1, %mul3A_1 : i32
    "tpu.region"() ({
      %run_scoped3A = tpu.sem_alloc : memref<!tpu.dma_semaphore, #tpu.memory_space<semaphore_mem>>
      %dma_start3A_49 = arith.constant 0 : i32
      %dma_start3A_50 = tpu.memref_slice %arg13[%mul3A_2, %dma_start3A_49] : memref<10240x64xf32, #tpu.memory_space<vmem_shared>> -> memref<640x64xf32, #tpu.memory_space<vmem_shared>>
      %dma_start3A_51 = arith.constant 0 : i32
      %dma_start3A_52 = tpu.memref_slice %arg5[%mul3A_2, %dma_start3A_51] : memref<10240x64xf32, #tpu.memory_space<hbm>> -> memref<640x64xf32, #tpu.memory_space<hbm>>
      tpu.enqueue_dma source(%dma_start3A_52 : memref<640x64xf32, #tpu.memory_space<hbm>>) target(%dma_start3A_50 : memref<640x64xf32, #tpu.memory_space<vmem_shared>>) target_semaphore(%run_scoped3A : memref<!tpu.dma_semaphore, #tpu.memory_space<semaphore_mem>>)
      %dma_wait3A_53 = arith.constant 0 : i32
      %dma_wait3A_54 = tpu.memref_slice %arg13[%mul3A_2, %dma_wait3A_53] : memref<10240x64xf32, #tpu.memory_space<vmem_shared>> -> memref<640x64xf32, #tpu.memory_space<vmem_shared>>
      %dma_wait3A_55 = arith.constant 0 : i32
      %dma_wait3A_56 = tpu.memref_slice %arg5[%mul3A_2, %dma_wait3A_55] : memref<10240x64xf32, #tpu.memory_space<hbm>> -> memref<640x64xf32, #tpu.memory_space<hbm>>
      tpu.wait_dma2 semaphore(%run_scoped3A : memref<!tpu.dma_semaphore, #tpu.memory_space<semaphore_mem>>) src(%dma_wait3A_56 : memref<640x64xf32, #tpu.memory_space<hbm>>) dst(%dma_wait3A_54 : memref<640x64xf32, #tpu.memory_space<vmem_shared>>)
      tpu.yield
    }) : () -> ()
    %barrier3A = arith.constant 0 : index
    tpu.barrier barrier_id(%barrier3A)
    %dma_start3A = arith.constant 0 : i32
    %dma_start3A_3 = arith.constant 0 : i32
    %dma_start3A_4 = tpu.memref_slice %arg7[%dma_start3A, %dma_start3A_3] : memref<80x128xi32, #tpu.memory_space<vmem>> -> memref<1x128xi32, #tpu.memory_space<vmem>>
    %dma_start3A_5 = tpu.memref_squeeze %dma_start3A_4 : memref<1x128xi32, #tpu.memory_space<vmem>> -> memref<128xi32, #tpu.memory_space<vmem>>
    %dma_start3A_6 = arith.constant 0 : i32
    %dma_start3A_7 = arith.constant 0 : i32
    %dma_start3A_8 = tpu.memref_slice %arg2[%dma_start3A_6, %dma_start3A_7] : memref<20480x64xf32, #tpu.memory_space<hbm>> -> memref<20480x64xf32, #tpu.memory_space<hbm>>
    tpu.enqueue_indirect_dma source(%dma_start3A_8 : memref<20480x64xf32, #tpu.memory_space<hbm>>) target(%arg9 : memref<128x64xf32, #tpu.memory_space<vmem>>) offsets(%dma_start3A_5 : memref<128xi32, #tpu.memory_space<vmem>>) semaphore(%arg14 : memref<!tpu.dma_semaphore, #tpu.memory_space<semaphore_mem>>)
    %dma_start3A_9 = arith.constant 1 : i32
    %dma_start3A_10 = arith.constant 0 : i32
    %dma_start3A_11 = tpu.memref_slice %arg7[%dma_start3A_9, %dma_start3A_10] : memref<80x128xi32, #tpu.memory_space<vmem>> -> memref<1x128xi32, #tpu.memory_space<vmem>>
    %dma_start3A_12 = tpu.memref_squeeze %dma_start3A_11 : memref<1x128xi32, #tpu.memory_space<vmem>> -> memref<128xi32, #tpu.memory_space<vmem>>
    %dma_start3A_13 = arith.constant 0 : i32
    %dma_start3A_14 = arith.constant 0 : i32
    %dma_start3A_15 = tpu.memref_slice %arg2[%dma_start3A_13, %dma_start3A_14] : memref<20480x64xf32, #tpu.memory_space<hbm>> -> memref<20480x64xf32, #tpu.memory_space<hbm>>
    tpu.enqueue_indirect_dma source(%dma_start3A_15 : memref<20480x64xf32, #tpu.memory_space<hbm>>) target(%arg10 : memref<128x64xf32, #tpu.memory_space<vmem>>) offsets(%dma_start3A_12 : memref<128xi32, #tpu.memory_space<vmem>>) semaphore(%arg15 : memref<!tpu.dma_semaphore, #tpu.memory_space<semaphore_mem>>)
    %scan3A = arith.constant 0 : i32
    %scan3A_16 = arith.constant 0 : i32
    %scan3A_17 = arith.constant 20 : i32
    %scan3A_18 = arith.addi %scan3A_16, %scan3A_17 : i32
    %scan3A_19 = arith.constant 1 : i32
    scf.for %scan3A_49 = %scan3A_16 to %scan3A_18 step %scan3A_19  : i32 {
      %mul3A_50 = arith.constant 4 : i32
      %mul3A_51 = arith.muli %mul3A_50, %scan3A_49 : i32
      %add3A_52 = arith.constant 0 : i32
      %add3A_53 = arith.addi %mul3A_51, %add3A_52 : i32
      %dma_wait3A_54 = arith.constant 0 : i32
      %dma_wait3A_55 = tpu.memref_slice %arg7[%add3A_53, %dma_wait3A_54] : memref<80x128xi32, #tpu.memory_space<vmem>> -> memref<1x128xi32, #tpu.memory_space<vmem>>
      %dma_wait3A_56 = tpu.memref_squeeze %dma_wait3A_55 : memref<1x128xi32, #tpu.memory_space<vmem>> -> memref<128xi32, #tpu.memory_space<vmem>>
      %dma_wait3A_57 = arith.constant 0 : i32
      %dma_wait3A_58 = arith.constant 0 : i32
      %dma_wait3A_59 = tpu.memref_slice %arg2[%dma_wait3A_57, %dma_wait3A_58] : memref<20480x64xf32, #tpu.memory_space<hbm>> -> memref<20480x64xf32, #tpu.memory_space<hbm>>
      tpu.wait_indirect_dma semaphore(%arg14 : memref<!tpu.dma_semaphore, #tpu.memory_space<semaphore_mem>>) src(%dma_wait3A_59 : memref<20480x64xf32, #tpu.memory_space<hbm>>) dst(%arg9 : memref<128x64xf32, #tpu.memory_space<vmem>>)
      %dma_start3A_60 = arith.constant 0 : i32
      %dma_start3A_61 = tpu.memref_slice %arg8[%add3A_53, %dma_start3A_60] : memref<80x128xi32, #tpu.memory_space<vmem>> -> memref<1x128xi32, #tpu.memory_space<vmem>>
      %dma_start3A_62 = tpu.memref_squeeze %dma_start3A_61 : memref<1x128xi32, #tpu.memory_space<vmem>> -> memref<128xi32, #tpu.memory_space<vmem>>
      %dma_start3A_63 = arith.constant 0 : i32
      %dma_start3A_64 = arith.constant 0 : i32
      %dma_start3A_65 = tpu.memref_slice %arg13[%dma_start3A_63, %dma_start3A_64] : memref<10240x64xf32, #tpu.memory_space<vmem_shared>> -> memref<10240x64xf32, #tpu.memory_space<vmem_shared>>
      tpu.enqueue_indirect_dma source(%arg9 : memref<128x64xf32, #tpu.memory_space<vmem>>) target(%dma_start3A_65 : memref<10240x64xf32, #tpu.memory_space<vmem_shared>>) offsets(%dma_start3A_62 : memref<128xi32, #tpu.memory_space<vmem>>) semaphore(%arg18 : memref<!tpu.dma_semaphore, #tpu.memory_space<semaphore_mem>>) {add = true}
      %add3A_66 = arith.constant 2 : i32
      %add3A_67 = arith.addi %add3A_53, %add3A_66 : i32
      %lt3A = arith.constant 80 : i32
      %lt3A_68 = arith.cmpi slt, %add3A_67, %lt3A : i32
      %convert_element_type3A = arith.extui %lt3A_68 : i1 to i32
      %cond3A = arith.constant 0 : i32
      %cond3A_69 = arith.cmpi ne, %convert_element_type3A, %cond3A : i32
      scf.if %cond3A_69 {
        %ge3A = arith.constant 2 : i32
        %ge3A_139 = arith.cmpi sge, %add3A_53, %ge3A : i32
        %convert_element_type3A_140 = arith.extui %ge3A_139 : i1 to i32
        %cond3A_141 = arith.constant 0 : i32
        %cond3A_142 = arith.cmpi ne, %convert_element_type3A_140, %cond3A_141 : i32
        scf.if %cond3A_142 {
          %sub3A = arith.constant 2 : i32
          %sub3A_151 = arith.subi %add3A_53, %sub3A : i32
          %dma_wait3A_152 = arith.constant 0 : i32
          %dma_wait3A_153 = tpu.memref_slice %arg8[%sub3A_151, %dma_wait3A_152] : memref<80x128xi32, #tpu.memory_space<vmem>> -> memref<1x128xi32, #tpu.memory_space<vmem>>
          %dma_wait3A_154 = tpu.memref_squeeze %dma_wait3A_153 : memref<1x128xi32, #tpu.memory_space<vmem>> -> memref<128xi32, #tpu.memory_space<vmem>>
          %dma_wait3A_155 = arith.constant 0 : i32
          %dma_wait3A_156 = arith.constant 0 : i32
          %dma_wait3A_157 = tpu.memref_slice %arg13[%dma_wait3A_155, %dma_wait3A_156] : memref<10240x64xf32, #tpu.memory_space<vmem_shared>> -> memref<10240x64xf32, #tpu.memory_space<vmem_shared>>
          tpu.wait_indirect_dma semaphore(%arg20 : memref<!tpu.dma_semaphore, #tpu.memory_space<semaphore_mem>>) src(%arg11 : memref<128x64xf32, #tpu.memory_space<vmem>>) dst(%dma_wait3A_157 : memref<10240x64xf32, #tpu.memory_space<vmem_shared>>)
        } else {
        }
        %add3A_143 = arith.constant 2 : i32
        %add3A_144 = arith.addi %add3A_53, %add3A_143 : i32
        %dma_start3A_145 = arith.constant 0 : i32
        %dma_start3A_146 = tpu.memref_slice %arg7[%add3A_144, %dma_start3A_145] : memref<80x128xi32, #tpu.memory_space<vmem>> -> memref<1x128xi32, #tpu.memory_space<vmem>>
        %dma_start3A_147 = tpu.memref_squeeze %dma_start3A_146 : memref<1x128xi32, #tpu.memory_space<vmem>> -> memref<128xi32, #tpu.memory_space<vmem>>
        %dma_start3A_148 = arith.constant 0 : i32
        %dma_start3A_149 = arith.constant 0 : i32
        %dma_start3A_150 = tpu.memref_slice %arg2[%dma_start3A_148, %dma_start3A_149] : memref<20480x64xf32, #tpu.memory_space<hbm>> -> memref<20480x64xf32, #tpu.memory_space<hbm>>
        tpu.enqueue_indirect_dma source(%dma_start3A_150 : memref<20480x64xf32, #tpu.memory_space<hbm>>) target(%arg11 : memref<128x64xf32, #tpu.memory_space<vmem>>) offsets(%dma_start3A_147 : memref<128xi32, #tpu.memory_space<vmem>>) semaphore(%arg16 : memref<!tpu.dma_semaphore, #tpu.memory_space<semaphore_mem>>)
      } else {
      }
      %mul3A_70 = arith.constant 4 : i32
      %mul3A_71 = arith.muli %mul3A_70, %scan3A_49 : i32
      %add3A_72 = arith.constant 1 : i32
      %add3A_73 = arith.addi %mul3A_71, %add3A_72 : i32
      %dma_wait3A_74 = arith.constant 0 : i32
      %dma_wait3A_75 = tpu.memref_slice %arg7[%add3A_73, %dma_wait3A_74] : memref<80x128xi32, #tpu.memory_space<vmem>> -> memref<1x128xi32, #tpu.memory_space<vmem>>
      %dma_wait3A_76 = tpu.memref_squeeze %dma_wait3A_75 : memref<1x128xi32, #tpu.memory_space<vmem>> -> memref<128xi32, #tpu.memory_space<vmem>>
      %dma_wait3A_77 = arith.constant 0 : i32
      %dma_wait3A_78 = arith.constant 0 : i32
      %dma_wait3A_79 = tpu.memref_slice %arg2[%dma_wait3A_77, %dma_wait3A_78] : memref<20480x64xf32, #tpu.memory_space<hbm>> -> memref<20480x64xf32, #tpu.memory_space<hbm>>
      tpu.wait_indirect_dma semaphore(%arg15 : memref<!tpu.dma_semaphore, #tpu.memory_space<semaphore_mem>>) src(%dma_wait3A_79 : memref<20480x64xf32, #tpu.memory_space<hbm>>) dst(%arg10 : memref<128x64xf32, #tpu.memory_space<vmem>>)
      %dma_start3A_80 = arith.constant 0 : i32
      %dma_start3A_81 = tpu.memref_slice %arg8[%add3A_73, %dma_start3A_80] : memref<80x128xi32, #tpu.memory_space<vmem>> -> memref<1x128xi32, #tpu.memory_space<vmem>>
      %dma_start3A_82 = tpu.memref_squeeze %dma_start3A_81 : memref<1x128xi32, #tpu.memory_space<vmem>> -> memref<128xi32, #tpu.memory_space<vmem>>
      %dma_start3A_83 = arith.constant 0 : i32
      %dma_start3A_84 = arith.constant 0 : i32
      %dma_start3A_85 = tpu.memref_slice %arg13[%dma_start3A_83, %dma_start3A_84] : memref<10240x64xf32, #tpu.memory_space<vmem_shared>> -> memref<10240x64xf32, #tpu.memory_space<vmem_shared>>
      tpu.enqueue_indirect_dma source(%arg10 : memref<128x64xf32, #tpu.memory_space<vmem>>) target(%dma_start3A_85 : memref<10240x64xf32, #tpu.memory_space<vmem_shared>>) offsets(%dma_start3A_82 : memref<128xi32, #tpu.memory_space<vmem>>) semaphore(%arg19 : memref<!tpu.dma_semaphore, #tpu.memory_space<semaphore_mem>>) {add = true}
      %add3A_86 = arith.constant 2 : i32
      %add3A_87 = arith.addi %add3A_73, %add3A_86 : i32
      %lt3A_88 = arith.constant 80 : i32
      %lt3A_89 = arith.cmpi slt, %add3A_87, %lt3A_88 : i32
      %convert_element_type3A_90 = arith.extui %lt3A_89 : i1 to i32
      %cond3A_91 = arith.constant 0 : i32
      %cond3A_92 = arith.cmpi ne, %convert_element_type3A_90, %cond3A_91 : i32
      scf.if %cond3A_92 {
        %ge3A = arith.constant 2 : i32
        %ge3A_139 = arith.cmpi sge, %add3A_73, %ge3A : i32
        %convert_element_type3A_140 = arith.extui %ge3A_139 : i1 to i32
        %cond3A_141 = arith.constant 0 : i32
        %cond3A_142 = arith.cmpi ne, %convert_element_type3A_140, %cond3A_141 : i32
        scf.if %cond3A_142 {
          %sub3A = arith.constant 2 : i32
          %sub3A_151 = arith.subi %add3A_73, %sub3A : i32
          %dma_wait3A_152 = arith.constant 0 : i32
          %dma_wait3A_153 = tpu.memref_slice %arg8[%sub3A_151, %dma_wait3A_152] : memref<80x128xi32, #tpu.memory_space<vmem>> -> memref<1x128xi32, #tpu.memory_space<vmem>>
          %dma_wait3A_154 = tpu.memref_squeeze %dma_wait3A_153 : memref<1x128xi32, #tpu.memory_space<vmem>> -> memref<128xi32, #tpu.memory_space<vmem>>
          %dma_wait3A_155 = arith.constant 0 : i32
          %dma_wait3A_156 = arith.constant 0 : i32
          %dma_wait3A_157 = tpu.memref_slice %arg13[%dma_wait3A_155, %dma_wait3A_156] : memref<10240x64xf32, #tpu.memory_space<vmem_shared>> -> memref<10240x64xf32, #tpu.memory_space<vmem_shared>>
          tpu.wait_indirect_dma semaphore(%arg21 : memref<!tpu.dma_semaphore, #tpu.memory_space<semaphore_mem>>) src(%arg12 : memref<128x64xf32, #tpu.memory_space<vmem>>) dst(%dma_wait3A_157 : memref<10240x64xf32, #tpu.memory_space<vmem_shared>>)
        } else {
        }
        %add3A_143 = arith.constant 2 : i32
        %add3A_144 = arith.addi %add3A_73, %add3A_143 : i32
        %dma_start3A_145 = arith.constant 0 : i32
        %dma_start3A_146 = tpu.memref_slice %arg7[%add3A_144, %dma_start3A_145] : memref<80x128xi32, #tpu.memory_space<vmem>> -> memref<1x128xi32, #tpu.memory_space<vmem>>
        %dma_start3A_147 = tpu.memref_squeeze %dma_start3A_146 : memref<1x128xi32, #tpu.memory_space<vmem>> -> memref<128xi32, #tpu.memory_space<vmem>>
        %dma_start3A_148 = arith.constant 0 : i32
        %dma_start3A_149 = arith.constant 0 : i32
        %dma_start3A_150 = tpu.memref_slice %arg2[%dma_start3A_148, %dma_start3A_149] : memref<20480x64xf32, #tpu.memory_space<hbm>> -> memref<20480x64xf32, #tpu.memory_space<hbm>>
        tpu.enqueue_indirect_dma source(%dma_start3A_150 : memref<20480x64xf32, #tpu.memory_space<hbm>>) target(%arg12 : memref<128x64xf32, #tpu.memory_space<vmem>>) offsets(%dma_start3A_147 : memref<128xi32, #tpu.memory_space<vmem>>) semaphore(%arg17 : memref<!tpu.dma_semaphore, #tpu.memory_space<semaphore_mem>>)
      } else {
      }
      %mul3A_93 = arith.constant 4 : i32
      %mul3A_94 = arith.muli %mul3A_93, %scan3A_49 : i32
      %add3A_95 = arith.constant 2 : i32
      %add3A_96 = arith.addi %mul3A_94, %add3A_95 : i32
      %dma_wait3A_97 = arith.constant 0 : i32
      %dma_wait3A_98 = tpu.memref_slice %arg7[%add3A_96, %dma_wait3A_97] : memref<80x128xi32, #tpu.memory_space<vmem>> -> memref<1x128xi32, #tpu.memory_space<vmem>>
      %dma_wait3A_99 = tpu.memref_squeeze %dma_wait3A_98 : memref<1x128xi32, #tpu.memory_space<vmem>> -> memref<128xi32, #tpu.memory_space<vmem>>
      %dma_wait3A_100 = arith.constant 0 : i32
      %dma_wait3A_101 = arith.constant 0 : i32
      %dma_wait3A_102 = tpu.memref_slice %arg2[%dma_wait3A_100, %dma_wait3A_101] : memref<20480x64xf32, #tpu.memory_space<hbm>> -> memref<20480x64xf32, #tpu.memory_space<hbm>>
      tpu.wait_indirect_dma semaphore(%arg16 : memref<!tpu.dma_semaphore, #tpu.memory_space<semaphore_mem>>) src(%dma_wait3A_102 : memref<20480x64xf32, #tpu.memory_space<hbm>>) dst(%arg11 : memref<128x64xf32, #tpu.memory_space<vmem>>)
      %dma_start3A_103 = arith.constant 0 : i32
      %dma_start3A_104 = tpu.memref_slice %arg8[%add3A_96, %dma_start3A_103] : memref<80x128xi32, #tpu.memory_space<vmem>> -> memref<1x128xi32, #tpu.memory_space<vmem>>
      %dma_start3A_105 = tpu.memref_squeeze %dma_start3A_104 : memref<1x128xi32, #tpu.memory_space<vmem>> -> memref<128xi32, #tpu.memory_space<vmem>>
      %dma_start3A_106 = arith.constant 0 : i32
      %dma_start3A_107 = arith.constant 0 : i32
      %dma_start3A_108 = tpu.memref_slice %arg13[%dma_start3A_106, %dma_start3A_107] : memref<10240x64xf32, #tpu.memory_space<vmem_shared>> -> memref<10240x64xf32, #tpu.memory_space<vmem_shared>>
      tpu.enqueue_indirect_dma source(%arg11 : memref<128x64xf32, #tpu.memory_space<vmem>>) target(%dma_start3A_108 : memref<10240x64xf32, #tpu.memory_space<vmem_shared>>) offsets(%dma_start3A_105 : memref<128xi32, #tpu.memory_space<vmem>>) semaphore(%arg20 : memref<!tpu.dma_semaphore, #tpu.memory_space<semaphore_mem>>) {add = true}
      %add3A_109 = arith.constant 2 : i32
      %add3A_110 = arith.addi %add3A_96, %add3A_109 : i32
      %lt3A_111 = arith.constant 80 : i32
      %lt3A_112 = arith.cmpi slt, %add3A_110, %lt3A_111 : i32
      %convert_element_type3A_113 = arith.extui %lt3A_112 : i1 to i32
      %cond3A_114 = arith.constant 0 : i32
      %cond3A_115 = arith.cmpi ne, %convert_element_type3A_113, %cond3A_114 : i32
      scf.if %cond3A_115 {
        %ge3A = arith.constant 2 : i32
        %ge3A_139 = arith.cmpi sge, %add3A_96, %ge3A : i32
        %convert_element_type3A_140 = arith.extui %ge3A_139 : i1 to i32
        %cond3A_141 = arith.constant 0 : i32
        %cond3A_142 = arith.cmpi ne, %convert_element_type3A_140, %cond3A_141 : i32
        scf.if %cond3A_142 {
          %sub3A = arith.constant 2 : i32
          %sub3A_151 = arith.subi %add3A_96, %sub3A : i32
          %dma_wait3A_152 = arith.constant 0 : i32
          %dma_wait3A_153 = tpu.memref_slice %arg8[%sub3A_151, %dma_wait3A_152] : memref<80x128xi32, #tpu.memory_space<vmem>> -> memref<1x128xi32, #tpu.memory_space<vmem>>
          %dma_wait3A_154 = tpu.memref_squeeze %dma_wait3A_153 : memref<1x128xi32, #tpu.memory_space<vmem>> -> memref<128xi32, #tpu.memory_space<vmem>>
          %dma_wait3A_155 = arith.constant 0 : i32
          %dma_wait3A_156 = arith.constant 0 : i32
          %dma_wait3A_157 = tpu.memref_slice %arg13[%dma_wait3A_155, %dma_wait3A_156] : memref<10240x64xf32, #tpu.memory_space<vmem_shared>> -> memref<10240x64xf32, #tpu.memory_space<vmem_shared>>
          tpu.wait_indirect_dma semaphore(%arg18 : memref<!tpu.dma_semaphore, #tpu.memory_space<semaphore_mem>>) src(%arg9 : memref<128x64xf32, #tpu.memory_space<vmem>>) dst(%dma_wait3A_157 : memref<10240x64xf32, #tpu.memory_space<vmem_shared>>)
        } else {
        }
        %add3A_143 = arith.constant 2 : i32
        %add3A_144 = arith.addi %add3A_96, %add3A_143 : i32
        %dma_start3A_145 = arith.constant 0 : i32
        %dma_start3A_146 = tpu.memref_slice %arg7[%add3A_144, %dma_start3A_145] : memref<80x128xi32, #tpu.memory_space<vmem>> -> memref<1x128xi32, #tpu.memory_space<vmem>>
        %dma_start3A_147 = tpu.memref_squeeze %dma_start3A_146 : memref<1x128xi32, #tpu.memory_space<vmem>> -> memref<128xi32, #tpu.memory_space<vmem>>
        %dma_start3A_148 = arith.constant 0 : i32
        %dma_start3A_149 = arith.constant 0 : i32
        %dma_start3A_150 = tpu.memref_slice %arg2[%dma_start3A_148, %dma_start3A_149] : memref<20480x64xf32, #tpu.memory_space<hbm>> -> memref<20480x64xf32, #tpu.memory_space<hbm>>
        tpu.enqueue_indirect_dma source(%dma_start3A_150 : memref<20480x64xf32, #tpu.memory_space<hbm>>) target(%arg9 : memref<128x64xf32, #tpu.memory_space<vmem>>) offsets(%dma_start3A_147 : memref<128xi32, #tpu.memory_space<vmem>>) semaphore(%arg14 : memref<!tpu.dma_semaphore, #tpu.memory_space<semaphore_mem>>)
      } else {
      }
      %mul3A_116 = arith.constant 4 : i32
      %mul3A_117 = arith.muli %mul3A_116, %scan3A_49 : i32
      %add3A_118 = arith.constant 3 : i32
      %add3A_119 = arith.addi %mul3A_117, %add3A_118 : i32
      %dma_wait3A_120 = arith.constant 0 : i32
      %dma_wait3A_121 = tpu.memref_slice %arg7[%add3A_119, %dma_wait3A_120] : memref<80x128xi32, #tpu.memory_space<vmem>> -> memref<1x128xi32, #tpu.memory_space<vmem>>
      %dma_wait3A_122 = tpu.memref_squeeze %dma_wait3A_121 : memref<1x128xi32, #tpu.memory_space<vmem>> -> memref<128xi32, #tpu.memory_space<vmem>>
      %dma_wait3A_123 = arith.constant 0 : i32
      %dma_wait3A_124 = arith.constant 0 : i32
      %dma_wait3A_125 = tpu.memref_slice %arg2[%dma_wait3A_123, %dma_wait3A_124] : memref<20480x64xf32, #tpu.memory_space<hbm>> -> memref<20480x64xf32, #tpu.memory_space<hbm>>
      tpu.wait_indirect_dma semaphore(%arg17 : memref<!tpu.dma_semaphore, #tpu.memory_space<semaphore_mem>>) src(%dma_wait3A_125 : memref<20480x64xf32, #tpu.memory_space<hbm>>) dst(%arg12 : memref<128x64xf32, #tpu.memory_space<vmem>>)
      %dma_start3A_126 = arith.constant 0 : i32
      %dma_start3A_127 = tpu.memref_slice %arg8[%add3A_119, %dma_start3A_126] : memref<80x128xi32, #tpu.memory_space<vmem>> -> memref<1x128xi32, #tpu.memory_space<vmem>>
      %dma_start3A_128 = tpu.memref_squeeze %dma_start3A_127 : memref<1x128xi32, #tpu.memory_space<vmem>> -> memref<128xi32, #tpu.memory_space<vmem>>
      %dma_start3A_129 = arith.constant 0 : i32
      %dma_start3A_130 = arith.constant 0 : i32
      %dma_start3A_131 = tpu.memref_slice %arg13[%dma_start3A_129, %dma_start3A_130] : memref<10240x64xf32, #tpu.memory_space<vmem_shared>> -> memref<10240x64xf32, #tpu.memory_space<vmem_shared>>
      tpu.enqueue_indirect_dma source(%arg12 : memref<128x64xf32, #tpu.memory_space<vmem>>) target(%dma_start3A_131 : memref<10240x64xf32, #tpu.memory_space<vmem_shared>>) offsets(%dma_start3A_128 : memref<128xi32, #tpu.memory_space<vmem>>) semaphore(%arg21 : memref<!tpu.dma_semaphore, #tpu.memory_space<semaphore_mem>>) {add = true}
      %add3A_132 = arith.constant 2 : i32
      %add3A_133 = arith.addi %add3A_119, %add3A_132 : i32
      %lt3A_134 = arith.constant 80 : i32
      %lt3A_135 = arith.cmpi slt, %add3A_133, %lt3A_134 : i32
      %convert_element_type3A_136 = arith.extui %lt3A_135 : i1 to i32
      %cond3A_137 = arith.constant 0 : i32
      %cond3A_138 = arith.cmpi ne, %convert_element_type3A_136, %cond3A_137 : i32
      scf.if %cond3A_138 {
        %ge3A = arith.constant 2 : i32
        %ge3A_139 = arith.cmpi sge, %add3A_119, %ge3A : i32
        %convert_element_type3A_140 = arith.extui %ge3A_139 : i1 to i32
        %cond3A_141 = arith.constant 0 : i32
        %cond3A_142 = arith.cmpi ne, %convert_element_type3A_140, %cond3A_141 : i32
        scf.if %cond3A_142 {
          %sub3A = arith.constant 2 : i32
          %sub3A_151 = arith.subi %add3A_119, %sub3A : i32
          %dma_wait3A_152 = arith.constant 0 : i32
          %dma_wait3A_153 = tpu.memref_slice %arg8[%sub3A_151, %dma_wait3A_152] : memref<80x128xi32, #tpu.memory_space<vmem>> -> memref<1x128xi32, #tpu.memory_space<vmem>>
          %dma_wait3A_154 = tpu.memref_squeeze %dma_wait3A_153 : memref<1x128xi32, #tpu.memory_space<vmem>> -> memref<128xi32, #tpu.memory_space<vmem>>
          %dma_wait3A_155 = arith.constant 0 : i32
          %dma_wait3A_156 = arith.constant 0 : i32
          %dma_wait3A_157 = tpu.memref_slice %arg13[%dma_wait3A_155, %dma_wait3A_156] : memref<10240x64xf32, #tpu.memory_space<vmem_shared>> -> memref<10240x64xf32, #tpu.memory_space<vmem_shared>>
          tpu.wait_indirect_dma semaphore(%arg19 : memref<!tpu.dma_semaphore, #tpu.memory_space<semaphore_mem>>) src(%arg10 : memref<128x64xf32, #tpu.memory_space<vmem>>) dst(%dma_wait3A_157 : memref<10240x64xf32, #tpu.memory_space<vmem_shared>>)
        } else {
        }
        %add3A_143 = arith.constant 2 : i32
        %add3A_144 = arith.addi %add3A_119, %add3A_143 : i32
        %dma_start3A_145 = arith.constant 0 : i32
        %dma_start3A_146 = tpu.memref_slice %arg7[%add3A_144, %dma_start3A_145] : memref<80x128xi32, #tpu.memory_space<vmem>> -> memref<1x128xi32, #tpu.memory_space<vmem>>
        %dma_start3A_147 = tpu.memref_squeeze %dma_start3A_146 : memref<1x128xi32, #tpu.memory_space<vmem>> -> memref<128xi32, #tpu.memory_space<vmem>>
        %dma_start3A_148 = arith.constant 0 : i32
        %dma_start3A_149 = arith.constant 0 : i32
        %dma_start3A_150 = tpu.memref_slice %arg2[%dma_start3A_148, %dma_start3A_149] : memref<20480x64xf32, #tpu.memory_space<hbm>> -> memref<20480x64xf32, #tpu.memory_space<hbm>>
        tpu.enqueue_indirect_dma source(%dma_start3A_150 : memref<20480x64xf32, #tpu.memory_space<hbm>>) target(%arg10 : memref<128x64xf32, #tpu.memory_space<vmem>>) offsets(%dma_start3A_147 : memref<128xi32, #tpu.memory_space<vmem>>) semaphore(%arg15 : memref<!tpu.dma_semaphore, #tpu.memory_space<semaphore_mem>>)
      } else {
      }
    }
    %scan3A_20 = arith.constant 20 : i32
    %dma_wait3A = arith.constant 76 : i32
    %dma_wait3A_21 = arith.constant 0 : i32
    %dma_wait3A_22 = tpu.memref_slice %arg8[%dma_wait3A, %dma_wait3A_21] : memref<80x128xi32, #tpu.memory_space<vmem>> -> memref<1x128xi32, #tpu.memory_space<vmem>>
    %dma_wait3A_23 = tpu.memref_squeeze %dma_wait3A_22 : memref<1x128xi32, #tpu.memory_space<vmem>> -> memref<128xi32, #tpu.memory_space<vmem>>
    %dma_wait3A_24 = arith.constant 0 : i32
    %dma_wait3A_25 = arith.constant 0 : i32
    %dma_wait3A_26 = tpu.memref_slice %arg13[%dma_wait3A_24, %dma_wait3A_25] : memref<10240x64xf32, #tpu.memory_space<vmem_shared>> -> memref<10240x64xf32, #tpu.memory_space<vmem_shared>>
    tpu.wait_indirect_dma semaphore(%arg18 : memref<!tpu.dma_semaphore, #tpu.memory_space<semaphore_mem>>) src(%arg9 : memref<128x64xf32, #tpu.memory_space<vmem>>) dst(%dma_wait3A_26 : memref<10240x64xf32, #tpu.memory_space<vmem_shared>>)
    %dma_wait3A_27 = arith.constant 77 : i32
    %dma_wait3A_28 = arith.constant 0 : i32
    %dma_wait3A_29 = tpu.memref_slice %arg8[%dma_wait3A_27, %dma_wait3A_28] : memref<80x128xi32, #tpu.memory_space<vmem>> -> memref<1x128xi32, #tpu.memory_space<vmem>>
    %dma_wait3A_30 = tpu.memref_squeeze %dma_wait3A_29 : memref<1x128xi32, #tpu.memory_space<vmem>> -> memref<128xi32, #tpu.memory_space<vmem>>
    %dma_wait3A_31 = arith.constant 0 : i32
    %dma_wait3A_32 = arith.constant 0 : i32
    %dma_wait3A_33 = tpu.memref_slice %arg13[%dma_wait3A_31, %dma_wait3A_32] : memref<10240x64xf32, #tpu.memory_space<vmem_shared>> -> memref<10240x64xf32, #tpu.memory_space<vmem_shared>>
    tpu.wait_indirect_dma semaphore(%arg19 : memref<!tpu.dma_semaphore, #tpu.memory_space<semaphore_mem>>) src(%arg10 : memref<128x64xf32, #tpu.memory_space<vmem>>) dst(%dma_wait3A_33 : memref<10240x64xf32, #tpu.memory_space<vmem_shared>>)
    %dma_wait3A_34 = arith.constant 78 : i32
    %dma_wait3A_35 = arith.constant 0 : i32
    %dma_wait3A_36 = tpu.memref_slice %arg8[%dma_wait3A_34, %dma_wait3A_35] : memref<80x128xi32, #tpu.memory_space<vmem>> -> memref<1x128xi32, #tpu.memory_space<vmem>>
    %dma_wait3A_37 = tpu.memref_squeeze %dma_wait3A_36 : memref<1x128xi32, #tpu.memory_space<vmem>> -> memref<128xi32, #tpu.memory_space<vmem>>
    %dma_wait3A_38 = arith.constant 0 : i32
    %dma_wait3A_39 = arith.constant 0 : i32
    %dma_wait3A_40 = tpu.memref_slice %arg13[%dma_wait3A_38, %dma_wait3A_39] : memref<10240x64xf32, #tpu.memory_space<vmem_shared>> -> memref<10240x64xf32, #tpu.memory_space<vmem_shared>>
    tpu.wait_indirect_dma semaphore(%arg20 : memref<!tpu.dma_semaphore, #tpu.memory_space<semaphore_mem>>) src(%arg11 : memref<128x64xf32, #tpu.memory_space<vmem>>) dst(%dma_wait3A_40 : memref<10240x64xf32, #tpu.memory_space<vmem_shared>>)
    %dma_wait3A_41 = arith.constant 79 : i32
    %dma_wait3A_42 = arith.constant 0 : i32
    %dma_wait3A_43 = tpu.memref_slice %arg8[%dma_wait3A_41, %dma_wait3A_42] : memref<80x128xi32, #tpu.memory_space<vmem>> -> memref<1x128xi32, #tpu.memory_space<vmem>>
    %dma_wait3A_44 = tpu.memref_squeeze %dma_wait3A_43 : memref<1x128xi32, #tpu.memory_space<vmem>> -> memref<128xi32, #tpu.memory_space<vmem>>
    %dma_wait3A_45 = arith.constant 0 : i32
    %dma_wait3A_46 = arith.constant 0 : i32
    %dma_wait3A_47 = tpu.memref_slice %arg13[%dma_wait3A_45, %dma_wait3A_46] : memref<10240x64xf32, #tpu.memory_space<vmem_shared>> -> memref<10240x64xf32, #tpu.memory_space<vmem_shared>>
    tpu.wait_indirect_dma semaphore(%arg21 : memref<!tpu.dma_semaphore, #tpu.memory_space<semaphore_mem>>) src(%arg12 : memref<128x64xf32, #tpu.memory_space<vmem>>) dst(%dma_wait3A_47 : memref<10240x64xf32, #tpu.memory_space<vmem_shared>>)
    %barrier3A_48 = arith.constant 0 : index
    tpu.barrier barrier_id(%barrier3A_48)
    "tpu.region"() ({
      %run_scoped3A = tpu.sem_alloc : memref<!tpu.dma_semaphore, #tpu.memory_space<semaphore_mem>>
      %dma_start3A_49 = arith.constant 0 : i32
      %dma_start3A_50 = tpu.memref_slice %arg6[%arg0, %mul3A_2, %dma_start3A_49] : memref<2x10240x128xf32, #tpu.memory_space<hbm>> -> memref<1x640x64xf32, #tpu.memory_space<hbm>>
      %dma_start3A_51 = tpu.memref_squeeze %dma_start3A_50 : memref<1x640x64xf32, #tpu.memory_space<hbm>> -> memref<640x64xf32, #tpu.memory_space<hbm>>
      %dma_start3A_52 = arith.constant 0 : i32
      %dma_start3A_53 = tpu.memref_slice %arg13[%mul3A_2, %dma_start3A_52] : memref<10240x64xf32, #tpu.memory_space<vmem_shared>> -> memref<640x64xf32, #tpu.memory_space<vmem_shared>>
      tpu.enqueue_dma source(%dma_start3A_53 : memref<640x64xf32, #tpu.memory_space<vmem_shared>>) target(%dma_start3A_51 : memref<640x64xf32, #tpu.memory_space<hbm>>) target_semaphore(%run_scoped3A : memref<!tpu.dma_semaphore, #tpu.memory_space<semaphore_mem>>)
      %dma_wait3A_54 = arith.constant 0 : i32
      %dma_wait3A_55 = tpu.memref_slice %arg6[%arg0, %mul3A_2, %dma_wait3A_54] : memref<2x10240x128xf32, #tpu.memory_space<hbm>> -> memref<1x640x64xf32, #tpu.memory_space<hbm>>
      %dma_wait3A_56 = tpu.memref_squeeze %dma_wait3A_55 : memref<1x640x64xf32, #tpu.memory_space<hbm>> -> memref<640x64xf32, #tpu.memory_space<hbm>>
      %dma_wait3A_57 = arith.constant 0 : i32
      %dma_wait3A_58 = tpu.memref_slice %arg13[%mul3A_2, %dma_wait3A_57] : memref<10240x64xf32, #tpu.memory_space<vmem_shared>> -> memref<640x64xf32, #tpu.memory_space<vmem_shared>>
      tpu.wait_dma2 semaphore(%run_scoped3A : memref<!tpu.dma_semaphore, #tpu.memory_space<semaphore_mem>>) src(%dma_wait3A_58 : memref<640x64xf32, #tpu.memory_space<vmem_shared>>) dst(%dma_wait3A_56 : memref<640x64xf32, #tpu.memory_space<hbm>>)
      tpu.yield
    }) : () -> ()
    return
  }
}

module attributes {stable_mosaic.version = 14 : i64} {
  func.func @body(%arg0: memref<10240x128xf32, #tpu.memory_space<vmem>>, %arg1: memref<128x64xf32, #tpu.memory_space<vmem>>, %arg2: memref<10240x128xf32, #tpu.memory_space<vmem>>) attributes {dimension_semantics = [], scalar_prefetch = 0 : i64, scratch_operands = 0 : i64, tpu.core_type = #tpu.core_type<tc>} {
    %get3A = arith.constant 0 : index
    %get3A_0 = arith.constant 0 : index
    %get3A_1 = vector.load %arg0[%get3A, %get3A_0] : memref<10240x128xf32, #tpu.memory_space<vmem>>, vector<10240x128xf32>
    %get3A_2 = arith.constant 0 : index
    %get3A_3 = arith.constant 0 : index
    %get3A_4 = vector.load %arg1[%get3A_2, %get3A_3] : memref<128x64xf32, #tpu.memory_space<vmem>>, vector<128x64xf32>
    %dot_general3A = arith.constant dense<0.000000e+00> : vector<10240x64xf32>
    %dot_general3A_5 = tpu.matmul %get3A_1, %get3A_4, %dot_general3A {dimension_numbers = #tpu.dot_dimension_numbers<[1], [0], [0], [1], [0, 0, 1, 1], [], []>, transpose_lhs_hint = false} : vector<10240x128xf32>, vector<128x64xf32>, vector<10240x64xf32> -> vector<10240x64xf32>
    %swap3A = arith.constant 0 : index
    %swap3A_6 = arith.constant 0 : index
    %swap3A_7 = vector.load %arg2[%swap3A, %swap3A_6] : memref<10240x128xf32, #tpu.memory_space<vmem>>, vector<10240x64xf32>
    tpu.vector_store %arg2[%swap3A, %swap3A_6], %dot_general3A_5 {strides = array<i32>} : memref<10240x128xf32, #tpu.memory_space<vmem>>, vector<10240x64xf32>,
    %broadcast_in_dim3A = arith.constant 0.000000e+00 : f32
    %broadcast_in_dim3A_8 = vector.broadcast %broadcast_in_dim3A : f32 to vector<10240x64xf32>
    %swap3A_9 = arith.constant 0 : index
    %swap3A_10 = arith.constant 64 : index
    %swap3A_11 = vector.load %arg2[%swap3A_9, %swap3A_10] : memref<10240x128xf32, #tpu.memory_space<vmem>>, vector<10240x64xf32>
    tpu.vector_store %arg2[%swap3A_9, %swap3A_10], %broadcast_in_dim3A_8 {strides = array<i32>} : memref<10240x128xf32, #tpu.memory_space<vmem>>, vector<10240x64xf32>,
    return
  }
}

module attributes {stable_mosaic.version = 14 : i64} {
  func.func @body(%arg0: memref<2x10240x128xf32, #tpu.memory_space<vmem>>, %arg1: memref<10240x128xf32, #tpu.memory_space<vmem>>, %arg2: memref<10240x1xf32, #tpu.memory_space<vmem>>, %arg3: memref<1x64xf32, #tpu.memory_space<vmem>>, %arg4: memref<64x32xf32, #tpu.memory_space<vmem>>, %arg5: memref<10240x128xf32, #tpu.memory_space<vmem>>) attributes {dimension_semantics = [], scalar_prefetch = 0 : i64, scratch_operands = 0 : i64, tpu.core_type = #tpu.core_type<tc>} {
    %get3A = arith.constant 0 : index
    %get3A_0 = arith.constant 0 : index
    %get3A_1 = vector.load %arg2[%get3A, %get3A_0] : memref<10240x1xf32, #tpu.memory_space<vmem>>, vector<10240x1xf32>
    %get3A_2 = arith.constant 0 : index
    %get3A_3 = arith.constant 0 : index
    %get3A_4 = arith.constant 0 : index
    %get3A_5 = vector.load %arg0[%get3A_2, %get3A_3, %get3A_4] : memref<2x10240x128xf32, #tpu.memory_space<vmem>>, vector<1x10240x64xf32>
    %get3A_6 = vector.shape_cast %get3A_5 : vector<1x10240x64xf32> to vector<10240x64xf32>
    %get3A_7 = arith.constant 1 : index
    %get3A_8 = arith.constant 0 : index
    %get3A_9 = arith.constant 0 : index
    %get3A_10 = vector.load %arg0[%get3A_7, %get3A_8, %get3A_9] : memref<2x10240x128xf32, #tpu.memory_space<vmem>>, vector<1x10240x64xf32>
    %get3A_11 = vector.shape_cast %get3A_10 : vector<1x10240x64xf32> to vector<10240x64xf32>
    %add3A = arith.addf %get3A_6, %get3A_11 : vector<10240x64xf32>
    %get3A_12 = arith.constant 0 : index
    %get3A_13 = arith.constant 0 : index
    %get3A_14 = vector.load %arg1[%get3A_12, %get3A_13] : memref<10240x128xf32, #tpu.memory_space<vmem>>, vector<10240x64xf32>
    %add3A_15 = arith.addf %add3A, %get3A_14 : vector<10240x64xf32>
    %mul3A = vector.broadcast %get3A_1 : vector<10240x1xf32> to vector<10240x64xf32>
    %mul3A_16 = arith.mulf %mul3A, %add3A_15 : vector<10240x64xf32>
    %get3A_17 = arith.constant 0 : index
    %get3A_18 = arith.constant 0 : index
    %get3A_19 = vector.load %arg3[%get3A_17, %get3A_18] : memref<1x64xf32, #tpu.memory_space<vmem>>, vector<1x64xf32>
    %add3A_20 = vector.broadcast %get3A_19 : vector<1x64xf32> to vector<10240x64xf32>
    %add3A_21 = arith.addf %mul3A_16, %add3A_20 : vector<10240x64xf32>
    %max3A = arith.constant 0.000000e+00 : f32
    %max3A_22 = vector.broadcast %max3A : f32 to vector<10240x64xf32>
    %max3A_23 = arith.maximumf %add3A_21, %max3A_22 : vector<10240x64xf32>
    %get3A_24 = arith.constant 0 : index
    %get3A_25 = arith.constant 0 : index
    %get3A_26 = vector.load %arg4[%get3A_24, %get3A_25] : memref<64x32xf32, #tpu.memory_space<vmem>>, vector<64x32xf32>
    %dot_general3A = arith.constant dense<0.000000e+00> : vector<10240x32xf32>
    %dot_general3A_27 = tpu.matmul %max3A_23, %get3A_26, %dot_general3A {dimension_numbers = #tpu.dot_dimension_numbers<[1], [0], [0], [1], [0, 0, 1, 1], [], []>, transpose_lhs_hint = false} : vector<10240x64xf32>, vector<64x32xf32>, vector<10240x32xf32> -> vector<10240x32xf32>
    %mul3A_28 = vector.broadcast %get3A_1 : vector<10240x1xf32> to vector<10240x32xf32>
    %mul3A_29 = arith.mulf %dot_general3A_27, %mul3A_28 : vector<10240x32xf32>
    %swap3A = arith.constant 0 : index
    %swap3A_30 = arith.constant 0 : index
    %swap3A_31 = vector.load %arg5[%swap3A, %swap3A_30] : memref<10240x128xf32, #tpu.memory_space<vmem>>, vector<10240x32xf32>
    tpu.vector_store %arg5[%swap3A, %swap3A_30], %mul3A_29 {strides = array<i32>} : memref<10240x128xf32, #tpu.memory_space<vmem>>, vector<10240x32xf32>,
    %broadcast_in_dim3A = arith.constant 0.000000e+00 : f32
    %broadcast_in_dim3A_32 = vector.broadcast %broadcast_in_dim3A : f32 to vector<10240x96xf32>
    %swap3A_33 = arith.constant 0 : index
    %swap3A_34 = arith.constant 32 : index
    %swap3A_35 = vector.load %arg5[%swap3A_33, %swap3A_34] : memref<10240x128xf32, #tpu.memory_space<vmem>>, vector<10240x96xf32>
    tpu.vector_store %arg5[%swap3A_33, %swap3A_34], %broadcast_in_dim3A_32 {strides = array<i32>} : memref<10240x128xf32, #tpu.memory_space<vmem>>, vector<10240x96xf32>,
    return
  }
}

module attributes {stable_mosaic.version = 14 : i64} {
  func.func @body(%arg0: memref<2x10240x128xf32, #tpu.memory_space<vmem>>, %arg1: memref<10240x128xf32, #tpu.memory_space<vmem>>, %arg2: memref<10240x1xf32, #tpu.memory_space<vmem>>, %arg3: memref<1x32xf32, #tpu.memory_space<vmem>>, %arg4: memref<32x40xf32, #tpu.memory_space<vmem>>, %arg5: memref<10240x128xf32, #tpu.memory_space<vmem>>) attributes {dimension_semantics = [], scalar_prefetch = 0 : i64, scratch_operands = 0 : i64, tpu.core_type = #tpu.core_type<tc>} {
    %get3A = arith.constant 0 : index
    %get3A_0 = arith.constant 0 : index
    %get3A_1 = vector.load %arg2[%get3A, %get3A_0] : memref<10240x1xf32, #tpu.memory_space<vmem>>, vector<10240x1xf32>
    %get3A_2 = arith.constant 0 : index
    %get3A_3 = arith.constant 0 : index
    %get3A_4 = arith.constant 0 : index
    %get3A_5 = vector.load %arg0[%get3A_2, %get3A_3, %get3A_4] : memref<2x10240x128xf32, #tpu.memory_space<vmem>>, vector<1x10240x32xf32>
    %get3A_6 = vector.shape_cast %get3A_5 : vector<1x10240x32xf32> to vector<10240x32xf32>
    %get3A_7 = arith.constant 1 : index
    %get3A_8 = arith.constant 0 : index
    %get3A_9 = arith.constant 0 : index
    %get3A_10 = vector.load %arg0[%get3A_7, %get3A_8, %get3A_9] : memref<2x10240x128xf32, #tpu.memory_space<vmem>>, vector<1x10240x32xf32>
    %get3A_11 = vector.shape_cast %get3A_10 : vector<1x10240x32xf32> to vector<10240x32xf32>
    %add3A = arith.addf %get3A_6, %get3A_11 : vector<10240x32xf32>
    %get3A_12 = arith.constant 0 : index
    %get3A_13 = arith.constant 0 : index
    %get3A_14 = vector.load %arg1[%get3A_12, %get3A_13] : memref<10240x128xf32, #tpu.memory_space<vmem>>, vector<10240x32xf32>
    %add3A_15 = arith.addf %add3A, %get3A_14 : vector<10240x32xf32>
    %mul3A = vector.broadcast %get3A_1 : vector<10240x1xf32> to vector<10240x32xf32>
    %mul3A_16 = arith.mulf %mul3A, %add3A_15 : vector<10240x32xf32>
    %get3A_17 = arith.constant 0 : index
    %get3A_18 = arith.constant 0 : index
    %get3A_19 = vector.load %arg3[%get3A_17, %get3A_18] : memref<1x32xf32, #tpu.memory_space<vmem>>, vector<1x32xf32>
    %add3A_20 = vector.broadcast %get3A_19 : vector<1x32xf32> to vector<10240x32xf32>
    %add3A_21 = arith.addf %mul3A_16, %add3A_20 : vector<10240x32xf32>
    %max3A = arith.constant 0.000000e+00 : f32
    %max3A_22 = vector.broadcast %max3A : f32 to vector<10240x32xf32>
    %max3A_23 = arith.maximumf %add3A_21, %max3A_22 : vector<10240x32xf32>
    %get3A_24 = arith.constant 0 : index
    %get3A_25 = arith.constant 0 : index
    %get3A_26 = vector.load %arg4[%get3A_24, %get3A_25] : memref<32x40xf32, #tpu.memory_space<vmem>>, vector<32x40xf32>
    %dot_general3A = arith.constant dense<0.000000e+00> : vector<10240x40xf32>
    %dot_general3A_27 = tpu.matmul %max3A_23, %get3A_26, %dot_general3A {dimension_numbers = #tpu.dot_dimension_numbers<[1], [0], [0], [1], [0, 0, 1, 1], [], []>, transpose_lhs_hint = false} : vector<10240x32xf32>, vector<32x40xf32>, vector<10240x40xf32> -> vector<10240x40xf32>
    %mul3A_28 = vector.broadcast %get3A_1 : vector<10240x1xf32> to vector<10240x40xf32>
    %mul3A_29 = arith.mulf %dot_general3A_27, %mul3A_28 : vector<10240x40xf32>
    %swap3A = arith.constant 0 : index
    %swap3A_30 = arith.constant 0 : index
    %swap3A_31 = vector.load %arg5[%swap3A, %swap3A_30] : memref<10240x128xf32, #tpu.memory_space<vmem>>, vector<10240x40xf32>
    tpu.vector_store %arg5[%swap3A, %swap3A_30], %mul3A_29 {strides = array<i32>} : memref<10240x128xf32, #tpu.memory_space<vmem>>, vector<10240x40xf32>,
    %broadcast_in_dim3A = arith.constant 0.000000e+00 : f32
    %broadcast_in_dim3A_32 = vector.broadcast %broadcast_in_dim3A : f32 to vector<10240x88xf32>
    %swap3A_33 = arith.constant 0 : index
    %swap3A_34 = arith.constant 40 : index
    %swap3A_35 = vector.load %arg5[%swap3A_33, %swap3A_34] : memref<10240x128xf32, #tpu.memory_space<vmem>>, vector<10240x88xf32>
    tpu.vector_store %arg5[%swap3A_33, %swap3A_34], %broadcast_in_dim3A_32 {strides = array<i32>} : memref<10240x128xf32, #tpu.memory_space<vmem>>, vector<10240x88xf32>,
    return
  }
}

module attributes {stable_mosaic.version = 14 : i64} {
  func.func @body(%arg0: memref<2x10240x128xf32, #tpu.memory_space<vmem>>, %arg1: memref<10240x128xf32, #tpu.memory_space<vmem>>, %arg2: memref<10240x1xf32, #tpu.memory_space<vmem>>, %arg3: memref<1x40xf32, #tpu.memory_space<vmem>>, %arg4: memref<10240x40xf32, #tpu.memory_space<vmem>>) attributes {dimension_semantics = [], scalar_prefetch = 0 : i64, scratch_operands = 0 : i64, tpu.core_type = #tpu.core_type<tc>} {
    %get3A = arith.constant 0 : index
    %get3A_0 = arith.constant 0 : index
    %get3A_1 = vector.load %arg2[%get3A, %get3A_0] : memref<10240x1xf32, #tpu.memory_space<vmem>>, vector<10240x1xf32>
    %get3A_2 = arith.constant 0 : index
    %get3A_3 = arith.constant 0 : index
    %get3A_4 = arith.constant 0 : index
    %get3A_5 = vector.load %arg0[%get3A_2, %get3A_3, %get3A_4] : memref<2x10240x128xf32, #tpu.memory_space<vmem>>, vector<1x10240x40xf32>
    %get3A_6 = vector.shape_cast %get3A_5 : vector<1x10240x40xf32> to vector<10240x40xf32>
    %get3A_7 = arith.constant 1 : index
    %get3A_8 = arith.constant 0 : index
    %get3A_9 = arith.constant 0 : index
    %get3A_10 = vector.load %arg0[%get3A_7, %get3A_8, %get3A_9] : memref<2x10240x128xf32, #tpu.memory_space<vmem>>, vector<1x10240x40xf32>
    %get3A_11 = vector.shape_cast %get3A_10 : vector<1x10240x40xf32> to vector<10240x40xf32>
    %add3A = arith.addf %get3A_6, %get3A_11 : vector<10240x40xf32>
    %get3A_12 = arith.constant 0 : index
    %get3A_13 = arith.constant 0 : index
    %get3A_14 = vector.load %arg1[%get3A_12, %get3A_13] : memref<10240x128xf32, #tpu.memory_space<vmem>>, vector<10240x40xf32>
    %add3A_15 = arith.addf %add3A, %get3A_14 : vector<10240x40xf32>
    %mul3A = vector.broadcast %get3A_1 : vector<10240x1xf32> to vector<10240x40xf32>
    %mul3A_16 = arith.mulf %mul3A, %add3A_15 : vector<10240x40xf32>
    %get3A_17 = arith.constant 0 : index
    %get3A_18 = arith.constant 0 : index
    %get3A_19 = vector.load %arg3[%get3A_17, %get3A_18] : memref<1x40xf32, #tpu.memory_space<vmem>>, vector<1x40xf32>
    %add3A_20 = vector.broadcast %get3A_19 : vector<1x40xf32> to vector<10240x40xf32>
    %add3A_21 = arith.addf %mul3A_16, %add3A_20 : vector<10240x40xf32>
    %reduce_max3A = arith.constant dense<0xFF800000> : vector<10240xf32>
    %reduce_max3A_22 = vector.multi_reduction <maximumf>, %add3A_21, %reduce_max3A [1] : vector<10240x40xf32> to vector<10240xf32>
    %broadcast_in_dim3A = vector.shape_cast %reduce_max3A_22 : vector<10240xf32> to vector<10240x1xf32>
    %sub3A = vector.broadcast %broadcast_in_dim3A : vector<10240x1xf32> to vector<10240x40xf32>
    %sub3A_23 = arith.subf %add3A_21, %sub3A : vector<10240x40xf32>
    %exp3A = math.exp %sub3A_23 : vector<10240x40xf32>
    %reduce_sum3A = arith.constant dense<0.000000e+00> : vector<10240xf32>
    %reduce_sum3A_24 = vector.multi_reduction <add>, %exp3A, %reduce_sum3A [1] : vector<10240x40xf32> to vector<10240xf32>
    %broadcast_in_dim3A_25 = vector.shape_cast %reduce_sum3A_24 : vector<10240xf32> to vector<10240x1xf32>
    %log3A = math.log %broadcast_in_dim3A_25 : vector<10240x1xf32>
    %add3A_26 = arith.addf %log3A, %broadcast_in_dim3A : vector<10240x1xf32>
    %sub3A_27 = vector.broadcast %add3A_26 : vector<10240x1xf32> to vector<10240x40xf32>
    %sub3A_28 = arith.subf %add3A_21, %sub3A_27 : vector<10240x40xf32>
    %swap3A = arith.constant 0 : index
    %swap3A_29 = arith.constant 0 : index
    %swap3A_30 = vector.load %arg4[%swap3A, %swap3A_29] : memref<10240x40xf32, #tpu.memory_space<vmem>>, vector<10240x40xf32>
    tpu.vector_store %arg4[%swap3A, %swap3A_29], %sub3A_28 {strides = array<i32>} : memref<10240x40xf32, #tpu.memory_space<vmem>>, vector<10240x40xf32>,
    return
  }
}

</mosaic_0001>

<sc_bundles>
// kernel: kernel.10.cloned.1.call-start
scs
__scs_entry_jumppad:
0x0: {  	(pc) =	sbr.rel $0x88, $3  }
0x1: {  	(tag) =	ssettag $0x0;
	lr =	simm.s32 $0x1  }
0x2: {  	[smem:$0x3F99] =	sst lr;
	_ =	strace $0xD0000000  }
0x3: {  	_ = 	snop  }
0x4: {  	_ = 	snop  }
0x5: {  	_ = 	snop  }
0x6: {  	_ = 	snop  }
0x7: {  	_ = 	snop  }
__scs_overlays_trampoline_lowered:
0x8: {  	[smem:$0x3FA8] =	sst s0  }
0x9: {  	[smem:$0x3FA9] =	sst s1  }
0xa: {  	[smem:$0x3FAA] =	sst s2  }
0xb: {  	[smem:$0x3FAB] =	sst s3  }
0xc: {  	[smem:$0x3FAC] =	sst s4  }
0xd: {  	[smem:$0x3FAD] =	sst s5  }
0xe: {  	[smem:$0x3FAE] =	sst s6  }
0xf: {  	[smem:$0x3FAF] =	sst s7  }
0x10: {  	[smem:$0x3FB0] =	sst s8  }
0x11: {  	[smem:$0x3FB1] =	sst s9;
	s0 =	simm.s32 @!p0 $0x0  }
0x12: {  	s1 =	sld [smem:$0x3F97];
	s0 =	simm.s32 @p0 $0x1  }
0x13: {  	[smem:$0x3FB2] =	sst s0;
	s0 =	simm.s32 @!p1 $0x0  }
0x14: {  	s2 =	sld [smem:$0x3F96];
	s0 =	simm.s32 @p1 $0x1  }
0x15: {  	[smem:$0x3FB3] =	sst s0;
	s0 =	simm.s32 @!p2 $0x0  }
0x16: {  	s3 =	sld [smem:$0x3FDB];
	s0 =	simm.s32 @p2 $0x1  }
0x17: {  	s4 =	simm.s32 $0x1BF5;
	[smem:$0x3FB5] =	sst s0  }
0x18: {  	s0 =	sld [smem:$0x3F98];
	_ =	swait.ge [sflag:s4], $0x0  }
0x19: {  	s7 =	sld [smem:$0x3F99]  }
0x1a: {  	s8 =	sadd.s32 $0xFFFFE003, lr  }
0x1b: {  	s9 =	sadd.s32 $0xFFFFFEF7, lr;
	s5 =	simm.s32 $0xFFFFFFFF;
	p2 =	slt.u32 s8, $0xFFFFF086  }
0x1c: {  	p1 =	slt.u32 s9, $0xF7A;
	s5 =	simm.s32 @!p2 $0x0  }
0x1d: {  	s5 =	simm.s32 @p1 $0x1;
	p0 =	seq.s32 s7, s2  }
0x1e: {  	s7 =	smul.u32 @!p0 $0xF7A, s2;
	p2 =	seq.s32 @!p0 s5, $0x0  }
0x1f: {  	s9 =	smul.u32 $0xF7A, s1;
	s8 =	simm.s32 @!p0 $0x1BF5;
	p2 =	por !p2, p0  }
0x20: {  	[sflag:s8] =	ssyncset.s32 @!p0 $0xFFFFF086;
	s6 =	sadd.s32 @!p0 s3, s7;
	s7 =	simm.s32 @!p0 $0x108  }
0x21: {  	s3 =	sadd.s32 s3, s9;
	s6 =	sadd.s32 @!p0 $0x88, s6;
	s7 =	simm.s32 @p2 $0x1082  }
0x22: {  	[simem:s7], [sflag:s8] =	dma.local @!p0 [hbm:s6], $0xF7A  }
0x23: {  	s9 =	sor.u32 $0xD0000000, s2;
	s6 =	simm.s32 $0x108;
	_ =	swait.ge @!p0 [sflag:s8], $0x0  }
0x24: {  	s3 =	sadd.s32 $0x88, s3;
	s6 =	simm.s32 @!p1 $0x1082;
	[sflag:s4] =	ssyncset.s32 $0xFFFFF086  }
0x25: {  	[simem:s6], [sflag:s4] =	dma.local [hbm:s3], $0xF7A  }
0x26: {  	[smem:$0x3F99] =	sst s1;
	(tag) =	ssettag s2;
	_ =	strace s9  }
0x27: {  	s1 =	sld [smem:$0x3FA9]  }
0x28: {  	s2 =	sld [smem:$0x3FAA]  }
0x29: {  	s4 =	sld [smem:$0x3FAC]  }
0x2a: {  	p0 =	seq.s32 s5, $0x0;
	s5 =	sld [smem:$0x3FAD]  }
0x2b: {  	s6 =	sld [smem:$0x3FAE]  }
0x2c: {  	s7 =	sld [smem:$0x3FAF]  }
0x2d: {  	s3 =	simm.s32 $0x108;
	s8 =	sld [smem:$0x3FB0]  }
0x2e: {  	s3 =	simm.s32 @!p0 $0x1082;
	s9 =	sld [smem:$0x3FB1]  }
0x2f: {  	lr =	sadd.s32 s0, s3;
	s0 =	sld [smem:$0x3FA8]  }
0x30: {  	s3 =	sld [smem:$0x3FAB]  }
0x31: {  	[smem:$0x3FB4] =	sst s10  }
0x32: {  	s10 =	sld [smem:$0x3FB2];
	_ =	sdelay $0x3  }
0x33: {  	p0 =	seq.s32 s10, $0x1;
	s10 =	sld [smem:$0x3FB4];
	_ =	sdelay $0x3  }
0x34: {  	[smem:$0x3FB4] =	sst s10  }
0x35: {  	s10 =	sld [smem:$0x3FB3];
	_ =	sdelay $0x3  }
0x36: {  	p1 =	seq.s32 s10, $0x1;
	s10 =	sld [smem:$0x3FB4];
	_ =	sdelay $0x3  }
0x37: {  	[smem:$0x3FB4] =	sst s10  }
0x38: {  	s10 =	sld [smem:$0x3FB5]  }
0x39: {  	_ = 	snop;
	(pc) =	sbr.ind lr, $3  }
0x3a: {  	_ = 	snop  }
0x3b: {  	_ = 	snop  }
0x3c: {  	p2 =	seq.s32 s10, $0x1;
	s10 =	sld [smem:$0x3FB4]  }
0x3d: {  	_ =	shalt  }
0x3e: {  	_ =	shalt  }
0x3f: {  	_ =	shalt  }
0x40: {  	_ =	shalt  }
0x41: {  	_ =	shalt  }
0x42: {  	_ =	shalt  }
0x43: {  	_ =	shalt  }
0x44: {  	_ =	shalt  }
0x45: {  	_ =	shalt  }
0x46: {  	_ =	shalt  }
0x47: {  	_ =	shalt  }
0x48: {  	_ =	shalt  }
0x49: {  	_ =	shalt  }
0x4a: {  	_ =	shalt  }
0x4b: {  	_ =	shalt  }
0x4c: {  	_ =	shalt  }
0x4d: {  	_ =	shalt  }
0x4e: {  	_ =	shalt  }
0x4f: {  	_ =	shalt  }
0x50: {  	_ =	shalt  }
0x51: {  	_ =	shalt  }
0x52: {  	_ =	shalt  }
0x53: {  	_ =	shalt  }
0x54: {  	_ =	shalt  }
0x55: {  	_ =	shalt  }
0x56: {  	_ =	shalt  }
0x57: {  	_ =	shalt  }
0x58: {  	_ =	shalt  }
0x59: {  	_ =	shalt  }
0x5a: {  	_ =	shalt  }
0x5b: {  	_ =	shalt  }
0x5c: {  	_ =	shalt  }
0x5d: {  	_ =	shalt  }
0x5e: {  	_ =	shalt  }
0x5f: {  	_ =	shalt  }
0x60: {  	_ =	shalt  }
0x61: {  	_ =	shalt  }
0x62: {  	_ =	shalt  }
0x63: {  	_ =	shalt  }
0x64: {  	_ =	shalt  }
0x65: {  	_ =	shalt  }
0x66: {  	_ =	shalt  }
0x67: {  	_ =	shalt  }
0x68: {  	_ =	shalt  }
0x69: {  	_ =	shalt  }
0x6a: {  	_ =	shalt  }
0x6b: {  	_ =	shalt  }
0x6c: {  	_ =	shalt  }
0x6d: {  	_ =	shalt  }
0x6e: {  	_ =	shalt  }
0x6f: {  	_ =	shalt  }
0x70: {  	_ =	shalt  }
0x71: {  	_ =	shalt  }
0x72: {  	_ =	shalt  }
0x73: {  	_ =	shalt  }
0x74: {  	_ =	shalt  }
0x75: {  	_ =	shalt  }
0x76: {  	_ =	shalt  }
0x77: {  	_ =	shalt  }
0x78: {  	_ =	shalt  }
0x79: {  	_ =	shalt  }
0x7a: {  	_ =	shalt  }
0x7b: {  	_ =	shalt  }
0x7c: {  	_ =	shalt  }
0x7d: {  	_ =	shalt  }
0x7e: {  	_ =	shalt  }
0x7f: {  	_ =	shalt  }
0x80: {  	_ =	shalt  }
0x81: {  	_ =	shalt  }
0x82: {  	_ =	shalt  }
0x83: {  	_ =	shalt  }
0x84: {  	_ =	shalt  }
0x85: {  	_ =	shalt  }
0x86: {  	_ =	shalt  }
0x87: {  	_ =	shalt  }
.Lfunc_end0:
.L_simem_size_0:
called_computation_lowered:
.L_overlay_start_0:
0x88: {  	s2 =	sld [smem:$0x3FD9]  }
0x89: {  	s3 =	sld [smem:$0x3FFE];
	_ =	sdelay $0x1  }
0x8a: {  	s1 =	srdreg.scid  }
0x8b: {  	s0 =	sand.u32 $0x1, s1  }
0x8c: {  	s16 =	sshll.u32 s0, $0xA;
	s2 =	sadd.s32 s3, s2  }
0x8d: {  	s2 =	sadd.s32 s2, s16  }
0x8e: {  	[smem:$0x3FC0] =	sst s2  }
0x8f: {  	_ = 	snop  }
0x90: {  	(tm) =	ssettm $0x1  }
0x91: {  	s17 =	sld [smem:$0x3FFB];
	_ =	sdelay $0x3  }
0x92: {  	_ =	strace s17  }
0x93: {  	s2 =	sld [smem:$0x3FFC];
	_ =	sdelay $0x3  }
0x94: {  	_ =	strace s2  }
0x95: {  	s2 =	sld [smem:$0x3FFD];
	_ =	sdelay $0x3  }
0x96: {  	_ =	strace s2  }
0x97: {  	_ =	strace $0x8FFFFFFF  }
0x98: {  	s18 =	sld [smem:$0x3FDB];
	_ =	sdelay $0x1  }
0x99: {  	s19 =	simm.s32 $_scs_section_size  }
0x9a: {  	s4 =	simm.s32 $_size__tile_overlayer_lowered;
	s5 =	simm.s32 $_tile_overlayer_lowered  }
0x9b: {  	s22 =	simm.s32 $0x1BFF;
	s21 =	sshll.u32 s5, $0x1;
	s2 =	sadd.s32 s19, s18  }
0x9c: {  	s6 =	simm.s32 $0x0;
	s20 =	sshll.u32 s4, $0x1;
	s4 =	sadd.s32 s21, s2  }
0x9d: {  	[timem:s6], [sflag:s22] =	dma.local [hbm:s4], s20  }
0x9e: {  	_ =	swait.ge [sflag:s22], s20  }
0x9f: {  	s3 =	ssub.s32 $0x0, s20;
	[sflag:s22] =	ssyncset.done $0x0  }
0xa0: {  	[sflag:s22] =	ssyncadd.s32 s3;
	_ =	sdelay $0x1  }
0xa1: {  	s23 =	simm.s32 $0x1B8B  }
0xa2: {  	_ =	swait.ge [sflag:s23], $0x1  }
0xa3: {  	[sflag:s23] =	ssyncset.done $0x0  }
0xa4: {  	s25 =	simm.s32 $0x1B8E;
	s24 =	sld [smem:$0x3FFE];
	[sflag:s23] =	ssyncadd.s32 $0xFFFFFFFF  }
0xa5: {  	s26 =	simm.s32 $execute0_lowered;
	[smem:$0x3FD2] =	sst s25  }
0xa6: {  	s4 =	sshll.u32 s26, $0x1;
	_ =	strace $0x80000046;
	[dreg:$0x1] =	wrdreg $0xFFFFFFFF  }
0xa7: {  	s28 =	simm.s32 $_size_execute0_lowered;
	s2 =	sadd.s32 s2, s4;
	[dreg:$0x0] =	wrdreg $0x0  }
0xa8: {  	s4 =	sshll.u32 s28, $0x1;
	[dreg:$0x2] =	wrdreg s2  }
0xa9: {  	[dreg:$0x3] =	wrdreg s4  }
0xaa: {  	[dreg:$0x4] =	wrdreg $0xC0  }
0xab: {  	_ =	task [dreg:s6], $0x5FFFF  }
0xac: {  	[dreg:$0x1] =	wrdreg $0xFFFFFFFF  }
0xad: {  	[dreg:$0x0] =	wrdreg $0x60  }
0xae: {  	[dreg:$0x2] =	wrdreg s24  }
0xaf: {  	[dreg:$0x3] =	wrdreg $0x42800  }
0xb0: {  	[dreg:$0x4] =	wrdreg $0x9  }
0xb1: {  	_ =	task.clear_ibuf [dreg:s6], $0x5FFFF;
	_ =	strace $0x90000046  }
0xb2: {  	s29 =	simm.s32 $0x9;
	_ =	strace $0x80000048  }
0xb3: {  	_ =	swait.ge [sflag:s29], $0x1  }
0xb4: {  	[sflag:s29] =	ssyncadd.s32 $0xFFFFFFFF  }
0xb5: {  	_ =	strace $0x90000048  }
0xb6: {  	_ =	sfence  }
0xb7: {  	s30 =	sld [smem:$0x0];
	_ =	sdelay $0x2  }
0xb8: {  	s31 =	sshll.u32 s1, $0xD;
	s1 =	sshrl.u32 s1, $0x2  }
0xb9: {  	s3 =	sand.u32 $0x4000, s31;
	s1 =	sadd.s32 s1, s30  }
0xba: {  	s0 =	sor.u32 s3, s0;
	s1 =	sshll.u32 s1, $0x11  }
0xbb: {  	s0 =	sor.u32 s1, s0  }
0xbc: {  	s0 =	sadd.s32 $0x8F2B, s0  }
0xbd: {  	[sflag:s0] =	ssyncadd.remote.s32 $0x1  }
0xbe: {  	_ =	sfence.sel $0xFFFF  }
0xbf: {  	[dreg:$0x0] =	wrdreg $0xFFFFFFFF;
	(pc) =	sbr.abs _section_cstart, $3  }
0xc0: {  	[dreg:$0x1] =	wrdreg $0xFFFFFFFF  }
0xc1: {  	_ =	task.clear_ibuf [dreg:s6], $0x2FFFF;
	_ =	strace $0x9FFFFFFF  }
0xc2: {  	(tm) =	ssettm $0x7FFFFFFF  }
0xc3: {  	_ =	shalt  }
tec
execute0_lowered:
.L_overlay_start_1:
0x0: {  	(tag) =	ssettag $0x1  }
0x1: {  	v0 =	vlaneseq.u32  }
0x2: {  	v0 =	vmul.u32 $0x8, v0  }
0x3: {  	s1 =	srdreg.scid  }
0x4: {  	s0 =	stileid.u32;
	s5 =	rddreg [dreg:$0x0];
	v1 =	vor.u32 $0x80, v0;
	v2 =	vor.u32 $0x100, v0;
	v3 =	vor.u32 $0x180, v0  }
0x5: {  	s2 =	rddreg [dreg:$0x1];
	s3 =	simm.s32 $0x0;
	s11 =	simm.s32 $0x2800;
	v4 =	vor.u32 $0x200, v0;
	v5 =	vor.u32 $0x280, v0;
	v6 =	vor.u32 $0x300, v0  }
0x6: {  	s14 =	simm.s32 $0x80;
	s15 =	simm.s32 $0x2C00;
	s16 =	simm.s32 $0x4000;
	v7 =	vor.u32 $0x380, v0;
	v8 =	vor.u32 $0x400, v0;
	v9 =	vor.u32 $0x480, v0  }
0x7: {  	s17 =	simm.s32 $0x0;
	s4 =	sand.u32 $0x1, s1;
	s7 =	smul.u32 $0x1400, s0;
	v10 =	vor.u32 $0x500, v0;
	v11 =	vor.u32 $0x580, v0;
	v12 =	vor.u32 $0x600, v0  }
0x8: {  	s28 =	sshll.u32 s0, $0x1;
	[smem:$0x7FF] =	sst s3;
	s9 =	smul.u32 $0x280, s0;
	v13 =	vor.u32 $0x680, v0;
	v14 =	vor.u32 $0x700, v0;
	v15 =	vor.u32 $0x780, v0  }
0x9: {  	s12 =	sshll.u32 s0, $0x6;
	s1 =	sor.u32 s4, s28;
	s8 =	smul.u32 $0x2800, s4;
	v16 =	vor.u32 $0x800, v0;
	v17 =	vor.u32 $0x880, v0;
	v18 =	vor.u32 $0x900, v0  }
0xa: {  	s30 =	ssub.s32 $0x2, s4;
	s4 =	sadd.s32 $0x1A400, s5;
	s12 =	sor.u32 $0x1C01, s12;
	v19 =	vor.u32 $0x980, v0;
	v20 =	vor.u32 $0xA00, v0;
	v21 =	vor.u32 $0xA80, v0  }
0xb: {  	s6 =	smul.u32 $0x500, s1;
	s1 =	rddreg [dreg:$0x2];
	_ =	strace $0x80000047;
	v22 =	vor.u32 $0xB00, v0;
	v23 =	vor.u32 $0xB80, v0;
	v24 =	vor.u32 $0xC00, v0  }
0xc: {  	s10 =	sshrl.u32 s7, $0x3;
	s31 =	sshrl.u32 s30, $0x1;
	v25 =	vor.u32 $0xC80, v0;
	v26 =	vor.u32 $0xD00, v0;
	v27 =	vor.u32 $0xD80, v0;
	s8 =	sadd.s32 s9, s8  }
0xd: {  	v28 =	vor.u32 $0xE00, v0;
	v29 =	vor.u32 $0xE80, v0;
	v30 =	vor.u32 $0xF00, v0;
	s29 =	sadd.s32 s10, s5;
	s10 =	ssub.s32 s30, s31;
	s6 =	sadd.s32 s6, s5  }
0xe: {  	v31 =	vor.u32 $0xF80, v0;
	v32 =	vor.u32 $0x1000, v0;
	v33 =	vor.u32 $0x1080, v0;
	s8 =	sshrl.u32 s8, $0x3;
	s9 =	smax.u32 s10, $0x1;
	s10 =	simm.s32 $0x1  }
0xf: {  	v34 =	vor.u32 $0x1100, v0;
	v35 =	vor.u32 $0x1180, v0;
	v36 =	vor.u32 $0x1200, v0;
	s8 =	sadd.s32 s8, s5;
	s5 =	sadd.s32 $0xDC00, s6;
	s6 =	sadd.s32 s7, s2  }
0x10: {  	v37 =	vor.u32 $0x1280, v0;
	v38 =	vor.u32 $0x1300, v0;
	v39 =	vor.u32 $0x1380, v0;
	s7 =	sadd.s32 $0x17C00, s29;
	s8 =	sadd.s32 $0x1A600, s8;
	s13 =	sshrl.u32 s6, $0x3  }
.LBB2_1:
0x11: {  	[tilespmem:s3], [sflag:$0x1] =	stream.linear.gather [hbm4b:s5+s3], $0x2800, $0x38;
	[tilespmem:$0x5680] =	vst v63  }
0x12: {  	_ =	swait.ge [sflag:s10], $0x2800  }
0x13: {  	[sflag:s10] =	ssyncset.done $0x0  }
0x14: {  	[sflag:s10] =	ssyncadd.s32 $0xFFFFD800  }
0x15: {  	[tilespmem:s11], [sflag:$0x1] =	stream.linear.gather [hbm4b:s4+s3], $0x400, $0x38;
	[tilespmem:$0x5680] =	vst v63  }
0x16: {  	_ =	swait.ge [sflag:s10], $0x400  }
0x17: {  	[sflag:s10] =	ssyncset.done $0x0  }
0x18: {  	[sflag:s10] =	ssyncadd.s32 $0xFFFFFC00  }
0x19: {  	[spmem:s13], [sflag:s12] =	dma.local [hbm:s7], $0x280  }
0x1a: {  	_ =	swait.ge [sflag:s10], $0x280  }
0x1b: {  	[sflag:s10] =	ssyncset.done $0x0  }
0x1c: {  	[sflag:s10] =	ssyncadd.s32 $0xFFFFFD80  }
0x1d: {  	s18 =	simm.s32 $0x0;
	[bflag:$0x0] =	sbarrier.arrive $0xFFFF  }
0x1e: {  	[spmem:s2] =	stream.indirect.scatter.add.f32 [tilespmem:s11], [sflag:$0x1], $0x8, s18, s14, $0xb8;
	[tilespmem:$0x5680] =	vst v63  }
0x1f: {  	_ =	swait.ge [sflag:s10], $0x400  }
0x20: {  	s18 =	simm.s32 $0x200;
	[sflag:s10] =	ssyncset.done $0x0  }
.LBB2_2:
0x21: {  	s19 =	sshra.s32 s18, $0x2;
	[sflag:s10] =	ssyncadd.s32 $0xFFFFFC00;
	p0 =	sne.s32 s18, $0x9E00  }
0x22: {  	[spmem:s2] =	stream.indirect.scatter.add.f32 [tilespmem:s11], [sflag:$0x1], $0x8, s19, s14, $0xb8;
	[tilespmem:$0x5680] =	vst v63  }
.Ltmp0:
0x23: {  	_ = 	snop;
	(pc) =	sbr.rel @p0 .LBB2_2-.Ltmp0, $4  }
0x24: {  	_ = 	snop  }
0x25: {  	s18 =	sadd.s32 $0x200, s18  }
0x26: {  	_ =	swait.ge [sflag:s10], $0x400  }
0x27: {  	[sflag:s10] =	ssyncset.done $0x0  }
0x28: {  	[sflag:s10] =	ssyncadd.s32 $0xFFFFFC00  }
0x29: {  	[bflag:$0x0] =	sbarrier.arrive $0xFFFF  }
0x2a: {  	[tilespmem:s15], [sflag:$0x1] =	stream.linear.gather [spmem:s6], $0x1400, $0x38;
	[tilespmem:$0x5680] =	vst v63  }
0x2b: {  	_ =	swait.ge [sflag:s10], $0x1400  }
0x2c: {  	[sflag:s10] =	ssyncset.done $0x0  }
0x2d: {  	[sflag:s10] =	ssyncadd.s32 $0xFFFFEC00  }
0x2e: {  	v40 =	vld.idx.msk [tilespmem:v0+s15+$0x0], $0xffff;
	_ =	sdelay $0x4  }
0x2f: {  	[tilespmem:$0x4000] =	vst v40  }
0x30: {  	v40 =	vld.idx.msk [tilespmem:v1+s15+$0x0], $0xffff;
	_ =	sdelay $0x4  }
0x31: {  	[tilespmem:$0x4010] =	vst v40  }
0x32: {  	v40 =	vld.idx.msk [tilespmem:v2+s15+$0x0], $0xffff;
	_ =	sdelay $0x4  }
0x33: {  	[tilespmem:$0x4020] =	vst v40  }
0x34: {  	v40 =	vld.idx.msk [tilespmem:v3+s15+$0x0], $0xffff;
	_ =	sdelay $0x4  }
0x35: {  	[tilespmem:$0x4030] =	vst v40  }
0x36: {  	v40 =	vld.idx.msk [tilespmem:v4+s15+$0x0], $0xffff;
	_ =	sdelay $0x4  }
0x37: {  	[tilespmem:$0x4040] =	vst v40  }
0x38: {  	v40 =	vld.idx.msk [tilespmem:v5+s15+$0x0], $0xffff;
	_ =	sdelay $0x4  }
0x39: {  	[tilespmem:$0x4050] =	vst v40  }
0x3a: {  	v40 =	vld.idx.msk [tilespmem:v6+s15+$0x0], $0xffff;
	_ =	sdelay $0x4  }
0x3b: {  	[tilespmem:$0x4060] =	vst v40  }
0x3c: {  	v40 =	vld.idx.msk [tilespmem:v7+s15+$0x0], $0xffff;
	_ =	sdelay $0x4  }
0x3d: {  	[tilespmem:$0x4070] =	vst v40  }
0x3e: {  	v40 =	vld.idx.msk [tilespmem:v8+s15+$0x0], $0xffff;
	_ =	sdelay $0x4  }
0x3f: {  	[tilespmem:$0x4080] =	vst v40  }
0x40: {  	v40 =	vld.idx.msk [tilespmem:v9+s15+$0x0], $0xffff;
	_ =	sdelay $0x4  }
0x41: {  	[tilespmem:$0x4090] =	vst v40  }
0x42: {  	v40 =	vld.idx.msk [tilespmem:v10+s15+$0x0], $0xffff;
	_ =	sdelay $0x4  }
0x43: {  	[tilespmem:$0x40A0] =	vst v40  }
0x44: {  	v40 =	vld.idx.msk [tilespmem:v11+s15+$0x0], $0xffff;
	_ =	sdelay $0x4  }
0x45: {  	[tilespmem:$0x40B0] =	vst v40  }
0x46: {  	v40 =	vld.idx.msk [tilespmem:v12+s15+$0x0], $0xffff;
	_ =	sdelay $0x4  }
0x47: {  	[tilespmem:$0x40C0] =	vst v40  }
0x48: {  	v40 =	vld.idx.msk [tilespmem:v13+s15+$0x0], $0xffff;
	_ =	sdelay $0x4  }
0x49: {  	[tilespmem:$0x40D0] =	vst v40  }
0x4a: {  	v40 =	vld.idx.msk [tilespmem:v14+s15+$0x0], $0xffff;
	_ =	sdelay $0x4  }
0x4b: {  	[tilespmem:$0x40E0] =	vst v40  }
0x4c: {  	v40 =	vld.idx.msk [tilespmem:v15+s15+$0x0], $0xffff;
	_ =	sdelay $0x4  }
0x4d: {  	[tilespmem:$0x40F0] =	vst v40  }
0x4e: {  	v40 =	vld.idx.msk [tilespmem:v16+s15+$0x0], $0xffff;
	_ =	sdelay $0x4  }
0x4f: {  	[tilespmem:$0x4100] =	vst v40  }
0x50: {  	v40 =	vld.idx.msk [tilespmem:v17+s15+$0x0], $0xffff;
	_ =	sdelay $0x4  }
0x51: {  	[tilespmem:$0x4110] =	vst v40  }
0x52: {  	v40 =	vld.idx.msk [tilespmem:v18+s15+$0x0], $0xffff;
	_ =	sdelay $0x4  }
0x53: {  	[tilespmem:$0x4120] =	vst v40  }
0x54: {  	v40 =	vld.idx.msk [tilespmem:v19+s15+$0x0], $0xffff;
	_ =	sdelay $0x4  }
0x55: {  	[tilespmem:$0x4130] =	vst v40  }
0x56: {  	v40 =	vld.idx.msk [tilespmem:v20+s15+$0x0], $0xffff;
	_ =	sdelay $0x4  }
0x57: {  	[tilespmem:$0x4140] =	vst v40  }
0x58: {  	v40 =	vld.idx.msk [tilespmem:v21+s15+$0x0], $0xffff;
	_ =	sdelay $0x4  }
0x59: {  	[tilespmem:$0x4150] =	vst v40  }
0x5a: {  	v40 =	vld.idx.msk [tilespmem:v22+s15+$0x0], $0xffff;
	_ =	sdelay $0x4  }
0x5b: {  	[tilespmem:$0x4160] =	vst v40  }
0x5c: {  	v40 =	vld.idx.msk [tilespmem:v23+s15+$0x0], $0xffff;
	_ =	sdelay $0x4  }
0x5d: {  	[tilespmem:$0x4170] =	vst v40  }
0x5e: {  	v40 =	vld.idx.msk [tilespmem:v24+s15+$0x0], $0xffff;
	_ =	sdelay $0x4  }
0x5f: {  	[tilespmem:$0x4180] =	vst v40  }
0x60: {  	v40 =	vld.idx.msk [tilespmem:v25+s15+$0x0], $0xffff;
	_ =	sdelay $0x4  }
0x61: {  	[tilespmem:$0x4190] =	vst v40  }
0x62: {  	v40 =	vld.idx.msk [tilespmem:v26+s15+$0x0], $0xffff;
	_ =	sdelay $0x4  }
0x63: {  	[tilespmem:$0x41A0] =	vst v40  }
0x64: {  	v40 =	vld.idx.msk [tilespmem:v27+s15+$0x0], $0xffff;
	_ =	sdelay $0x4  }
0x65: {  	[tilespmem:$0x41B0] =	vst v40  }
0x66: {  	v40 =	vld.idx.msk [tilespmem:v28+s15+$0x0], $0xffff;
	_ =	sdelay $0x4  }
0x67: {  	[tilespmem:$0x41C0] =	vst v40  }
0x68: {  	v40 =	vld.idx.msk [tilespmem:v29+s15+$0x0], $0xffff;
	_ =	sdelay $0x4  }
0x69: {  	[tilespmem:$0x41D0] =	vst v40  }
0x6a: {  	v40 =	vld.idx.msk [tilespmem:v30+s15+$0x0], $0xffff;
	_ =	sdelay $0x4  }
0x6b: {  	[tilespmem:$0x41E0] =	vst v40  }
0x6c: {  	v40 =	vld.idx.msk [tilespmem:v31+s15+$0x0], $0xffff;
	_ =	sdelay $0x4  }
0x6d: {  	[tilespmem:$0x41F0] =	vst v40  }
0x6e: {  	v40 =	vld.idx.msk [tilespmem:v32+s15+$0x0], $0xffff;
	_ =	sdelay $0x4  }
0x6f: {  	[tilespmem:$0x4200] =	vst v40  }
0x70: {  	v40 =	vld.idx.msk [tilespmem:v33+s15+$0x0], $0xffff;
	_ =	sdelay $0x4  }
0x71: {  	[tilespmem:$0x4210] =	vst v40  }
0x72: {  	v40 =	vld.idx.msk [tilespmem:v34+s15+$0x0], $0xffff;
	_ =	sdelay $0x4  }
0x73: {  	[tilespmem:$0x4220] =	vst v40  }
0x74: {  	v40 =	vld.idx.msk [tilespmem:v35+s15+$0x0], $0xffff;
	_ =	sdelay $0x4  }
0x75: {  	[tilespmem:$0x4230] =	vst v40  }
0x76: {  	v40 =	vld.idx.msk [tilespmem:v36+s15+$0x0], $0xffff;
	_ =	sdelay $0x4  }
0x77: {  	[tilespmem:$0x4240] =	vst v40  }
0x78: {  	v40 =	vld.idx.msk [tilespmem:v37+s15+$0x0], $0xffff;
	_ =	sdelay $0x4  }
0x79: {  	[tilespmem:$0x4250] =	vst v40  }
0x7a: {  	v40 =	vld.idx.msk [tilespmem:v38+s15+$0x0], $0xffff;
	_ =	sdelay $0x4  }
0x7b: {  	[tilespmem:$0x4260] =	vst v40  }
0x7c: {  	v40 =	vld.idx.msk [tilespmem:v39+s15+$0x0], $0xffff;
	_ =	sdelay $0x2  }
0x7d: {  	s17 =	sadd.s32 $0x1, s17  }
0x7e: {  	p0 =	sne.s32 s17, s9  }
.Ltmp1:
0x7f: {  	[tilespmem:$0x4270] =	vst v40;
	(pc) =	sbr.rel @p0 .LBB2_1-.Ltmp1, $4  }
0x80: {  	[hbm4b:s8+s3] =	stream.linear.scatter [tilespmem:s16], [sflag:$0x1], $0x280, $0x38;
	[tilespmem:$0x5680] =	vst v63  }
0x81: {  	_ =	swait.ge [sflag:s10], $0x280  }
0x82: {  	[sflag:s10] =	ssyncset.done $0x0  }
0x83: {  	[sflag:s10] =	ssyncadd.s32 $0xFFFFFD80  }
0x84: {  	_ =	sfence.sel $0x180000  }
0x85: {  	[bflag:$0x0] =	sbarrier.arrive $0xFFFF  }
0x86: {  	p0 =	sne.s32 s0, $0x0;
	_ =	strace $0x90000047  }
0x87: {  	s0 =	sadd.s32 @!p0 $0x100000, s1;
	[bflag:$0x2] =	sbarrier.arrive $0xFFFF  }
0x88: {  	[sflag:s0] =	ssyncadd.tile.s32 @!p0 $0x1;
	_ =	shalt  }
.Lfunc_end2:
_tile_overlayer_lowered:
.L_overlay_start_2:
0x89: {  	(tag) =	ssettag $0x2  }
0x8a: {  	s0 =	rddreg [dreg:$0x0];
	s2 =	stileid.u32  }
0x8b: {  	s1 =	rddreg [dreg:$0x1];
	p0 =	sne.s32 s2, $0x0  }
0x8c: {  	s3 =	rddreg [dreg:$0x2];
	[bflag:$0x3] =	sbarrier.arrive $0xFFFF;
	s2 =	simm.s32 @!p0 $0x1C01  }
0x8d: {  	[timem:s3], [sflag:s2] =	dma.local @!p0 [hbm:s0], s1  }
0x8e: {  	s0 =	simm.s32 @!p0 $0x1  }
0x8f: {  	_ =	swait.ge @!p0 [sflag:s0], s1  }
0x90: {  	s1 =	ssub.s32 @!p0 $0x0, s1;
	[sflag:s0] =	ssyncset.done @!p0 $0x0  }
0x91: {  	[sflag:s0] =	ssyncadd.s32 @!p0 s1  }
0x92: {  	[bflag:$0x3] =	sbarrier.arrive $0xFFFF  }
0x93: {  	_ =	shalt  }

// kernel: kernel.13.cloned.1.call-start
scs
__scs_entry_jumppad:
0x0: {  	(pc) =	sbr.rel $0x88, $3  }
0x1: {  	(tag) =	ssettag $0x0;
	lr =	simm.s32 $0x1  }
0x2: {  	[smem:$0x3F99] =	sst lr;
	_ =	strace $0xD0000000  }
0x3: {  	_ = 	snop  }
0x4: {  	_ = 	snop  }
0x5: {  	_ = 	snop  }
0x6: {  	_ = 	snop  }
0x7: {  	_ = 	snop  }
__scs_overlays_trampoline_lowered:
0x8: {  	[smem:$0x3FA8] =	sst s0  }
0x9: {  	[smem:$0x3FA9] =	sst s1  }
0xa: {  	[smem:$0x3FAA] =	sst s2  }
0xb: {  	[smem:$0x3FAB] =	sst s3  }
0xc: {  	[smem:$0x3FAC] =	sst s4  }
0xd: {  	[smem:$0x3FAD] =	sst s5  }
0xe: {  	[smem:$0x3FAE] =	sst s6  }
0xf: {  	[smem:$0x3FAF] =	sst s7  }
0x10: {  	[smem:$0x3FB0] =	sst s8  }
0x11: {  	[smem:$0x3FB1] =	sst s9;
	s0 =	simm.s32 @!p0 $0x0  }
0x12: {  	s1 =	sld [smem:$0x3F97];
	s0 =	simm.s32 @p0 $0x1  }
0x13: {  	[smem:$0x3FB2] =	sst s0;
	s0 =	simm.s32 @!p1 $0x0  }
0x14: {  	s2 =	sld [smem:$0x3F96];
	s0 =	simm.s32 @p1 $0x1  }
0x15: {  	[smem:$0x3FB3] =	sst s0;
	s0 =	simm.s32 @!p2 $0x0  }
0x16: {  	s3 =	sld [smem:$0x3FDB];
	s0 =	simm.s32 @p2 $0x1  }
0x17: {  	s4 =	simm.s32 $0x1BF5;
	[smem:$0x3FB5] =	sst s0  }
0x18: {  	s0 =	sld [smem:$0x3F98];
	_ =	swait.ge [sflag:s4], $0x0  }
0x19: {  	s7 =	sld [smem:$0x3F99]  }
0x1a: {  	s8 =	sadd.s32 $0xFFFFE003, lr  }
0x1b: {  	s9 =	sadd.s32 $0xFFFFFEF7, lr;
	s5 =	simm.s32 $0xFFFFFFFF;
	p2 =	slt.u32 s8, $0xFFFFF086  }
0x1c: {  	p1 =	slt.u32 s9, $0xF7A;
	s5 =	simm.s32 @!p2 $0x0  }
0x1d: {  	s5 =	simm.s32 @p1 $0x1;
	p0 =	seq.s32 s7, s2  }
0x1e: {  	s7 =	smul.u32 @!p0 $0xF7A, s2;
	p2 =	seq.s32 @!p0 s5, $0x0  }
0x1f: {  	s9 =	smul.u32 $0xF7A, s1;
	s8 =	simm.s32 @!p0 $0x1BF5;
	p2 =	por !p2, p0  }
0x20: {  	[sflag:s8] =	ssyncset.s32 @!p0 $0xFFFFF086;
	s6 =	sadd.s32 @!p0 s3, s7;
	s7 =	simm.s32 @!p0 $0x108  }
0x21: {  	s3 =	sadd.s32 s3, s9;
	s6 =	sadd.s32 @!p0 $0x88, s6;
	s7 =	simm.s32 @p2 $0x1082  }
0x22: {  	[simem:s7], [sflag:s8] =	dma.local @!p0 [hbm:s6], $0xF7A  }
0x23: {  	s9 =	sor.u32 $0xD0000000, s2;
	s6 =	simm.s32 $0x108;
	_ =	swait.ge @!p0 [sflag:s8], $0x0  }
0x24: {  	s3 =	sadd.s32 $0x88, s3;
	s6 =	simm.s32 @!p1 $0x1082;
	[sflag:s4] =	ssyncset.s32 $0xFFFFF086  }
0x25: {  	[simem:s6], [sflag:s4] =	dma.local [hbm:s3], $0xF7A  }
0x26: {  	[smem:$0x3F99] =	sst s1;
	(tag) =	ssettag s2;
	_ =	strace s9  }
0x27: {  	s1 =	sld [smem:$0x3FA9]  }
0x28: {  	s2 =	sld [smem:$0x3FAA]  }
0x29: {  	s4 =	sld [smem:$0x3FAC]  }
0x2a: {  	p0 =	seq.s32 s5, $0x0;
	s5 =	sld [smem:$0x3FAD]  }
0x2b: {  	s6 =	sld [smem:$0x3FAE]  }
0x2c: {  	s7 =	sld [smem:$0x3FAF]  }
0x2d: {  	s3 =	simm.s32 $0x108;
	s8 =	sld [smem:$0x3FB0]  }
0x2e: {  	s3 =	simm.s32 @!p0 $0x1082;
	s9 =	sld [smem:$0x3FB1]  }
0x2f: {  	lr =	sadd.s32 s0, s3;
	s0 =	sld [smem:$0x3FA8]  }
0x30: {  	s3 =	sld [smem:$0x3FAB]  }
0x31: {  	[smem:$0x3FB4] =	sst s10  }
0x32: {  	s10 =	sld [smem:$0x3FB2];
	_ =	sdelay $0x3  }
0x33: {  	p0 =	seq.s32 s10, $0x1;
	s10 =	sld [smem:$0x3FB4];
	_ =	sdelay $0x3  }
0x34: {  	[smem:$0x3FB4] =	sst s10  }
0x35: {  	s10 =	sld [smem:$0x3FB3];
	_ =	sdelay $0x3  }
0x36: {  	p1 =	seq.s32 s10, $0x1;
	s10 =	sld [smem:$0x3FB4];
	_ =	sdelay $0x3  }
0x37: {  	[smem:$0x3FB4] =	sst s10  }
0x38: {  	s10 =	sld [smem:$0x3FB5]  }
0x39: {  	_ = 	snop;
	(pc) =	sbr.ind lr, $3  }
0x3a: {  	_ = 	snop  }
0x3b: {  	_ = 	snop  }
0x3c: {  	p2 =	seq.s32 s10, $0x1;
	s10 =	sld [smem:$0x3FB4]  }
0x3d: {  	_ =	shalt  }
0x3e: {  	_ =	shalt  }
0x3f: {  	_ =	shalt  }
0x40: {  	_ =	shalt  }
0x41: {  	_ =	shalt  }
0x42: {  	_ =	shalt  }
0x43: {  	_ =	shalt  }
0x44: {  	_ =	shalt  }
0x45: {  	_ =	shalt  }
0x46: {  	_ =	shalt  }
0x47: {  	_ =	shalt  }
0x48: {  	_ =	shalt  }
0x49: {  	_ =	shalt  }
0x4a: {  	_ =	shalt  }
0x4b: {  	_ =	shalt  }
0x4c: {  	_ =	shalt  }
0x4d: {  	_ =	shalt  }
0x4e: {  	_ =	shalt  }
0x4f: {  	_ =	shalt  }
0x50: {  	_ =	shalt  }
0x51: {  	_ =	shalt  }
0x52: {  	_ =	shalt  }
0x53: {  	_ =	shalt  }
0x54: {  	_ =	shalt  }
0x55: {  	_ =	shalt  }
0x56: {  	_ =	shalt  }
0x57: {  	_ =	shalt  }
0x58: {  	_ =	shalt  }
0x59: {  	_ =	shalt  }
0x5a: {  	_ =	shalt  }
0x5b: {  	_ =	shalt  }
0x5c: {  	_ =	shalt  }
0x5d: {  	_ =	shalt  }
0x5e: {  	_ =	shalt  }
0x5f: {  	_ =	shalt  }
0x60: {  	_ =	shalt  }
0x61: {  	_ =	shalt  }
0x62: {  	_ =	shalt  }
0x63: {  	_ =	shalt  }
0x64: {  	_ =	shalt  }
0x65: {  	_ =	shalt  }
0x66: {  	_ =	shalt  }
0x67: {  	_ =	shalt  }
0x68: {  	_ =	shalt  }
0x69: {  	_ =	shalt  }
0x6a: {  	_ =	shalt  }
0x6b: {  	_ =	shalt  }
0x6c: {  	_ =	shalt  }
0x6d: {  	_ =	shalt  }
0x6e: {  	_ =	shalt  }
0x6f: {  	_ =	shalt  }
0x70: {  	_ =	shalt  }
0x71: {  	_ =	shalt  }
0x72: {  	_ =	shalt  }
0x73: {  	_ =	shalt  }
0x74: {  	_ =	shalt  }
0x75: {  	_ =	shalt  }
0x76: {  	_ =	shalt  }
0x77: {  	_ =	shalt  }
0x78: {  	_ =	shalt  }
0x79: {  	_ =	shalt  }
0x7a: {  	_ =	shalt  }
0x7b: {  	_ =	shalt  }
0x7c: {  	_ =	shalt  }
0x7d: {  	_ =	shalt  }
0x7e: {  	_ =	shalt  }
0x7f: {  	_ =	shalt  }
0x80: {  	_ =	shalt  }
0x81: {  	_ =	shalt  }
0x82: {  	_ =	shalt  }
0x83: {  	_ =	shalt  }
0x84: {  	_ =	shalt  }
0x85: {  	_ =	shalt  }
0x86: {  	_ =	shalt  }
0x87: {  	_ =	shalt  }
.Lfunc_end0:
.L_simem_size_0:
called_computation.1_lowered:
.L_overlay_start_0:
0x88: {  	s2 =	sld [smem:$0x3FD9]  }
0x89: {  	s3 =	sld [smem:$0x3FFE];
	_ =	sdelay $0x1  }
0x8a: {  	s1 =	srdreg.scid  }
0x8b: {  	s0 =	sand.u32 $0x1, s1  }
0x8c: {  	s16 =	sshll.u32 s0, $0xA;
	s2 =	sadd.s32 s3, s2  }
0x8d: {  	s2 =	sadd.s32 s2, s16  }
0x8e: {  	[smem:$0x3FC0] =	sst s2  }
0x8f: {  	_ = 	snop  }
0x90: {  	(tm) =	ssettm $0x1  }
0x91: {  	s17 =	sld [smem:$0x3FFB];
	_ =	sdelay $0x3  }
0x92: {  	_ =	strace s17  }
0x93: {  	s2 =	sld [smem:$0x3FFC];
	_ =	sdelay $0x3  }
0x94: {  	_ =	strace s2  }
0x95: {  	s2 =	sld [smem:$0x3FFD];
	_ =	sdelay $0x3  }
0x96: {  	_ =	strace s2  }
0x97: {  	_ =	strace $0x8FFFFFFF  }
0x98: {  	s18 =	sld [smem:$0x3FDB];
	_ =	sdelay $0x1  }
0x99: {  	s19 =	simm.s32 $_scs_section_size  }
0x9a: {  	s4 =	simm.s32 $_size__tile_overlayer_lowered;
	s5 =	simm.s32 $_tile_overlayer_lowered  }
0x9b: {  	s22 =	simm.s32 $0x1BFF;
	s21 =	sshll.u32 s5, $0x1;
	s2 =	sadd.s32 s19, s18  }
0x9c: {  	s6 =	simm.s32 $0x0;
	s20 =	sshll.u32 s4, $0x1;
	s4 =	sadd.s32 s21, s2  }
0x9d: {  	[timem:s6], [sflag:s22] =	dma.local [hbm:s4], s20  }
0x9e: {  	_ =	swait.ge [sflag:s22], s20  }
0x9f: {  	s3 =	ssub.s32 $0x0, s20;
	[sflag:s22] =	ssyncset.done $0x0  }
0xa0: {  	[sflag:s22] =	ssyncadd.s32 s3;
	_ =	sdelay $0x1  }
0xa1: {  	s23 =	simm.s32 $0x1B8B  }
0xa2: {  	_ =	swait.ge [sflag:s23], $0x1  }
0xa3: {  	[sflag:s23] =	ssyncset.done $0x0  }
0xa4: {  	s25 =	simm.s32 $0x1B8E;
	s24 =	sld [smem:$0x3FFE];
	[sflag:s23] =	ssyncadd.s32 $0xFFFFFFFF  }
0xa5: {  	s26 =	simm.s32 $execute0_lowered;
	[smem:$0x3FD2] =	sst s25  }
0xa6: {  	s4 =	sshll.u32 s26, $0x1;
	_ =	strace $0x80000049;
	[dreg:$0x1] =	wrdreg $0xFFFFFFFF  }
0xa7: {  	s28 =	simm.s32 $_size_execute0_lowered;
	s2 =	sadd.s32 s2, s4;
	[dreg:$0x0] =	wrdreg $0x0  }
0xa8: {  	s4 =	sshll.u32 s28, $0x1;
	[dreg:$0x2] =	wrdreg s2  }
0xa9: {  	[dreg:$0x3] =	wrdreg s4  }
0xaa: {  	[dreg:$0x4] =	wrdreg $0xC0  }
0xab: {  	_ =	task [dreg:s6], $0x5FFFF  }
0xac: {  	[dreg:$0x1] =	wrdreg $0xFFFFFFFF  }
0xad: {  	[dreg:$0x0] =	wrdreg $0x60  }
0xae: {  	[dreg:$0x2] =	wrdreg s24  }
0xaf: {  	[dreg:$0x3] =	wrdreg $0xD0000  }
0xb0: {  	[dreg:$0x4] =	wrdreg $0x9  }
0xb1: {  	_ =	task.clear_ibuf [dreg:s6], $0x5FFFF;
	_ =	strace $0x90000049  }
0xb2: {  	s29 =	simm.s32 $0x9;
	_ =	strace $0x8000004B  }
0xb3: {  	_ =	swait.ge [sflag:s29], $0x1  }
0xb4: {  	[sflag:s29] =	ssyncadd.s32 $0xFFFFFFFF  }
0xb5: {  	_ =	strace $0x9000004B  }
0xb6: {  	_ =	sfence  }
0xb7: {  	s30 =	sld [smem:$0x0];
	_ =	sdelay $0x2  }
0xb8: {  	s31 =	sshll.u32 s1, $0xD;
	s1 =	sshrl.u32 s1, $0x2  }
0xb9: {  	s3 =	sand.u32 $0x4000, s31;
	s1 =	sadd.s32 s1, s30  }
0xba: {  	s0 =	sor.u32 s3, s0;
	s1 =	sshll.u32 s1, $0x11  }
0xbb: {  	s0 =	sor.u32 s1, s0  }
0xbc: {  	s0 =	sadd.s32 $0x8F2B, s0  }
0xbd: {  	[sflag:s0] =	ssyncadd.remote.s32 $0x1  }
0xbe: {  	_ =	sfence.sel $0xFFFF  }
0xbf: {  	[dreg:$0x0] =	wrdreg $0xFFFFFFFF;
	(pc) =	sbr.abs _section_cstart, $3  }
0xc0: {  	[dreg:$0x1] =	wrdreg $0xFFFFFFFF  }
0xc1: {  	_ =	task.clear_ibuf [dreg:s6], $0x2FFFF;
	_ =	strace $0x9FFFFFFF  }
0xc2: {  	(tm) =	ssettm $0x7FFFFFFF  }
0xc3: {  	_ =	shalt  }
tec
execute0_lowered:
.L_overlay_start_1:
0x0: {  	(tag) =	ssettag $0x1  }
0x1: {  	s0 =	srdreg.scid  }
0x2: {  	s12 =	stileid.u32;
	s5 =	rddreg [dreg:$0x0]  }
0x3: {  	s2 =	rddreg [dreg:$0x1];
	s3 =	simm.s32 $0x0;
	s11 =	simm.s32 $0x2800  }
0x4: {  	s14 =	simm.s32 $0x80;
	s15 =	simm.s32 $0x5000;
	s16 =	simm.s32 $0x7000  }
0x5: {  	s17 =	simm.s32 $0x1;
	s19 =	simm.s32 $0x9000;
	s20 =	simm.s32 $0x2  }
0x6: {  	s23 =	simm.s32 $0xB000;
	s24 =	simm.s32 $0x3;
	s29 =	simm.s32 $0x4  }
0x7: {  	s31 =	simm.s32 $0x6;
	s18 =	simm.s32 $0x8;
	s21 =	simm.s32 $0x10  }
0x8: {  	s22 =	simm.s32 $0x0;
	s0 =	sand.u32 $0x1, s0;
	s1 =	sshll.u32 s12, $0x1  }
0x9: {  	[smem:$0x7FF] =	sst s3;
	s7 =	smul.u32 $0x14000, s12;
	s4 =	sadd.s32 $0x1B000, s5  }
0xa: {  	s8 =	smul.u32 $0xA000, s12;
	s30 =	sshll.u32 s12, $0x6;
	s1 =	sor.u32 s0, s1  }
0xb: {  	s6 =	smul.u32 $0x140000, s0;
	_ =	strace $0x8000004A;
	s0 =	ssub.s32 $0x2, s0  }
0xc: {  	s12 =	sor.u32 $0x1C09, s30;
	s1 =	smul.u32 $0x500, s1;
	s26 =	sshrl.u32 s8, $0x3  }
0xd: {  	s9 =	sshrl.u32 s0, $0x1;
	s28 =	sadd.s32 s8, s2;
	s6 =	sadd.s32 s7, s6  }
.Ltmp0:
0xe: {  	s7 =	sadd.s32 s26, s5;
	s0 =	ssub.s32 s0, s9;
	(pc) =	sbr.rel .LBB2_1-.Ltmp0, $4  }
0xf: {  	s13 =	sshrl.u32 s28, $0x3;
	s26 =	simm.s32 $0x5;
	s1 =	sadd.s32 s1, s5  }
0x10: {  	s6 =	sshrl.u32 s6, $0x3;
	s7 =	sadd.s32 $0x43000, s7;
	s9 =	smax.u32 s0, $0x1  }
0x11: {  	s0 =	simm.s32 $0x7;
	s10 =	sadd.s32 s6, s5;
	s5 =	sadd.s32 $0x3C00, s1  }
0x12: {  	s6 =	sadd.s32 $0xDC00, s1;
	s8 =	sadd.s32 $0x57000, s10;
	s10 =	simm.s32 $0x9  }
.LBB2_4:
0x13: {  	_ =	swait.ge [sflag:s29], $0x2000  }
0x14: {  	[sflag:s29] =	ssyncset.done $0x0  }
0x15: {  	[sflag:s29] =	ssyncadd.s32 $0xFFFFE000  }
0x16: {  	[spmem:s2] =	stream.indirect.scatter.add.f32 [tilespmem:s23], [sflag:$0x8], $0x40, s30, s14, $0xb8;
	[tilespmem:$0x17000] =	vst v63  }
0x17: {  	_ =	swait.ge [sflag:s26], $0x2000  }
0x18: {  	[sflag:s26] =	ssyncset.done $0x0  }
0x19: {  	[sflag:s26] =	ssyncadd.s32 $0xFFFFE000  }
0x1a: {  	_ =	swait.ge [sflag:s31], $0x2000  }
0x1b: {  	[sflag:s31] =	ssyncset.done $0x0  }
0x1c: {  	[sflag:s31] =	ssyncadd.s32 $0xFFFFE000  }
0x1d: {  	_ =	swait.ge [sflag:s0], $0x2000  }
0x1e: {  	[sflag:s0] =	ssyncset.done $0x0  }
0x1f: {  	[sflag:s0] =	ssyncadd.s32 $0xFFFFE000  }
0x20: {  	_ =	swait.ge [sflag:s18], $0x2000  }
0x21: {  	s22 =	sadd.s32 $0x1, s22;
	[sflag:s18] =	ssyncset.done $0x0  }
0x22: {  	p0 =	sne.s32 s22, s9;
	[sflag:s18] =	ssyncadd.s32 $0xFFFFE000  }
.Ltmp1:
0x23: {  	[bflag:$0x0] =	sbarrier.arrive $0xFFFF;
	(pc) =	sbr.rel @!p0 .LBB2_5-.Ltmp1, $4  }
0x24: {  	[hbm:s8@s21], [sflag:s12] =	dma.strided [spmem:s13@s18], $0x1400, s17, $0x8   }
0x25: {  	_ =	swait.ge [sflag:s10], $0x1400  }
0x26: {  	[sflag:s10] =	ssyncset.done $0x0  }
0x27: {  	[sflag:s10] =	ssyncadd.s32 $0xFFFFEC00  }
.LBB2_1:
0x28: {  	[tilespmem:s3], [sflag:$0x9] =	stream.linear.gather [hbm4b:s5+s3], $0x2800, $0x38;
	[tilespmem:$0x17000] =	vst v63  }
0x29: {  	_ =	swait.ge [sflag:s10], $0x2800  }
0x2a: {  	[sflag:s10] =	ssyncset.done $0x0  }
0x2b: {  	[sflag:s10] =	ssyncadd.s32 $0xFFFFD800  }
0x2c: {  	[tilespmem:s11], [sflag:$0x9] =	stream.linear.gather [hbm4b:s6+s3], $0x2800, $0x38;
	[tilespmem:$0x17000] =	vst v63  }
0x2d: {  	_ =	swait.ge [sflag:s10], $0x2800  }
0x2e: {  	[sflag:s10] =	ssyncset.done $0x0  }
0x2f: {  	[sflag:s10] =	ssyncadd.s32 $0xFFFFD800  }
0x30: {  	[spmem:s13], [sflag:s12] =	dma.local [hbm:s7], $0x1400  }
0x31: {  	_ =	swait.ge [sflag:s10], $0x1400  }
0x32: {  	[sflag:s10] =	ssyncset.done $0x0  }
0x33: {  	[sflag:s10] =	ssyncadd.s32 $0xFFFFEC00  }
0x34: {  	[bflag:$0x0] =	sbarrier.arrive $0xFFFF  }
0x35: {  	[tilespmem:s15], [sflag:$0x1] =	stream.indirect.gather [hbm4b:s4+s14], $0x40, s3, s14, $0xb8;
	[tilespmem:$0x17000] =	vst v63  }
0x36: {  	_ = 	snop  }
0x37: {  	[tilespmem:s16], [sflag:$0x2] =	stream.indirect.gather [hbm4b:s4+s14], $0x40, s14, s14, $0xb8;
	[tilespmem:$0x17000] =	vst v63  }
0x38: {  	_ =	swait.ge [sflag:s17], $0x2000  }
0x39: {  	[sflag:s17] =	ssyncset.done $0x0  }
0x3a: {  	[sflag:s17] =	ssyncadd.s32 $0xFFFFE000  }
0x3b: {  	[spmem:s2] =	stream.indirect.scatter.add.f32 [tilespmem:s15], [sflag:$0x5], $0x40, s11, s14, $0xb8;
	[tilespmem:$0x17000] =	vst v63  }
0x3c: {  	s1 =	simm.s32 $0x100  }
0x3d: {  	[tilespmem:s19], [sflag:$0x3] =	stream.indirect.gather [hbm4b:s4+s14], $0x40, s1, s14, $0xb8;
	[tilespmem:$0x17000] =	vst v63  }
0x3e: {  	_ =	swait.ge [sflag:s20], $0x2000  }
0x3f: {  	[sflag:s20] =	ssyncset.done $0x0  }
0x40: {  	s25 =	simm.s32 $0x2880;
	[sflag:s20] =	ssyncadd.s32 $0xFFFFE000  }
0x41: {  	[spmem:s2] =	stream.indirect.scatter.add.f32 [tilespmem:s16], [sflag:$0x6], $0x40, s25, s14, $0xb8;
	[tilespmem:$0x17000] =	vst v63  }
0x42: {  	s28 =	simm.s32 $0x180  }
0x43: {  	[tilespmem:s23], [sflag:$0x4] =	stream.indirect.gather [hbm4b:s4+s14], $0x40, s28, s14, $0xb8;
	[tilespmem:$0x17000] =	vst v63  }
0x44: {  	_ =	swait.ge [sflag:s24], $0x2000  }
0x45: {  	[sflag:s24] =	ssyncset.done $0x0  }
0x46: {  	s30 =	simm.s32 $0x2900;
	[sflag:s24] =	ssyncadd.s32 $0xFFFFE000  }
0x47: {  	[spmem:s2] =	stream.indirect.scatter.add.f32 [tilespmem:s19], [sflag:$0x7], $0x40, s30, s14, $0xb8;
	[tilespmem:$0x17000] =	vst v63  }
0x48: {  	_ =	swait.ge [sflag:s26], $0x2000  }
0x49: {  	[sflag:s26] =	ssyncset.done $0x0  }
0x4a: {  	s25 =	simm.s32 $0x200;
	[sflag:s26] =	ssyncadd.s32 $0xFFFFE000  }
0x4b: {  	[tilespmem:s15], [sflag:$0x1] =	stream.indirect.gather [hbm4b:s4+s14], $0x40, s25, s14, $0xb8;
	[tilespmem:$0x17000] =	vst v63  }
0x4c: {  	_ =	swait.ge [sflag:s29], $0x2000  }
0x4d: {  	[sflag:s29] =	ssyncset.done $0x0  }
0x4e: {  	s28 =	simm.s32 $0x2980;
	[sflag:s29] =	ssyncadd.s32 $0xFFFFE000  }
0x4f: {  	[spmem:s2] =	stream.indirect.scatter.add.f32 [tilespmem:s23], [sflag:$0x8], $0x40, s28, s14, $0xb8;
	[tilespmem:$0x17000] =	vst v63  }
0x50: {  	_ =	swait.ge [sflag:s31], $0x2000  }
0x51: {  	[sflag:s31] =	ssyncset.done $0x0  }
0x52: {  	s30 =	simm.s32 $0x280;
	s25 =	simm.s32 $0x0;
	[sflag:s31] =	ssyncadd.s32 $0xFFFFE000  }
0x53: {  	[tilespmem:s16], [sflag:$0x2] =	stream.indirect.gather [hbm4b:s4+s14], $0x40, s30, s14, $0xb8;
	[tilespmem:$0x17000] =	vst v63  }
.LBB2_2:
0x54: {  	_ =	swait.ge [sflag:s17], $0x2000  }
0x55: {  	s28 =	sshra.s32 s25, $0x2;
	[sflag:s17] =	ssyncset.done $0x0  }
0x56: {  	s30 =	sadd.s32 $0x2A00, s28;
	[sflag:s17] =	ssyncadd.s32 $0xFFFFE000  }
0x57: {  	[spmem:s2] =	stream.indirect.scatter.add.f32 [tilespmem:s15], [sflag:$0x5], $0x40, s30, s14, $0xb8;
	[tilespmem:$0x17000] =	vst v63  }
0x58: {  	_ =	swait.ge [sflag:s0], $0x2000  }
0x59: {  	[sflag:s0] =	ssyncset.done $0x0  }
0x5a: {  	s30 =	sadd.s32 $0x300, s28;
	[sflag:s0] =	ssyncadd.s32 $0xFFFFE000  }
0x5b: {  	[tilespmem:s19], [sflag:$0x3] =	stream.indirect.gather [hbm4b:s4+s14], $0x40, s30, s14, $0xb8;
	[tilespmem:$0x17000] =	vst v63  }
0x5c: {  	_ =	swait.ge [sflag:s20], $0x2000  }
0x5d: {  	[sflag:s20] =	ssyncset.done $0x0  }
0x5e: {  	s30 =	sadd.s32 $0x2A80, s28;
	[sflag:s20] =	ssyncadd.s32 $0xFFFFE000  }
0x5f: {  	[spmem:s2] =	stream.indirect.scatter.add.f32 [tilespmem:s16], [sflag:$0x6], $0x40, s30, s14, $0xb8;
	[tilespmem:$0x17000] =	vst v63  }
0x60: {  	_ =	swait.ge [sflag:s18], $0x2000  }
0x61: {  	[sflag:s18] =	ssyncset.done $0x0  }
0x62: {  	p0 =	seq.s32 s25, $0x9000;
	s30 =	sadd.s32 $0x380, s28;
	[sflag:s18] =	ssyncadd.s32 $0xFFFFE000  }
0x63: {  	[tilespmem:s23], [sflag:$0x4] =	stream.indirect.gather [hbm4b:s4+s14], $0x40, s30, s14, $0xb8;
	[tilespmem:$0x17000] =	vst v63  }
.Ltmp2:
0x64: {  	_ =	swait.ge [sflag:s24], $0x2000;
	(pc) =	sbr.rel @p0 .LBB2_4-.Ltmp2, $4  }
0x65: {  	[sflag:s24] =	ssyncset.done $0x0  }
0x66: {  	s30 =	sadd.s32 $0x2B00, s28;
	[sflag:s24] =	ssyncadd.s32 $0xFFFFE000  }
0x67: {  	[spmem:s2] =	stream.indirect.scatter.add.f32 [tilespmem:s19], [sflag:$0x7], $0x40, s30, s14, $0xb8;
	[tilespmem:$0x17000] =	vst v63  }
0x68: {  	s30 =	sadd.s32 $0x2B80, s28  }
0x69: {  	_ =	swait.ge [sflag:s26], $0x2000  }
0x6a: {  	[sflag:s26] =	ssyncset.done $0x0  }
0x6b: {  	s1 =	sadd.s32 $0x400, s28;
	[sflag:s26] =	ssyncadd.s32 $0xFFFFE000  }
0x6c: {  	[tilespmem:s15], [sflag:$0x1] =	stream.indirect.gather [hbm4b:s4+s14], $0x40, s1, s14, $0xb8;
	[tilespmem:$0x17000] =	vst v63  }
0x6d: {  	_ =	swait.ge [sflag:s29], $0x2000  }
0x6e: {  	[sflag:s29] =	ssyncset.done $0x0  }
0x6f: {  	[sflag:s29] =	ssyncadd.s32 $0xFFFFE000  }
0x70: {  	[spmem:s2] =	stream.indirect.scatter.add.f32 [tilespmem:s23], [sflag:$0x8], $0x40, s30, s14, $0xb8;
	[tilespmem:$0x17000] =	vst v63  }
.Ltmp3:
0x71: {  	_ = 	snop;
	(pc) =	sbr.rel .LBB2_2-.Ltmp3, $4  }
0x72: {  	_ =	swait.ge [sflag:s31], $0x2000  }
0x73: {  	[sflag:s31] =	ssyncset.done $0x0  }
0x74: {  	s25 =	sadd.s32 $0x800, s25;
	s30 =	sadd.s32 $0x480, s28;
	[sflag:s31] =	ssyncadd.s32 $0xFFFFE000  }
0x75: {  	[tilespmem:s16], [sflag:$0x2] =	stream.indirect.gather [hbm4b:s4+s14], $0x40, s30, s14, $0xb8;
	[tilespmem:$0x17000] =	vst v63  }
.LBB2_5:
0x76: {  	_ =	sfence.sel $0x180000  }
0x77: {  	[bflag:$0x0] =	sbarrier.arrive $0xFFFF  }
0x78: {  	_ =	strace $0x9000004A  }
0x79: {  	s0 =	stileid.u32;
	[bflag:$0x2] =	sbarrier.arrive $0xFFFF  }
0x7a: {  	p0 =	sne.s32 s0, $0x0;
	s0 =	rddreg [dreg:$0x2]  }
0x7b: {  	s0 =	sadd.s32 @!p0 $0x100000, s0  }
0x7c: {  	[sflag:s0] =	ssyncadd.tile.s32 @!p0 $0x1;
	_ =	shalt  }
.Lfunc_end2:
_tile_overlayer_lowered:
.L_overlay_start_2:
0x7d: {  	(tag) =	ssettag $0x2  }
0x7e: {  	s0 =	rddreg [dreg:$0x0];
	s2 =	stileid.u32  }
0x7f: {  	s1 =	rddreg [dreg:$0x1];
	p0 =	sne.s32 s2, $0x0  }
0x80: {  	s3 =	rddreg [dreg:$0x2];
	[bflag:$0x3] =	sbarrier.arrive $0xFFFF;
	s2 =	simm.s32 @!p0 $0x1C09  }
0x81: {  	[timem:s3], [sflag:s2] =	dma.local @!p0 [hbm:s0], s1  }
0x82: {  	s0 =	simm.s32 @!p0 $0x9  }
0x83: {  	_ =	swait.ge @!p0 [sflag:s0], s1  }
0x84: {  	s1 =	ssub.s32 @!p0 $0x0, s1;
	[sflag:s0] =	ssyncset.done @!p0 $0x0  }
0x85: {  	[sflag:s0] =	ssyncadd.s32 @!p0 s1  }
0x86: {  	[bflag:$0x3] =	sbarrier.arrive $0xFFFF  }
0x87: {  	_ =	shalt  }

// kernel: kernel.16.cloned.1.call-start
scs
__scs_entry_jumppad:
0x0: {  	(pc) =	sbr.rel $0x88, $3  }
0x1: {  	(tag) =	ssettag $0x0;
	lr =	simm.s32 $0x1  }
0x2: {  	[smem:$0x3F99] =	sst lr;
	_ =	strace $0xD0000000  }
0x3: {  	_ = 	snop  }
0x4: {  	_ = 	snop  }
0x5: {  	_ = 	snop  }
0x6: {  	_ = 	snop  }
0x7: {  	_ = 	snop  }
__scs_overlays_trampoline_lowered:
0x8: {  	[smem:$0x3FA8] =	sst s0  }
0x9: {  	[smem:$0x3FA9] =	sst s1  }
0xa: {  	[smem:$0x3FAA] =	sst s2  }
0xb: {  	[smem:$0x3FAB] =	sst s3  }
0xc: {  	[smem:$0x3FAC] =	sst s4  }
0xd: {  	[smem:$0x3FAD] =	sst s5  }
0xe: {  	[smem:$0x3FAE] =	sst s6  }
0xf: {  	[smem:$0x3FAF] =	sst s7  }
0x10: {  	[smem:$0x3FB0] =	sst s8  }
0x11: {  	[smem:$0x3FB1] =	sst s9;
	s0 =	simm.s32 @!p0 $0x0  }
0x12: {  	s1 =	sld [smem:$0x3F97];
	s0 =	simm.s32 @p0 $0x1  }
0x13: {  	[smem:$0x3FB2] =	sst s0;
	s0 =	simm.s32 @!p1 $0x0  }
0x14: {  	s2 =	sld [smem:$0x3F96];
	s0 =	simm.s32 @p1 $0x1  }
0x15: {  	[smem:$0x3FB3] =	sst s0;
	s0 =	simm.s32 @!p2 $0x0  }
0x16: {  	s3 =	sld [smem:$0x3FDB];
	s0 =	simm.s32 @p2 $0x1  }
0x17: {  	s4 =	simm.s32 $0x1BF5;
	[smem:$0x3FB5] =	sst s0  }
0x18: {  	s0 =	sld [smem:$0x3F98];
	_ =	swait.ge [sflag:s4], $0x0  }
0x19: {  	s7 =	sld [smem:$0x3F99]  }
0x1a: {  	s8 =	sadd.s32 $0xFFFFE003, lr  }
0x1b: {  	s9 =	sadd.s32 $0xFFFFFEF7, lr;
	s5 =	simm.s32 $0xFFFFFFFF;
	p2 =	slt.u32 s8, $0xFFFFF086  }
0x1c: {  	p1 =	slt.u32 s9, $0xF7A;
	s5 =	simm.s32 @!p2 $0x0  }
0x1d: {  	s5 =	simm.s32 @p1 $0x1;
	p0 =	seq.s32 s7, s2  }
0x1e: {  	s7 =	smul.u32 @!p0 $0xF7A, s2;
	p2 =	seq.s32 @!p0 s5, $0x0  }
0x1f: {  	s9 =	smul.u32 $0xF7A, s1;
	s8 =	simm.s32 @!p0 $0x1BF5;
	p2 =	por !p2, p0  }
0x20: {  	[sflag:s8] =	ssyncset.s32 @!p0 $0xFFFFF086;
	s6 =	sadd.s32 @!p0 s3, s7;
	s7 =	simm.s32 @!p0 $0x108  }
0x21: {  	s3 =	sadd.s32 s3, s9;
	s6 =	sadd.s32 @!p0 $0x88, s6;
	s7 =	simm.s32 @p2 $0x1082  }
0x22: {  	[simem:s7], [sflag:s8] =	dma.local @!p0 [hbm:s6], $0xF7A  }
0x23: {  	s9 =	sor.u32 $0xD0000000, s2;
	s6 =	simm.s32 $0x108;
	_ =	swait.ge @!p0 [sflag:s8], $0x0  }
0x24: {  	s3 =	sadd.s32 $0x88, s3;
	s6 =	simm.s32 @!p1 $0x1082;
	[sflag:s4] =	ssyncset.s32 $0xFFFFF086  }
0x25: {  	[simem:s6], [sflag:s4] =	dma.local [hbm:s3], $0xF7A  }
0x26: {  	[smem:$0x3F99] =	sst s1;
	(tag) =	ssettag s2;
	_ =	strace s9  }
0x27: {  	s1 =	sld [smem:$0x3FA9]  }
0x28: {  	s2 =	sld [smem:$0x3FAA]  }
0x29: {  	s4 =	sld [smem:$0x3FAC]  }
0x2a: {  	p0 =	seq.s32 s5, $0x0;
	s5 =	sld [smem:$0x3FAD]  }
0x2b: {  	s6 =	sld [smem:$0x3FAE]  }
0x2c: {  	s7 =	sld [smem:$0x3FAF]  }
0x2d: {  	s3 =	simm.s32 $0x108;
	s8 =	sld [smem:$0x3FB0]  }
0x2e: {  	s3 =	simm.s32 @!p0 $0x1082;
	s9 =	sld [smem:$0x3FB1]  }
0x2f: {  	lr =	sadd.s32 s0, s3;
	s0 =	sld [smem:$0x3FA8]  }
0x30: {  	s3 =	sld [smem:$0x3FAB]  }
0x31: {  	[smem:$0x3FB4] =	sst s10  }
0x32: {  	s10 =	sld [smem:$0x3FB2];
	_ =	sdelay $0x3  }
0x33: {  	p0 =	seq.s32 s10, $0x1;
	s10 =	sld [smem:$0x3FB4];
	_ =	sdelay $0x3  }
0x34: {  	[smem:$0x3FB4] =	sst s10  }
0x35: {  	s10 =	sld [smem:$0x3FB3];
	_ =	sdelay $0x3  }
0x36: {  	p1 =	seq.s32 s10, $0x1;
	s10 =	sld [smem:$0x3FB4];
	_ =	sdelay $0x3  }
0x37: {  	[smem:$0x3FB4] =	sst s10  }
0x38: {  	s10 =	sld [smem:$0x3FB5]  }
0x39: {  	_ = 	snop;
	(pc) =	sbr.ind lr, $3  }
0x3a: {  	_ = 	snop  }
0x3b: {  	_ = 	snop  }
0x3c: {  	p2 =	seq.s32 s10, $0x1;
	s10 =	sld [smem:$0x3FB4]  }
0x3d: {  	_ =	shalt  }
0x3e: {  	_ =	shalt  }
0x3f: {  	_ =	shalt  }
0x40: {  	_ =	shalt  }
0x41: {  	_ =	shalt  }
0x42: {  	_ =	shalt  }
0x43: {  	_ =	shalt  }
0x44: {  	_ =	shalt  }
0x45: {  	_ =	shalt  }
0x46: {  	_ =	shalt  }
0x47: {  	_ =	shalt  }
0x48: {  	_ =	shalt  }
0x49: {  	_ =	shalt  }
0x4a: {  	_ =	shalt  }
0x4b: {  	_ =	shalt  }
0x4c: {  	_ =	shalt  }
0x4d: {  	_ =	shalt  }
0x4e: {  	_ =	shalt  }
0x4f: {  	_ =	shalt  }
0x50: {  	_ =	shalt  }
0x51: {  	_ =	shalt  }
0x52: {  	_ =	shalt  }
0x53: {  	_ =	shalt  }
0x54: {  	_ =	shalt  }
0x55: {  	_ =	shalt  }
0x56: {  	_ =	shalt  }
0x57: {  	_ =	shalt  }
0x58: {  	_ =	shalt  }
0x59: {  	_ =	shalt  }
0x5a: {  	_ =	shalt  }
0x5b: {  	_ =	shalt  }
0x5c: {  	_ =	shalt  }
0x5d: {  	_ =	shalt  }
0x5e: {  	_ =	shalt  }
0x5f: {  	_ =	shalt  }
0x60: {  	_ =	shalt  }
0x61: {  	_ =	shalt  }
0x62: {  	_ =	shalt  }
0x63: {  	_ =	shalt  }
0x64: {  	_ =	shalt  }
0x65: {  	_ =	shalt  }
0x66: {  	_ =	shalt  }
0x67: {  	_ =	shalt  }
0x68: {  	_ =	shalt  }
0x69: {  	_ =	shalt  }
0x6a: {  	_ =	shalt  }
0x6b: {  	_ =	shalt  }
0x6c: {  	_ =	shalt  }
0x6d: {  	_ =	shalt  }
0x6e: {  	_ =	shalt  }
0x6f: {  	_ =	shalt  }
0x70: {  	_ =	shalt  }
0x71: {  	_ =	shalt  }
0x72: {  	_ =	shalt  }
0x73: {  	_ =	shalt  }
0x74: {  	_ =	shalt  }
0x75: {  	_ =	shalt  }
0x76: {  	_ =	shalt  }
0x77: {  	_ =	shalt  }
0x78: {  	_ =	shalt  }
0x79: {  	_ =	shalt  }
0x7a: {  	_ =	shalt  }
0x7b: {  	_ =	shalt  }
0x7c: {  	_ =	shalt  }
0x7d: {  	_ =	shalt  }
0x7e: {  	_ =	shalt  }
0x7f: {  	_ =	shalt  }
0x80: {  	_ =	shalt  }
0x81: {  	_ =	shalt  }
0x82: {  	_ =	shalt  }
0x83: {  	_ =	shalt  }
0x84: {  	_ =	shalt  }
0x85: {  	_ =	shalt  }
0x86: {  	_ =	shalt  }
0x87: {  	_ =	shalt  }
.Lfunc_end0:
.L_simem_size_0:
called_computation.2_lowered:
.L_overlay_start_0:
0x88: {  	s2 =	sld [smem:$0x3FD9]  }
0x89: {  	s3 =	sld [smem:$0x3FFE];
	_ =	sdelay $0x1  }
0x8a: {  	s1 =	srdreg.scid  }
0x8b: {  	s0 =	sand.u32 $0x1, s1  }
0x8c: {  	s17 =	sshll.u32 s0, $0xA;
	s2 =	sadd.s32 s3, s2  }
0x8d: {  	s2 =	sadd.s32 s2, s17  }
0x8e: {  	[smem:$0x3FC0] =	sst s2  }
0x8f: {  	_ = 	snop  }
0x90: {  	s2 =	sld [smem:$0x3FD0];
	(tm) =	ssettm $0x1  }
0x91: {  	s18 =	sld [smem:$0x3FFB];
	_ =	sdelay $0x3  }
0x92: {  	_ =	strace s18  }
0x93: {  	s3 =	sld [smem:$0x3FFC];
	_ =	sdelay $0x3  }
0x94: {  	_ =	strace s3  }
0x95: {  	s3 =	sld [smem:$0x3FFD];
	_ =	sdelay $0x3  }
0x96: {  	_ =	strace s3  }
0x97: {  	_ =	strace $0x8FFFFFFF  }
0x98: {  	s19 =	sld [smem:$0x3FDB];
	_ =	sdelay $0x1  }
0x99: {  	s4 =	simm.s32 $_scs_section_size  }
0x9a: {  	s5 =	simm.s32 $_size__tile_overlayer_lowered;
	s6 =	simm.s32 $_tile_overlayer_lowered  }
0x9b: {  	s22 =	simm.s32 $0x1BFF;
	s21 =	sshll.u32 s6, $0x1;
	s3 =	sadd.s32 s4, s19  }
0x9c: {  	s7 =	simm.s32 $0x0;
	s20 =	sshll.u32 s5, $0x1;
	s5 =	sadd.s32 s21, s3  }
0x9d: {  	[timem:s7], [sflag:s22] =	dma.local [hbm:s5], s20  }
0x9e: {  	_ =	swait.ge [sflag:s22], s20  }
0x9f: {  	s4 =	ssub.s32 $0x0, s20;
	[sflag:s22] =	ssyncset.done $0x0  }
0xa0: {  	[sflag:s22] =	ssyncadd.s32 s4;
	_ =	sdelay $0x1  }
0xa1: {  	s23 =	simm.s32 $0x1B8B  }
0xa2: {  	_ =	swait.ge [sflag:s23], $0x1  }
0xa3: {  	[sflag:s23] =	ssyncset.done $0x0  }
0xa4: {  	s25 =	simm.s32 $0x1B8E;
	s24 =	sld [smem:$0x3FFE];
	[sflag:s23] =	ssyncadd.s32 $0xFFFFFFFF  }
0xa5: {  	s26 =	simm.s32 $execute0_lowered;
	[smem:$0x3FD2] =	sst s25  }
0xa6: {  	s5 =	sshll.u32 s26, $0x1;
	_ =	strace $0x8000004C;
	[dreg:$0x1] =	wrdreg $0xFFFFFFFF  }
0xa7: {  	s28 =	simm.s32 $_size_execute0_lowered;
	s3 =	sadd.s32 s3, s5;
	[dreg:$0x0] =	wrdreg $0x0  }
0xa8: {  	s5 =	sshll.u32 s28, $0x1;
	[dreg:$0x2] =	wrdreg s3  }
0xa9: {  	[dreg:$0x3] =	wrdreg s5  }
0xaa: {  	[dreg:$0x4] =	wrdreg $0xC0  }
0xab: {  	_ =	task [dreg:s7], $0x5FFFF  }
0xac: {  	[dreg:$0x1] =	wrdreg $0xFFFFFFFF  }
0xad: {  	[dreg:$0x0] =	wrdreg $0x60  }
0xae: {  	[dreg:$0x2] =	wrdreg s24  }
0xaf: {  	[dreg:$0x3] =	wrdreg s2  }
0xb0: {  	[dreg:$0x4] =	wrdreg $0x90000  }
0xb1: {  	[dreg:$0x5] =	wrdreg $0x9  }
0xb2: {  	_ =	task.clear_ibuf [dreg:s7], $0x6FFFF;
	_ =	strace $0x9000004C  }
0xb3: {  	s29 =	simm.s32 $0x9;
	_ =	strace $0x8000004E  }
0xb4: {  	_ =	swait.ge [sflag:s29], $0x1  }
0xb5: {  	[sflag:s29] =	ssyncadd.s32 $0xFFFFFFFF  }
0xb6: {  	_ =	strace $0x9000004E  }
0xb7: {  	_ =	sfence  }
0xb8: {  	s30 =	sld [smem:$0x0];
	_ =	sdelay $0x2  }
0xb9: {  	s31 =	sshll.u32 s1, $0xD;
	s1 =	sshrl.u32 s1, $0x2  }
0xba: {  	s3 =	sand.u32 $0x4000, s31;
	s1 =	sadd.s32 s1, s30  }
0xbb: {  	s0 =	sor.u32 s3, s0;
	s1 =	sshll.u32 s1, $0x11  }
0xbc: {  	s0 =	sor.u32 s1, s0  }
0xbd: {  	s0 =	sadd.s32 $0x8F2B, s0  }
0xbe: {  	[sflag:s0] =	ssyncadd.remote.s32 $0x1  }
0xbf: {  	_ =	sfence.sel $0xFFFF  }
0xc0: {  	[dreg:$0x0] =	wrdreg $0xFFFFFFFF;
	(pc) =	sbr.abs _section_cstart, $3  }
0xc1: {  	[dreg:$0x1] =	wrdreg $0xFFFFFFFF  }
0xc2: {  	_ =	task.clear_ibuf [dreg:s7], $0x2FFFF;
	_ =	strace $0x9FFFFFFF  }
0xc3: {  	(tm) =	ssettm $0x7FFFFFFF  }
tec
execute0_lowered:
.L_overlay_start_1:
0x0: {  	(tag) =	ssettag $0x1  }
0x1: {  	s0 =	srdreg.scid;
	s1 =	rddreg [dreg:$0x0]  }
0x2: {  	s12 =	stileid.u32;
	s5 =	rddreg [dreg:$0x1]  }
0x3: {  	s14 =	simm.s32 $0x80;
	s15 =	simm.s32 $0x5000;
	s16 =	simm.s32 $0x6000  }
0x4: {  	s17 =	simm.s32 $0x1;
	s19 =	simm.s32 $0x7000;
	s20 =	simm.s32 $0x2  }
0x5: {  	s23 =	simm.s32 $0x8000;
	s24 =	simm.s32 $0x3;
	s26 =	simm.s32 $0x5  }
0x6: {  	s29 =	simm.s32 $0x4;
	s31 =	simm.s32 $0x6;
	s18 =	simm.s32 $0x8  }
0x7: {  	s21 =	simm.s32 $0x10;
	s22 =	simm.s32 $0x0;
	s0 =	sand.u32 $0x1, s0  }
0x8: {  	s2 =	sshll.u32 s12, $0x1;
	s8 =	smul.u32 $0x14000, s12;
	s4 =	sadd.s32 $0x17C00, s1  }
0x9: {  	s9 =	smul.u32 $0x5000, s12;
	s30 =	sshll.u32 s12, $0x6;
	s3 =	sor.u32 s0, s2  }
0xa: {  	s2 =	rddreg [dreg:$0x2];
	s7 =	smul.u32 $0x140000, s0;
	s0 =	ssub.s32 $0x2, s0  }
0xb: {  	s12 =	sor.u32 $0x1C09, s30;
	s6 =	smul.u32 $0x500, s3;
	s3 =	simm.s32 $0x0  }
0xc: {  	s28 =	sshrl.u32 s9, $0x3;
	s11 =	sshrl.u32 s0, $0x1;
	s13 =	sadd.s32 s9, s2  }
0xd: {  	[smem:$0x7FF] =	sst s3;
	s7 =	sadd.s32 s8, s7;
	s8 =	sadd.s32 s28, s1  }
.Ltmp0:
0xe: {  	s0 =	ssub.s32 s0, s11;
	s11 =	simm.s32 $0x2800;
	(pc) =	sbr.rel .LBB2_1-.Ltmp0, $4  }
0xf: {  	s13 =	sshrl.u32 s13, $0x3;
	_ =	strace $0x8000004D;
	s10 =	sadd.s32 s6, s1  }
0x10: {  	s7 =	sshrl.u32 s7, $0x3;
	s5 =	sadd.s32 s5, s6;
	s9 =	smax.u32 s0, $0x1  }
0x11: {  	s0 =	simm.s32 $0x7;
	s1 =	sadd.s32 s7, s1;
	s6 =	sadd.s32 $0xDC00, s10  }
0x12: {  	s7 =	sadd.s32 $0x57000, s8;
	s10 =	simm.s32 $0x9;
	s8 =	sadd.s32 $0x61000, s1  }
.LBB2_4:
0x13: {  	_ =	swait.ge [sflag:s29], $0x1000  }
0x14: {  	[sflag:s29] =	ssyncset.done $0x0  }
0x15: {  	[sflag:s29] =	ssyncadd.s32 $0xFFFFF000  }
0x16: {  	[spmem:s2] =	stream.indirect.scatter.add.f32 [tilespmem:s23], [sflag:$0x8], $0x20, s30, s14, $0xb8;
	[tilespmem:$0xE000] =	vst v63  }
0x17: {  	_ =	swait.ge [sflag:s26], $0x1000  }
0x18: {  	[sflag:s26] =	ssyncset.done $0x0  }
0x19: {  	[sflag:s26] =	ssyncadd.s32 $0xFFFFF000  }
0x1a: {  	_ =	swait.ge [sflag:s31], $0x1000  }
0x1b: {  	[sflag:s31] =	ssyncset.done $0x0  }
0x1c: {  	[sflag:s31] =	ssyncadd.s32 $0xFFFFF000  }
0x1d: {  	_ =	swait.ge [sflag:s0], $0x1000  }
0x1e: {  	[sflag:s0] =	ssyncset.done $0x0  }
0x1f: {  	[sflag:s0] =	ssyncadd.s32 $0xFFFFF000  }
0x20: {  	_ =	swait.ge [sflag:s18], $0x1000  }
0x21: {  	s22 =	sadd.s32 $0x1, s22;
	[sflag:s18] =	ssyncset.done $0x0  }
0x22: {  	p0 =	sne.s32 s22, s9;
	[sflag:s18] =	ssyncadd.s32 $0xFFFFF000  }
.Ltmp1:
0x23: {  	[bflag:$0x0] =	sbarrier.arrive $0xFFFF;
	(pc) =	sbr.rel @!p0 .LBB2_5-.Ltmp1, $4  }
0x24: {  	[hbm:s8@s21], [sflag:s12] =	dma.strided [spmem:s13@s29], $0xA00, s17, $0x4   }
0x25: {  	_ =	swait.ge [sflag:s10], $0xA00  }
0x26: {  	[sflag:s10] =	ssyncset.done $0x0  }
0x27: {  	[sflag:s10] =	ssyncadd.s32 $0xFFFFF600  }
.LBB2_1:
0x28: {  	[tilespmem:s3], [sflag:$0x9] =	stream.linear.gather [hbm4b:s5+s3], $0x2800, $0x38;
	[tilespmem:$0xE000] =	vst v63  }
0x29: {  	_ =	swait.ge [sflag:s10], $0x2800  }
0x2a: {  	[sflag:s10] =	ssyncset.done $0x0  }
0x2b: {  	[sflag:s10] =	ssyncadd.s32 $0xFFFFD800  }
0x2c: {  	[tilespmem:s11], [sflag:$0x9] =	stream.linear.gather [hbm4b:s6+s3], $0x2800, $0x38;
	[tilespmem:$0xE000] =	vst v63  }
0x2d: {  	_ =	swait.ge [sflag:s10], $0x2800  }
0x2e: {  	[sflag:s10] =	ssyncset.done $0x0  }
0x2f: {  	[sflag:s10] =	ssyncadd.s32 $0xFFFFD800  }
0x30: {  	[spmem:s13], [sflag:s12] =	dma.local [hbm:s7], $0xA00  }
0x31: {  	_ =	swait.ge [sflag:s10], $0xA00  }
0x32: {  	[sflag:s10] =	ssyncset.done $0x0  }
0x33: {  	[sflag:s10] =	ssyncadd.s32 $0xFFFFF600  }
0x34: {  	[bflag:$0x0] =	sbarrier.arrive $0xFFFF  }
0x35: {  	[tilespmem:s15], [sflag:$0x1] =	stream.indirect.gather [hbm4b:s4+s14], $0x20, s3, s14, $0xb8;
	[tilespmem:$0xE000] =	vst v63  }
0x36: {  	_ = 	snop  }
0x37: {  	[tilespmem:s16], [sflag:$0x2] =	stream.indirect.gather [hbm4b:s4+s14], $0x20, s14, s14, $0xb8;
	[tilespmem:$0xE000] =	vst v63  }
0x38: {  	_ =	swait.ge [sflag:s17], $0x1000  }
0x39: {  	[sflag:s17] =	ssyncset.done $0x0  }
0x3a: {  	[sflag:s17] =	ssyncadd.s32 $0xFFFFF000  }
0x3b: {  	[spmem:s2] =	stream.indirect.scatter.add.f32 [tilespmem:s15], [sflag:$0x5], $0x20, s11, s14, $0xb8;
	[tilespmem:$0xE000] =	vst v63  }
0x3c: {  	s1 =	simm.s32 $0x100  }
0x3d: {  	[tilespmem:s19], [sflag:$0x3] =	stream.indirect.gather [hbm4b:s4+s14], $0x20, s1, s14, $0xb8;
	[tilespmem:$0xE000] =	vst v63  }
0x3e: {  	_ =	swait.ge [sflag:s20], $0x1000  }
0x3f: {  	[sflag:s20] =	ssyncset.done $0x0  }
0x40: {  	s25 =	simm.s32 $0x2880;
	[sflag:s20] =	ssyncadd.s32 $0xFFFFF000  }
0x41: {  	[spmem:s2] =	stream.indirect.scatter.add.f32 [tilespmem:s16], [sflag:$0x6], $0x20, s25, s14, $0xb8;
	[tilespmem:$0xE000] =	vst v63  }
0x42: {  	s28 =	simm.s32 $0x180  }
0x43: {  	[tilespmem:s23], [sflag:$0x4] =	stream.indirect.gather [hbm4b:s4+s14], $0x20, s28, s14, $0xb8;
	[tilespmem:$0xE000] =	vst v63  }
0x44: {  	_ =	swait.ge [sflag:s24], $0x1000  }
0x45: {  	[sflag:s24] =	ssyncset.done $0x0  }
0x46: {  	s30 =	simm.s32 $0x2900;
	[sflag:s24] =	ssyncadd.s32 $0xFFFFF000  }
0x47: {  	[spmem:s2] =	stream.indirect.scatter.add.f32 [tilespmem:s19], [sflag:$0x7], $0x20, s30, s14, $0xb8;
	[tilespmem:$0xE000] =	vst v63  }
0x48: {  	_ =	swait.ge [sflag:s26], $0x1000  }
0x49: {  	[sflag:s26] =	ssyncset.done $0x0  }
0x4a: {  	s25 =	simm.s32 $0x200;
	[sflag:s26] =	ssyncadd.s32 $0xFFFFF000  }
0x4b: {  	[tilespmem:s15], [sflag:$0x1] =	stream.indirect.gather [hbm4b:s4+s14], $0x20, s25, s14, $0xb8;
	[tilespmem:$0xE000] =	vst v63  }
0x4c: {  	_ =	swait.ge [sflag:s29], $0x1000  }
0x4d: {  	[sflag:s29] =	ssyncset.done $0x0  }
0x4e: {  	s28 =	simm.s32 $0x2980;
	[sflag:s29] =	ssyncadd.s32 $0xFFFFF000  }
0x4f: {  	[spmem:s2] =	stream.indirect.scatter.add.f32 [tilespmem:s23], [sflag:$0x8], $0x20, s28, s14, $0xb8;
	[tilespmem:$0xE000] =	vst v63  }
0x50: {  	_ =	swait.ge [sflag:s31], $0x1000  }
0x51: {  	[sflag:s31] =	ssyncset.done $0x0  }
0x52: {  	s30 =	simm.s32 $0x280;
	s25 =	simm.s32 $0x0;
	[sflag:s31] =	ssyncadd.s32 $0xFFFFF000  }
0x53: {  	[tilespmem:s16], [sflag:$0x2] =	stream.indirect.gather [hbm4b:s4+s14], $0x20, s30, s14, $0xb8;
	[tilespmem:$0xE000] =	vst v63  }
.LBB2_2:
0x54: {  	_ =	swait.ge [sflag:s17], $0x1000  }
0x55: {  	s28 =	sshra.s32 s25, $0x2;
	[sflag:s17] =	ssyncset.done $0x0  }
0x56: {  	s30 =	sadd.s32 $0x2A00, s28;
	[sflag:s17] =	ssyncadd.s32 $0xFFFFF000  }
0x57: {  	[spmem:s2] =	stream.indirect.scatter.add.f32 [tilespmem:s15], [sflag:$0x5], $0x20, s30, s14, $0xb8;
	[tilespmem:$0xE000] =	vst v63  }
0x58: {  	_ =	swait.ge [sflag:s0], $0x1000  }
0x59: {  	[sflag:s0] =	ssyncset.done $0x0  }
0x5a: {  	s30 =	sadd.s32 $0x300, s28;
	[sflag:s0] =	ssyncadd.s32 $0xFFFFF000  }
0x5b: {  	[tilespmem:s19], [sflag:$0x3] =	stream.indirect.gather [hbm4b:s4+s14], $0x20, s30, s14, $0xb8;
	[tilespmem:$0xE000] =	vst v63  }
0x5c: {  	_ =	swait.ge [sflag:s20], $0x1000  }
0x5d: {  	[sflag:s20] =	ssyncset.done $0x0  }
0x5e: {  	s30 =	sadd.s32 $0x2A80, s28;
	[sflag:s20] =	ssyncadd.s32 $0xFFFFF000  }
0x5f: {  	[spmem:s2] =	stream.indirect.scatter.add.f32 [tilespmem:s16], [sflag:$0x6], $0x20, s30, s14, $0xb8;
	[tilespmem:$0xE000] =	vst v63  }
0x60: {  	_ =	swait.ge [sflag:s18], $0x1000  }
0x61: {  	[sflag:s18] =	ssyncset.done $0x0  }
0x62: {  	p0 =	seq.s32 s25, $0x9000;
	s30 =	sadd.s32 $0x380, s28;
	[sflag:s18] =	ssyncadd.s32 $0xFFFFF000  }
0x63: {  	[tilespmem:s23], [sflag:$0x4] =	stream.indirect.gather [hbm4b:s4+s14], $0x20, s30, s14, $0xb8;
	[tilespmem:$0xE000] =	vst v63  }
.Ltmp2:
0x64: {  	_ =	swait.ge [sflag:s24], $0x1000;
	(pc) =	sbr.rel @p0 .LBB2_4-.Ltmp2, $4  }
0x65: {  	[sflag:s24] =	ssyncset.done $0x0  }
0x66: {  	s30 =	sadd.s32 $0x2B00, s28;
	[sflag:s24] =	ssyncadd.s32 $0xFFFFF000  }
0x67: {  	[spmem:s2] =	stream.indirect.scatter.add.f32 [tilespmem:s19], [sflag:$0x7], $0x20, s30, s14, $0xb8;
	[tilespmem:$0xE000] =	vst v63  }
0x68: {  	s30 =	sadd.s32 $0x2B80, s28  }
0x69: {  	_ =	swait.ge [sflag:s26], $0x1000  }
0x6a: {  	[sflag:s26] =	ssyncset.done $0x0  }
0x6b: {  	s1 =	sadd.s32 $0x400, s28;
	[sflag:s26] =	ssyncadd.s32 $0xFFFFF000  }
0x6c: {  	[tilespmem:s15], [sflag:$0x1] =	stream.indirect.gather [hbm4b:s4+s14], $0x20, s1, s14, $0xb8;
	[tilespmem:$0xE000] =	vst v63  }
0x6d: {  	_ =	swait.ge [sflag:s29], $0x1000  }
0x6e: {  	[sflag:s29] =	ssyncset.done $0x0  }
0x6f: {  	[sflag:s29] =	ssyncadd.s32 $0xFFFFF000  }
0x70: {  	[spmem:s2] =	stream.indirect.scatter.add.f32 [tilespmem:s23], [sflag:$0x8], $0x20, s30, s14, $0xb8;
	[tilespmem:$0xE000] =	vst v63  }
.Ltmp3:
0x71: {  	_ = 	snop;
	(pc) =	sbr.rel .LBB2_2-.Ltmp3, $4  }
0x72: {  	_ =	swait.ge [sflag:s31], $0x1000  }
0x73: {  	[sflag:s31] =	ssyncset.done $0x0  }
0x74: {  	s25 =	sadd.s32 $0x800, s25;
	s30 =	sadd.s32 $0x480, s28;
	[sflag:s31] =	ssyncadd.s32 $0xFFFFF000  }
0x75: {  	[tilespmem:s16], [sflag:$0x2] =	stream.indirect.gather [hbm4b:s4+s14], $0x20, s30, s14, $0xb8;
	[tilespmem:$0xE000] =	vst v63  }
.LBB2_5:
0x76: {  	_ =	sfence.sel $0x180000  }
0x77: {  	[bflag:$0x0] =	sbarrier.arrive $0xFFFF  }
0x78: {  	_ =	strace $0x9000004D  }
0x79: {  	s0 =	stileid.u32;
	[bflag:$0x2] =	sbarrier.arrive $0xFFFF  }
0x7a: {  	p0 =	sne.s32 s0, $0x0;
	s0 =	rddreg [dreg:$0x3]  }
0x7b: {  	s0 =	sadd.s32 @!p0 $0x100000, s0  }
0x7c: {  	[sflag:s0] =	ssyncadd.tile.s32 @!p0 $0x1;
	_ =	shalt  }
.Lfunc_end2:
_tile_overlayer_lowered:
.L_overlay_start_2:
0x7d: {  	(tag) =	ssettag $0x2  }
0x7e: {  	s0 =	rddreg [dreg:$0x0];
	s2 =	stileid.u32  }
0x7f: {  	s1 =	rddreg [dreg:$0x1];
	p0 =	sne.s32 s2, $0x0  }
0x80: {  	s3 =	rddreg [dreg:$0x2];
	[bflag:$0x3] =	sbarrier.arrive $0xFFFF;
	s2 =	simm.s32 @!p0 $0x1C09  }
0x81: {  	[timem:s3], [sflag:s2] =	dma.local @!p0 [hbm:s0], s1  }
0x82: {  	s0 =	simm.s32 @!p0 $0x9  }
0x83: {  	_ =	swait.ge @!p0 [sflag:s0], s1  }
0x84: {  	s1 =	ssub.s32 @!p0 $0x0, s1;
	[sflag:s0] =	ssyncset.done @!p0 $0x0  }
0x85: {  	[sflag:s0] =	ssyncadd.s32 @!p0 s1  }
0x86: {  	[bflag:$0x3] =	sbarrier.arrive $0xFFFF  }
0x87: {  	_ =	shalt  }

// kernel: kernel.19.cloned.1.call-start
scs
__scs_entry_jumppad:
0x0: {  	(pc) =	sbr.rel $0x88, $3  }
0x1: {  	(tag) =	ssettag $0x0;
	lr =	simm.s32 $0x1  }
0x2: {  	[smem:$0x3F99] =	sst lr;
	_ =	strace $0xD0000000  }
0x3: {  	_ = 	snop  }
0x4: {  	_ = 	snop  }
0x5: {  	_ = 	snop  }
0x6: {  	_ = 	snop  }
0x7: {  	_ = 	snop  }
__scs_overlays_trampoline_lowered:
0x8: {  	[smem:$0x3FA8] =	sst s0  }
0x9: {  	[smem:$0x3FA9] =	sst s1  }
0xa: {  	[smem:$0x3FAA] =	sst s2  }
0xb: {  	[smem:$0x3FAB] =	sst s3  }
0xc: {  	[smem:$0x3FAC] =	sst s4  }
0xd: {  	[smem:$0x3FAD] =	sst s5  }
0xe: {  	[smem:$0x3FAE] =	sst s6  }
0xf: {  	[smem:$0x3FAF] =	sst s7  }
0x10: {  	[smem:$0x3FB0] =	sst s8  }
0x11: {  	[smem:$0x3FB1] =	sst s9;
	s0 =	simm.s32 @!p0 $0x0  }
0x12: {  	s1 =	sld [smem:$0x3F97];
	s0 =	simm.s32 @p0 $0x1  }
0x13: {  	[smem:$0x3FB2] =	sst s0;
	s0 =	simm.s32 @!p1 $0x0  }
0x14: {  	s2 =	sld [smem:$0x3F96];
	s0 =	simm.s32 @p1 $0x1  }
0x15: {  	[smem:$0x3FB3] =	sst s0;
	s0 =	simm.s32 @!p2 $0x0  }
0x16: {  	s3 =	sld [smem:$0x3FDB];
	s0 =	simm.s32 @p2 $0x1  }
0x17: {  	s4 =	simm.s32 $0x1BF5;
	[smem:$0x3FB5] =	sst s0  }
0x18: {  	s0 =	sld [smem:$0x3F98];
	_ =	swait.ge [sflag:s4], $0x0  }
0x19: {  	s7 =	sld [smem:$0x3F99]  }
0x1a: {  	s8 =	sadd.s32 $0xFFFFE003, lr  }
0x1b: {  	s9 =	sadd.s32 $0xFFFFFEF7, lr;
	s5 =	simm.s32 $0xFFFFFFFF;
	p2 =	slt.u32 s8, $0xFFFFF086  }
0x1c: {  	p1 =	slt.u32 s9, $0xF7A;
	s5 =	simm.s32 @!p2 $0x0  }
0x1d: {  	s5 =	simm.s32 @p1 $0x1;
	p0 =	seq.s32 s7, s2  }
0x1e: {  	s7 =	smul.u32 @!p0 $0xF7A, s2;
	p2 =	seq.s32 @!p0 s5, $0x0  }
0x1f: {  	s9 =	smul.u32 $0xF7A, s1;
	s8 =	simm.s32 @!p0 $0x1BF5;
	p2 =	por !p2, p0  }
0x20: {  	[sflag:s8] =	ssyncset.s32 @!p0 $0xFFFFF086;
	s6 =	sadd.s32 @!p0 s3, s7;
	s7 =	simm.s32 @!p0 $0x108  }
0x21: {  	s3 =	sadd.s32 s3, s9;
	s6 =	sadd.s32 @!p0 $0x88, s6;
	s7 =	simm.s32 @p2 $0x1082  }
0x22: {  	[simem:s7], [sflag:s8] =	dma.local @!p0 [hbm:s6], $0xF7A  }
0x23: {  	s9 =	sor.u32 $0xD0000000, s2;
	s6 =	simm.s32 $0x108;
	_ =	swait.ge @!p0 [sflag:s8], $0x0  }
0x24: {  	s3 =	sadd.s32 $0x88, s3;
	s6 =	simm.s32 @!p1 $0x1082;
	[sflag:s4] =	ssyncset.s32 $0xFFFFF086  }
0x25: {  	[simem:s6], [sflag:s4] =	dma.local [hbm:s3], $0xF7A  }
0x26: {  	[smem:$0x3F99] =	sst s1;
	(tag) =	ssettag s2;
	_ =	strace s9  }
0x27: {  	s1 =	sld [smem:$0x3FA9]  }
0x28: {  	s2 =	sld [smem:$0x3FAA]  }
0x29: {  	s4 =	sld [smem:$0x3FAC]  }
0x2a: {  	p0 =	seq.s32 s5, $0x0;
	s5 =	sld [smem:$0x3FAD]  }
0x2b: {  	s6 =	sld [smem:$0x3FAE]  }
0x2c: {  	s7 =	sld [smem:$0x3FAF]  }
0x2d: {  	s3 =	simm.s32 $0x108;
	s8 =	sld [smem:$0x3FB0]  }
0x2e: {  	s3 =	simm.s32 @!p0 $0x1082;
	s9 =	sld [smem:$0x3FB1]  }
0x2f: {  	lr =	sadd.s32 s0, s3;
	s0 =	sld [smem:$0x3FA8]  }
0x30: {  	s3 =	sld [smem:$0x3FAB]  }
0x31: {  	[smem:$0x3FB4] =	sst s10  }
0x32: {  	s10 =	sld [smem:$0x3FB2];
	_ =	sdelay $0x3  }
0x33: {  	p0 =	seq.s32 s10, $0x1;
	s10 =	sld [smem:$0x3FB4];
	_ =	sdelay $0x3  }
0x34: {  	[smem:$0x3FB4] =	sst s10  }
0x35: {  	s10 =	sld [smem:$0x3FB3];
	_ =	sdelay $0x3  }
0x36: {  	p1 =	seq.s32 s10, $0x1;
	s10 =	sld [smem:$0x3FB4];
	_ =	sdelay $0x3  }
0x37: {  	[smem:$0x3FB4] =	sst s10  }
0x38: {  	s10 =	sld [smem:$0x3FB5]  }
0x39: {  	_ = 	snop;
	(pc) =	sbr.ind lr, $3  }
0x3a: {  	_ = 	snop  }
0x3b: {  	_ = 	snop  }
0x3c: {  	p2 =	seq.s32 s10, $0x1;
	s10 =	sld [smem:$0x3FB4]  }
0x3d: {  	_ =	shalt  }
0x3e: {  	_ =	shalt  }
0x3f: {  	_ =	shalt  }
0x40: {  	_ =	shalt  }
0x41: {  	_ =	shalt  }
0x42: {  	_ =	shalt  }
0x43: {  	_ =	shalt  }
0x44: {  	_ =	shalt  }
0x45: {  	_ =	shalt  }
0x46: {  	_ =	shalt  }
0x47: {  	_ =	shalt  }
0x48: {  	_ =	shalt  }
0x49: {  	_ =	shalt  }
0x4a: {  	_ =	shalt  }
0x4b: {  	_ =	shalt  }
0x4c: {  	_ =	shalt  }
0x4d: {  	_ =	shalt  }
0x4e: {  	_ =	shalt  }
0x4f: {  	_ =	shalt  }
0x50: {  	_ =	shalt  }
0x51: {  	_ =	shalt  }
0x52: {  	_ =	shalt  }
0x53: {  	_ =	shalt  }
0x54: {  	_ =	shalt  }
0x55: {  	_ =	shalt  }
0x56: {  	_ =	shalt  }
0x57: {  	_ =	shalt  }
0x58: {  	_ =	shalt  }
0x59: {  	_ =	shalt  }
0x5a: {  	_ =	shalt  }
0x5b: {  	_ =	shalt  }
0x5c: {  	_ =	shalt  }
0x5d: {  	_ =	shalt  }
0x5e: {  	_ =	shalt  }
0x5f: {  	_ =	shalt  }
0x60: {  	_ =	shalt  }
0x61: {  	_ =	shalt  }
0x62: {  	_ =	shalt  }
0x63: {  	_ =	shalt  }
0x64: {  	_ =	shalt  }
0x65: {  	_ =	shalt  }
0x66: {  	_ =	shalt  }
0x67: {  	_ =	shalt  }
0x68: {  	_ =	shalt  }
0x69: {  	_ =	shalt  }
0x6a: {  	_ =	shalt  }
0x6b: {  	_ =	shalt  }
0x6c: {  	_ =	shalt  }
0x6d: {  	_ =	shalt  }
0x6e: {  	_ =	shalt  }
0x6f: {  	_ =	shalt  }
0x70: {  	_ =	shalt  }
0x71: {  	_ =	shalt  }
0x72: {  	_ =	shalt  }
0x73: {  	_ =	shalt  }
0x74: {  	_ =	shalt  }
0x75: {  	_ =	shalt  }
0x76: {  	_ =	shalt  }
0x77: {  	_ =	shalt  }
0x78: {  	_ =	shalt  }
0x79: {  	_ =	shalt  }
0x7a: {  	_ =	shalt  }
0x7b: {  	_ =	shalt  }
0x7c: {  	_ =	shalt  }
0x7d: {  	_ =	shalt  }
0x7e: {  	_ =	shalt  }
0x7f: {  	_ =	shalt  }
0x80: {  	_ =	shalt  }
0x81: {  	_ =	shalt  }
0x82: {  	_ =	shalt  }
0x83: {  	_ =	shalt  }
0x84: {  	_ =	shalt  }
0x85: {  	_ =	shalt  }
0x86: {  	_ =	shalt  }
0x87: {  	_ =	shalt  }
.Lfunc_end0:
.L_simem_size_0:
called_computation.3_lowered:
.L_overlay_start_0:
0x88: {  	s2 =	sld [smem:$0x3FD9]  }
0x89: {  	s3 =	sld [smem:$0x3FFE];
	_ =	sdelay $0x1  }
0x8a: {  	s1 =	srdreg.scid  }
0x8b: {  	s0 =	sand.u32 $0x1, s1  }
0x8c: {  	s16 =	sshll.u32 s0, $0xA;
	s2 =	sadd.s32 s3, s2  }
0x8d: {  	s2 =	sadd.s32 s2, s16  }
0x8e: {  	[smem:$0x3FC0] =	sst s2  }
0x8f: {  	_ = 	snop  }
0x90: {  	(tm) =	ssettm $0x1  }
0x91: {  	s17 =	sld [smem:$0x3FFB];
	_ =	sdelay $0x3  }
0x92: {  	_ =	strace s17  }
0x93: {  	s2 =	sld [smem:$0x3FFC];
	_ =	sdelay $0x3  }
0x94: {  	_ =	strace s2  }
0x95: {  	s2 =	sld [smem:$0x3FFD];
	_ =	sdelay $0x3  }
0x96: {  	_ =	strace s2  }
0x97: {  	_ =	strace $0x8FFFFFFF  }
0x98: {  	s18 =	sld [smem:$0x3FDB];
	_ =	sdelay $0x1  }
0x99: {  	s19 =	simm.s32 $_scs_section_size  }
0x9a: {  	s4 =	simm.s32 $_size__tile_overlayer_lowered;
	s5 =	simm.s32 $_tile_overlayer_lowered  }
0x9b: {  	s22 =	simm.s32 $0x1BFF;
	s21 =	sshll.u32 s5, $0x1;
	s2 =	sadd.s32 s19, s18  }
0x9c: {  	s6 =	simm.s32 $0x0;
	s20 =	sshll.u32 s4, $0x1;
	s4 =	sadd.s32 s21, s2  }
0x9d: {  	[timem:s6], [sflag:s22] =	dma.local [hbm:s4], s20  }
0x9e: {  	_ =	swait.ge [sflag:s22], s20  }
0x9f: {  	s3 =	ssub.s32 $0x0, s20;
	[sflag:s22] =	ssyncset.done $0x0  }
0xa0: {  	[sflag:s22] =	ssyncadd.s32 s3;
	_ =	sdelay $0x1  }
0xa1: {  	s23 =	simm.s32 $0x1B8B  }
0xa2: {  	_ =	swait.ge [sflag:s23], $0x1  }
0xa3: {  	[sflag:s23] =	ssyncset.done $0x0  }
0xa4: {  	s25 =	simm.s32 $0x1B8E;
	s24 =	sld [smem:$0x3FFE];
	[sflag:s23] =	ssyncadd.s32 $0xFFFFFFFF  }
0xa5: {  	s26 =	simm.s32 $execute0_lowered;
	[smem:$0x3FD2] =	sst s25  }
0xa6: {  	s4 =	sshll.u32 s26, $0x1;
	_ =	strace $0x8000004F;
	[dreg:$0x1] =	wrdreg $0xFFFFFFFF  }
0xa7: {  	s28 =	simm.s32 $_size_execute0_lowered;
	s2 =	sadd.s32 s2, s4;
	[dreg:$0x0] =	wrdreg $0x0  }
0xa8: {  	s4 =	sshll.u32 s28, $0x1;
	[dreg:$0x2] =	wrdreg s2  }
0xa9: {  	[dreg:$0x3] =	wrdreg s4  }
0xaa: {  	[dreg:$0x4] =	wrdreg $0xC0  }
0xab: {  	_ =	task [dreg:s6], $0x5FFFF  }
0xac: {  	[dreg:$0x1] =	wrdreg $0xFFFFFFFF  }
0xad: {  	[dreg:$0x0] =	wrdreg $0x60  }
0xae: {  	[dreg:$0x2] =	wrdreg s24  }
0xaf: {  	[dreg:$0x3] =	wrdreg $0xD0000  }
0xb0: {  	[dreg:$0x4] =	wrdreg $0x9  }
0xb1: {  	_ =	task.clear_ibuf [dreg:s6], $0x5FFFF;
	_ =	strace $0x9000004F  }
0xb2: {  	s29 =	simm.s32 $0x9;
	_ =	strace $0x80000051  }
0xb3: {  	_ =	swait.ge [sflag:s29], $0x1  }
0xb4: {  	[sflag:s29] =	ssyncadd.s32 $0xFFFFFFFF  }
0xb5: {  	_ =	strace $0x90000051  }
0xb6: {  	_ =	sfence  }
0xb7: {  	s30 =	sld [smem:$0x0];
	_ =	sdelay $0x2  }
0xb8: {  	s31 =	sshll.u32 s1, $0xD;
	s1 =	sshrl.u32 s1, $0x2  }
0xb9: {  	s3 =	sand.u32 $0x4000, s31;
	s1 =	sadd.s32 s1, s30  }
0xba: {  	s0 =	sor.u32 s3, s0;
	s1 =	sshll.u32 s1, $0x11  }
0xbb: {  	s0 =	sor.u32 s1, s0  }
0xbc: {  	s0 =	sadd.s32 $0x8F2B, s0  }
0xbd: {  	[sflag:s0] =	ssyncadd.remote.s32 $0x1  }
0xbe: {  	_ =	sfence.sel $0xFFFF  }
0xbf: {  	[dreg:$0x0] =	wrdreg $0xFFFFFFFF;
	(pc) =	sbr.abs _section_cstart, $3  }
0xc0: {  	[dreg:$0x1] =	wrdreg $0xFFFFFFFF  }
0xc1: {  	_ =	task.clear_ibuf [dreg:s6], $0x2FFFF;
	_ =	strace $0x9FFFFFFF  }
0xc2: {  	(tm) =	ssettm $0x7FFFFFFF  }
0xc3: {  	_ =	shalt  }
tec
execute0_lowered:
.L_overlay_start_1:
0x0: {  	(tag) =	ssettag $0x1  }
0x1: {  	s0 =	srdreg.scid  }
0x2: {  	s12 =	stileid.u32;
	s5 =	rddreg [dreg:$0x0]  }
0x3: {  	s2 =	rddreg [dreg:$0x1];
	s3 =	simm.s32 $0x0;
	s11 =	simm.s32 $0x2800  }
0x4: {  	s14 =	simm.s32 $0x80;
	s15 =	simm.s32 $0x5000;
	s16 =	simm.s32 $0x7000  }
0x5: {  	s17 =	simm.s32 $0x1;
	s19 =	simm.s32 $0x9000;
	s20 =	simm.s32 $0x2  }
0x6: {  	s23 =	simm.s32 $0xB000;
	s24 =	simm.s32 $0x3;
	s29 =	simm.s32 $0x4  }
0x7: {  	s31 =	simm.s32 $0x6;
	s18 =	simm.s32 $0x8;
	s21 =	simm.s32 $0x10  }
0x8: {  	s22 =	simm.s32 $0x0;
	s0 =	sand.u32 $0x1, s0;
	s1 =	sshll.u32 s12, $0x1  }
0x9: {  	[smem:$0x7FF] =	sst s3;
	s7 =	smul.u32 $0x14000, s12;
	s4 =	sadd.s32 $0x17C00, s5  }
0xa: {  	s8 =	smul.u32 $0xA000, s12;
	s30 =	sshll.u32 s12, $0x6;
	s1 =	sor.u32 s0, s1  }
0xb: {  	s6 =	smul.u32 $0x140000, s0;
	_ =	strace $0x80000050;
	s0 =	ssub.s32 $0x2, s0  }
0xc: {  	s12 =	sor.u32 $0x1C09, s30;
	s1 =	smul.u32 $0x500, s1;
	s26 =	sshrl.u32 s8, $0x3  }
0xd: {  	s9 =	sshrl.u32 s0, $0x1;
	s28 =	sadd.s32 s8, s2;
	s6 =	sadd.s32 s7, s6  }
.Ltmp0:
0xe: {  	s7 =	sadd.s32 s26, s5;
	s0 =	ssub.s32 s0, s9;
	(pc) =	sbr.rel .LBB2_1-.Ltmp0, $4  }
0xf: {  	s13 =	sshrl.u32 s28, $0x3;
	s26 =	simm.s32 $0x5;
	s1 =	sadd.s32 s1, s5  }
0x10: {  	s6 =	sshrl.u32 s6, $0x3;
	s7 =	sadd.s32 $0x43000, s7;
	s9 =	smax.u32 s0, $0x1  }
0x11: {  	s0 =	simm.s32 $0x7;
	s10 =	sadd.s32 s6, s5;
	s5 =	sadd.s32 $0x3C00, s1  }
0x12: {  	s6 =	sadd.s32 $0xDC00, s1;
	s8 =	sadd.s32 $0x57000, s10;
	s10 =	simm.s32 $0x9  }
.LBB2_4:
0x13: {  	_ =	swait.ge [sflag:s29], $0x2000  }
0x14: {  	[sflag:s29] =	ssyncset.done $0x0  }
0x15: {  	[sflag:s29] =	ssyncadd.s32 $0xFFFFE000  }
0x16: {  	[spmem:s2] =	stream.indirect.scatter.add.f32 [tilespmem:s23], [sflag:$0x8], $0x40, s30, s14, $0xb8;
	[tilespmem:$0x17000] =	vst v63  }
0x17: {  	_ =	swait.ge [sflag:s26], $0x2000  }
0x18: {  	[sflag:s26] =	ssyncset.done $0x0  }
0x19: {  	[sflag:s26] =	ssyncadd.s32 $0xFFFFE000  }
0x1a: {  	_ =	swait.ge [sflag:s31], $0x2000  }
0x1b: {  	[sflag:s31] =	ssyncset.done $0x0  }
0x1c: {  	[sflag:s31] =	ssyncadd.s32 $0xFFFFE000  }
0x1d: {  	_ =	swait.ge [sflag:s0], $0x2000  }
0x1e: {  	[sflag:s0] =	ssyncset.done $0x0  }
0x1f: {  	[sflag:s0] =	ssyncadd.s32 $0xFFFFE000  }
0x20: {  	_ =	swait.ge [sflag:s18], $0x2000  }
0x21: {  	s22 =	sadd.s32 $0x1, s22;
	[sflag:s18] =	ssyncset.done $0x0  }
0x22: {  	p0 =	sne.s32 s22, s9;
	[sflag:s18] =	ssyncadd.s32 $0xFFFFE000  }
.Ltmp1:
0x23: {  	[bflag:$0x0] =	sbarrier.arrive $0xFFFF;
	(pc) =	sbr.rel @!p0 .LBB2_5-.Ltmp1, $4  }
0x24: {  	[hbm:s8@s21], [sflag:s12] =	dma.strided [spmem:s13@s18], $0x1400, s17, $0x8   }
0x25: {  	_ =	swait.ge [sflag:s10], $0x1400  }
0x26: {  	[sflag:s10] =	ssyncset.done $0x0  }
0x27: {  	[sflag:s10] =	ssyncadd.s32 $0xFFFFEC00  }
.LBB2_1:
0x28: {  	[tilespmem:s3], [sflag:$0x9] =	stream.linear.gather [hbm4b:s5+s3], $0x2800, $0x38;
	[tilespmem:$0x17000] =	vst v63  }
0x29: {  	_ =	swait.ge [sflag:s10], $0x2800  }
0x2a: {  	[sflag:s10] =	ssyncset.done $0x0  }
0x2b: {  	[sflag:s10] =	ssyncadd.s32 $0xFFFFD800  }
0x2c: {  	[tilespmem:s11], [sflag:$0x9] =	stream.linear.gather [hbm4b:s6+s3], $0x2800, $0x38;
	[tilespmem:$0x17000] =	vst v63  }
0x2d: {  	_ =	swait.ge [sflag:s10], $0x2800  }
0x2e: {  	[sflag:s10] =	ssyncset.done $0x0  }
0x2f: {  	[sflag:s10] =	ssyncadd.s32 $0xFFFFD800  }
0x30: {  	[spmem:s13], [sflag:s12] =	dma.local [hbm:s7], $0x1400  }
0x31: {  	_ =	swait.ge [sflag:s10], $0x1400  }
0x32: {  	[sflag:s10] =	ssyncset.done $0x0  }
0x33: {  	[sflag:s10] =	ssyncadd.s32 $0xFFFFEC00  }
0x34: {  	[bflag:$0x0] =	sbarrier.arrive $0xFFFF  }
0x35: {  	[tilespmem:s15], [sflag:$0x1] =	stream.indirect.gather [hbm4b:s4+s14], $0x40, s3, s14, $0xb8;
	[tilespmem:$0x17000] =	vst v63  }
0x36: {  	_ = 	snop  }
0x37: {  	[tilespmem:s16], [sflag:$0x2] =	stream.indirect.gather [hbm4b:s4+s14], $0x40, s14, s14, $0xb8;
	[tilespmem:$0x17000] =	vst v63  }
0x38: {  	_ =	swait.ge [sflag:s17], $0x2000  }
0x39: {  	[sflag:s17] =	ssyncset.done $0x0  }
0x3a: {  	[sflag:s17] =	ssyncadd.s32 $0xFFFFE000  }
0x3b: {  	[spmem:s2] =	stream.indirect.scatter.add.f32 [tilespmem:s15], [sflag:$0x5], $0x40, s11, s14, $0xb8;
	[tilespmem:$0x17000] =	vst v63  }
0x3c: {  	s1 =	simm.s32 $0x100  }
0x3d: {  	[tilespmem:s19], [sflag:$0x3] =	stream.indirect.gather [hbm4b:s4+s14], $0x40, s1, s14, $0xb8;
	[tilespmem:$0x17000] =	vst v63  }
0x3e: {  	_ =	swait.ge [sflag:s20], $0x2000  }
0x3f: {  	[sflag:s20] =	ssyncset.done $0x0  }
0x40: {  	s25 =	simm.s32 $0x2880;
	[sflag:s20] =	ssyncadd.s32 $0xFFFFE000  }
0x41: {  	[spmem:s2] =	stream.indirect.scatter.add.f32 [tilespmem:s16], [sflag:$0x6], $0x40, s25, s14, $0xb8;
	[tilespmem:$0x17000] =	vst v63  }
0x42: {  	s28 =	simm.s32 $0x180  }
0x43: {  	[tilespmem:s23], [sflag:$0x4] =	stream.indirect.gather [hbm4b:s4+s14], $0x40, s28, s14, $0xb8;
	[tilespmem:$0x17000] =	vst v63  }
0x44: {  	_ =	swait.ge [sflag:s24], $0x2000  }
0x45: {  	[sflag:s24] =	ssyncset.done $0x0  }
0x46: {  	s30 =	simm.s32 $0x2900;
	[sflag:s24] =	ssyncadd.s32 $0xFFFFE000  }
0x47: {  	[spmem:s2] =	stream.indirect.scatter.add.f32 [tilespmem:s19], [sflag:$0x7], $0x40, s30, s14, $0xb8;
	[tilespmem:$0x17000] =	vst v63  }
0x48: {  	_ =	swait.ge [sflag:s26], $0x2000  }
0x49: {  	[sflag:s26] =	ssyncset.done $0x0  }
0x4a: {  	s25 =	simm.s32 $0x200;
	[sflag:s26] =	ssyncadd.s32 $0xFFFFE000  }
0x4b: {  	[tilespmem:s15], [sflag:$0x1] =	stream.indirect.gather [hbm4b:s4+s14], $0x40, s25, s14, $0xb8;
	[tilespmem:$0x17000] =	vst v63  }
0x4c: {  	_ =	swait.ge [sflag:s29], $0x2000  }
0x4d: {  	[sflag:s29] =	ssyncset.done $0x0  }
0x4e: {  	s28 =	simm.s32 $0x2980;
	[sflag:s29] =	ssyncadd.s32 $0xFFFFE000  }
0x4f: {  	[spmem:s2] =	stream.indirect.scatter.add.f32 [tilespmem:s23], [sflag:$0x8], $0x40, s28, s14, $0xb8;
	[tilespmem:$0x17000] =	vst v63  }
0x50: {  	_ =	swait.ge [sflag:s31], $0x2000  }
0x51: {  	[sflag:s31] =	ssyncset.done $0x0  }
0x52: {  	s30 =	simm.s32 $0x280;
	s25 =	simm.s32 $0x0;
	[sflag:s31] =	ssyncadd.s32 $0xFFFFE000  }
0x53: {  	[tilespmem:s16], [sflag:$0x2] =	stream.indirect.gather [hbm4b:s4+s14], $0x40, s30, s14, $0xb8;
	[tilespmem:$0x17000] =	vst v63  }
.LBB2_2:
0x54: {  	_ =	swait.ge [sflag:s17], $0x2000  }
0x55: {  	s28 =	sshra.s32 s25, $0x2;
	[sflag:s17] =	ssyncset.done $0x0  }
0x56: {  	s30 =	sadd.s32 $0x2A00, s28;
	[sflag:s17] =	ssyncadd.s32 $0xFFFFE000  }
0x57: {  	[spmem:s2] =	stream.indirect.scatter.add.f32 [tilespmem:s15], [sflag:$0x5], $0x40, s30, s14, $0xb8;
	[tilespmem:$0x17000] =	vst v63  }
0x58: {  	_ =	swait.ge [sflag:s0], $0x2000  }
0x59: {  	[sflag:s0] =	ssyncset.done $0x0  }
0x5a: {  	s30 =	sadd.s32 $0x300, s28;
	[sflag:s0] =	ssyncadd.s32 $0xFFFFE000  }
0x5b: {  	[tilespmem:s19], [sflag:$0x3] =	stream.indirect.gather [hbm4b:s4+s14], $0x40, s30, s14, $0xb8;
	[tilespmem:$0x17000] =	vst v63  }
0x5c: {  	_ =	swait.ge [sflag:s20], $0x2000  }
0x5d: {  	[sflag:s20] =	ssyncset.done $0x0  }
0x5e: {  	s30 =	sadd.s32 $0x2A80, s28;
	[sflag:s20] =	ssyncadd.s32 $0xFFFFE000  }
0x5f: {  	[spmem:s2] =	stream.indirect.scatter.add.f32 [tilespmem:s16], [sflag:$0x6], $0x40, s30, s14, $0xb8;
	[tilespmem:$0x17000] =	vst v63  }
0x60: {  	_ =	swait.ge [sflag:s18], $0x2000  }
0x61: {  	[sflag:s18] =	ssyncset.done $0x0  }
0x62: {  	p0 =	seq.s32 s25, $0x9000;
	s30 =	sadd.s32 $0x380, s28;
	[sflag:s18] =	ssyncadd.s32 $0xFFFFE000  }
0x63: {  	[tilespmem:s23], [sflag:$0x4] =	stream.indirect.gather [hbm4b:s4+s14], $0x40, s30, s14, $0xb8;
	[tilespmem:$0x17000] =	vst v63  }
.Ltmp2:
0x64: {  	_ =	swait.ge [sflag:s24], $0x2000;
	(pc) =	sbr.rel @p0 .LBB2_4-.Ltmp2, $4  }
0x65: {  	[sflag:s24] =	ssyncset.done $0x0  }
0x66: {  	s30 =	sadd.s32 $0x2B00, s28;
	[sflag:s24] =	ssyncadd.s32 $0xFFFFE000  }
0x67: {  	[spmem:s2] =	stream.indirect.scatter.add.f32 [tilespmem:s19], [sflag:$0x7], $0x40, s30, s14, $0xb8;
	[tilespmem:$0x17000] =	vst v63  }
0x68: {  	s30 =	sadd.s32 $0x2B80, s28  }
0x69: {  	_ =	swait.ge [sflag:s26], $0x2000  }
0x6a: {  	[sflag:s26] =	ssyncset.done $0x0  }
0x6b: {  	s1 =	sadd.s32 $0x400, s28;
	[sflag:s26] =	ssyncadd.s32 $0xFFFFE000  }
0x6c: {  	[tilespmem:s15], [sflag:$0x1] =	stream.indirect.gather [hbm4b:s4+s14], $0x40, s1, s14, $0xb8;
	[tilespmem:$0x17000] =	vst v63  }
0x6d: {  	_ =	swait.ge [sflag:s29], $0x2000  }
0x6e: {  	[sflag:s29] =	ssyncset.done $0x0  }
0x6f: {  	[sflag:s29] =	ssyncadd.s32 $0xFFFFE000  }
0x70: {  	[spmem:s2] =	stream.indirect.scatter.add.f32 [tilespmem:s23], [sflag:$0x8], $0x40, s30, s14, $0xb8;
	[tilespmem:$0x17000] =	vst v63  }
.Ltmp3:
0x71: {  	_ = 	snop;
	(pc) =	sbr.rel .LBB2_2-.Ltmp3, $4  }
0x72: {  	_ =	swait.ge [sflag:s31], $0x2000  }
0x73: {  	[sflag:s31] =	ssyncset.done $0x0  }
0x74: {  	s25 =	sadd.s32 $0x800, s25;
	s30 =	sadd.s32 $0x480, s28;
	[sflag:s31] =	ssyncadd.s32 $0xFFFFE000  }
0x75: {  	[tilespmem:s16], [sflag:$0x2] =	stream.indirect.gather [hbm4b:s4+s14], $0x40, s30, s14, $0xb8;
	[tilespmem:$0x17000] =	vst v63  }
.LBB2_5:
0x76: {  	_ =	sfence.sel $0x180000  }
0x77: {  	[bflag:$0x0] =	sbarrier.arrive $0xFFFF  }
0x78: {  	_ =	strace $0x90000050  }
0x79: {  	s0 =	stileid.u32;
	[bflag:$0x2] =	sbarrier.arrive $0xFFFF  }
0x7a: {  	p0 =	sne.s32 s0, $0x0;
	s0 =	rddreg [dreg:$0x2]  }
0x7b: {  	s0 =	sadd.s32 @!p0 $0x100000, s0  }
0x7c: {  	[sflag:s0] =	ssyncadd.tile.s32 @!p0 $0x1;
	_ =	shalt  }
.Lfunc_end2:
_tile_overlayer_lowered:
.L_overlay_start_2:
0x7d: {  	(tag) =	ssettag $0x2  }
0x7e: {  	s0 =	rddreg [dreg:$0x0];
	s2 =	stileid.u32  }
0x7f: {  	s1 =	rddreg [dreg:$0x1];
	p0 =	sne.s32 s2, $0x0  }
0x80: {  	s3 =	rddreg [dreg:$0x2];
	[bflag:$0x3] =	sbarrier.arrive $0xFFFF;
	s2 =	simm.s32 @!p0 $0x1C09  }
0x81: {  	[timem:s3], [sflag:s2] =	dma.local @!p0 [hbm:s0], s1  }
0x82: {  	s0 =	simm.s32 @!p0 $0x9  }
0x83: {  	_ =	swait.ge @!p0 [sflag:s0], s1  }
0x84: {  	s1 =	ssub.s32 @!p0 $0x0, s1;
	[sflag:s0] =	ssyncset.done @!p0 $0x0  }
0x85: {  	[sflag:s0] =	ssyncadd.s32 @!p0 s1  }
0x86: {  	[bflag:$0x3] =	sbarrier.arrive $0xFFFF  }
0x87: {  	_ =	shalt  }

</sc_bundles>
